<compile_context>
chip_gen: v7x
topology: tpu7x:2x2x1
jax: 0.10.2.dev20260603
libtpu: 0.0.44.dev20260713+nightly
codegen_flags: <defaults>
</compile_context>

<pallas_src>
import functools

import jax
import jax.numpy as jnp
from jax import lax
from jax.experimental import pallas as pl
from jax.experimental.pallas import tpu as pltpu
from jax.experimental.pallas import tpu_sc as plsc


def _build(B, L, D):
    info = plsc.get_sparse_core_info()
    NC, NS = info.num_cores, info.num_subcores
    NW = NC * NS
    BW = B // NW
    LH = L // 8
    DH = 2 * D // 8
    NBUF = 4

    mesh = plsc.VectorSubcoreMesh(core_axis_name="c", subcore_axis_name="s")

    @functools.partial(
        pl.kernel,
        out_type=jax.ShapeDtypeStruct((L, DH, NW, 8, BW), jnp.float32),
        mesh=mesh,
        scratch_types=[
            pltpu.VMEM((LH, 8, BW), jnp.int32),
            pltpu.VMEM((LH, 8, BW), jnp.int32),
            pltpu.VMEM((NBUF * BW, D), jnp.float32),
            pltpu.VMEM((NBUF * BW, D), jnp.float32),
            pltpu.VMEM((2, DH, 8, BW), jnp.float32),
            pltpu.SemaphoreType.DMA((NBUF,)),
            pltpu.SemaphoreType.DMA((2,)),
        ],
        compiler_params=pltpu.CompilerParams(use_tc_tiling_on_sc=False,
                                             needs_layout_passes=False),
    )
    def emb(pq_hbm, nq_hbm, tpos_hbm, tner_hbm, q_hbm,
            idx_p, idx_n, bufp, bufn, qblk, gsem, wsem):
        wid = lax.axis_index("s") * NC + lax.axis_index("c")

        pltpu.sync_copy(pq_hbm.at[:, wid], idx_p)
        pltpu.sync_copy(nq_hbm.at[:, wid], idx_n)

        def fire_gathers(l, sb):
            lh = l // 8
            ll = l % 8
            pltpu.async_copy(tpos_hbm.at[idx_p.at[lh, ll]],
                             bufp.at[pl.ds(sb * BW, BW)], gsem.at[sb])
            pltpu.async_copy(tner_hbm.at[idx_n.at[lh, ll]],
                             bufn.at[pl.ds(sb * BW, BW)], gsem.at[sb])

        def drain_gathers(sb):
            pltpu.make_async_copy(tpos_hbm.at[idx_p.at[0, 0]],
                                  bufp.at[pl.ds(sb * BW, BW)], gsem.at[sb]).wait()
            pltpu.make_async_copy(tner_hbm.at[idx_n.at[0, 0]],
                                  bufn.at[pl.ds(sb * BW, BW)], gsem.at[sb]).wait()

        def fire_write(l, qb):
            pltpu.async_copy(qblk.at[qb], q_hbm.at[l, :, wid], wsem.at[qb])

        def drain_write(qb):
            pltpu.make_async_copy(qblk.at[qb], q_hbm.at[0, :, wid],
                                  wsem.at[qb]).wait()

        iota = lax.iota(jnp.int32, 16)

        def transpose_block(sb, qb):
            qbv = jnp.zeros((16,), jnp.int32) + qb

            def half_loop(half, src):
                def body(r, carry):
                    cvec = lax.rem(r + iota, D)
                    i_dh = half * (D // 8) + cvec // 8
                    i_dl = lax.rem(cvec, 8)
                    vs = []
                    for k in range(BW // 16):
                        rows = sb * BW + k * 16 + iota
                        vs.append(plsc.load_gather(src, [rows, cvec]))
                    for k in range(BW // 16):
                        plsc.store_scatter(
                            qblk, [qbv, i_dh, i_dl, k * 16 + iota], vs[k])
                    return carry
                pl.loop(0, D)(lambda r: body(r, None))

            half_loop(0, bufp)
            half_loop(1, bufn)

        for s in range(NBUF):
            fire_gathers(s, s)

        def round_(rr, carry):
            for sb in range(NBUF):
                l = rr * NBUF + sb
                qb = sb % 2
                drain_gathers(sb)
                @pl.when(l >= 2)
                def _():
                    drain_write(qb)
                transpose_block(sb, qb)
                fire_write(l, qb)
                @pl.when(l + NBUF < L)
                def _():
                    fire_gathers(l + NBUF, sb)
            return carry

        pl.loop(0, L // NBUF)(lambda rr: round_(rr, None))
        drain_write(0)
        drain_write(1)

    return emb


@jax.jit
def kernel(pos_ids, ner_ids, table_pos, table_ner):
    B, L = pos_ids.shape
    V, D = table_pos.shape
    NW = 32
    BW = B // NW
    LH = L // 8
    pq = pos_ids.reshape(NW, BW, LH, 8).transpose(2, 0, 3, 1)
    nq = ner_ids.reshape(NW, BW, LH, 8).transpose(2, 0, 3, 1)
    q = _build(B, L, D)(pq, nq, table_pos, table_ner)
    return q.transpose(2, 4, 0, 1, 3).reshape(B, L, 2 * D)

# --- scband reference (transcript-rebuilt; emitter-appended) ---
"""Pipeline reference for scband-embedder-47459388621623 (READ-ONLY COPY).

The authoritative reference and input builder live on the scoring server;
editing this copy changes nothing except your own understanding.
"""

import jax, jax.numpy as jnp
import numpy as np

B, L = 4096, 200
VOCAB, DIM = 100000, 32

def setup_inputs(seed: int = 0) -> dict:
    key = jax.random.key(seed)
    k1, k2, k3, k4 = jax.random.split(key, 4)
    pos_ids = jax.random.randint(k1, (B, L), 0, VOCAB)
    ner_ids = jax.random.randint(k2, (B, L), 0, VOCAB)
    table_pos = jax.random.normal(k3, (VOCAB, DIM), dtype=jnp.float32) * 0.02
    table_ner = jax.random.normal(k4, (VOCAB, DIM), dtype=jnp.float32) * 0.02
    return {"pos_ids": pos_ids, "ner_ids": ner_ids,
            "table_pos": table_pos, "table_ner": table_ner}

def reference(pos_ids, ner_ids, table_pos, table_ner):
    # Embedder.forward in eval mode: per-tag embedding lookup, dropout is
    # identity at inference (training=False), then concatenate along dim=-1.
    pos_emb = jnp.take(table_pos, pos_ids, axis=0)   # [B, L, DIM]
    ner_emb = jnp.take(table_ner, ner_ids, axis=0)   # [B, L, DIM]
    emb = jnp.concatenate([pos_emb, ner_emb], axis=-1)  # [B, L, 2*DIM]
    return emb

if __name__ == "__main__":
    import jax
    _d = setup_inputs()
    print(jax.jit(kernel)(*tuple(_d.values())))

</pallas_src>

<mosaic_0001>
#map = affine_map<(d0, d1) -> (0, 0, 0, 0)>
#map1 = affine_map<(d0, d1) -> (0, 0)>
#map2 = affine_map<(d0, d1) -> (0, 0, 0, 0, 0)>
module attributes {stable_mosaic.version = 14 : i64} {
  func.func @emb(%arg0: i32, %arg1: i32, %arg2: memref<25x32x8x128xi32, #tpu.memory_space<hbm>>, %arg3: memref<25x32x8x128xi32, #tpu.memory_space<hbm>>, %arg4: memref<100000x32xf32, #tpu.memory_space<hbm>>, %arg5: memref<100000x32xf32, #tpu.memory_space<hbm>>, %arg6: memref<200x8x32x8x128xf32, #tpu.memory_space<hbm>>, %arg7: memref<25x8x128xi32, #tpu.memory_space<vmem>>, %arg8: memref<25x8x128xi32, #tpu.memory_space<vmem>>, %arg9: memref<512x32xf32, #tpu.memory_space<vmem>>, %arg10: memref<512x32xf32, #tpu.memory_space<vmem>>, %arg11: memref<2x8x8x128xf32, #tpu.memory_space<vmem>>, %arg12: memref<4x!tpu.dma_semaphore, #tpu.memory_space<semaphore_mem>>, %arg13: memref<2x!tpu.dma_semaphore, #tpu.memory_space<semaphore_mem>>) attributes {dimension_semantics = [#tpu.dimension_semantics<core_parallel>, #tpu.dimension_semantics<subcore_parallel>], iteration_bounds = array<i64: 2, 16>, scalar_prefetch = 0 : i64, scratch_operands = 7 : i64, tpu.core_type = #tpu.core_type<sc_vector_subcore>, window_params = [{transform_indices = #map}, {transform_indices = #map}, {transform_indices = #map1}, {transform_indices = #map1}, {transform_indices = #map2}]} {
    %mul3A = arith.constant 2 : i32
    %mul3A_0 = arith.muli %arg1, %mul3A : i32
    %add3A = arith.addi %mul3A_0, %arg0 : i32
    "tpu.region"() ({
      %run_scoped3A = tpu.sem_alloc : memref<!tpu.dma_semaphore, #tpu.memory_space<semaphore_mem>>
      %dma_start3A_165 = arith.constant 0 : i32
      %dma_start3A_166 = arith.constant 0 : i32
      %dma_start3A_167 = arith.constant 0 : i32
      %dma_start3A_168 = tpu.memref_slice %arg2[%dma_start3A_165, %add3A, %dma_start3A_166, %dma_start3A_167] : memref<25x32x8x128xi32, #tpu.memory_space<hbm>> -> memref<25x1x8x128xi32, #tpu.memory_space<hbm>>
      %dma_start3A_169 = tpu.memref_squeeze %dma_start3A_168 : memref<25x1x8x128xi32, #tpu.memory_space<hbm>> -> memref<25x8x128xi32, #tpu.memory_space<hbm>>
      %dma_start3A_170 = arith.constant 0 : i32
      %dma_start3A_171 = arith.constant 0 : i32
      %dma_start3A_172 = arith.constant 0 : i32
      %dma_start3A_173 = tpu.memref_slice %arg2[%dma_start3A_170, %add3A, %dma_start3A_171, %dma_start3A_172] : memref<25x32x8x128xi32, #tpu.memory_space<hbm>> -> memref<25x1x8x128xi32, #tpu.memory_space<hbm>>
      %dma_start3A_174 = tpu.memref_squeeze %dma_start3A_173 : memref<25x1x8x128xi32, #tpu.memory_space<hbm>> -> memref<25x8x128xi32, #tpu.memory_space<hbm>>
      tpu.enqueue_dma source(%dma_start3A_174 : memref<25x8x128xi32, #tpu.memory_space<hbm>>) target(%arg7 : memref<25x8x128xi32, #tpu.memory_space<vmem>>) target_semaphore(%run_scoped3A : memref<!tpu.dma_semaphore, #tpu.memory_space<semaphore_mem>>)
      %dma_wait3A_175 = arith.constant 0 : i32
      %dma_wait3A_176 = arith.constant 0 : i32
      %dma_wait3A_177 = arith.constant 0 : i32
      %dma_wait3A_178 = tpu.memref_slice %arg2[%dma_wait3A_175, %add3A, %dma_wait3A_176, %dma_wait3A_177] : memref<25x32x8x128xi32, #tpu.memory_space<hbm>> -> memref<25x1x8x128xi32, #tpu.memory_space<hbm>>
      %dma_wait3A_179 = tpu.memref_squeeze %dma_wait3A_178 : memref<25x1x8x128xi32, #tpu.memory_space<hbm>> -> memref<25x8x128xi32, #tpu.memory_space<hbm>>
      %dma_wait3A_180 = arith.constant 0 : i32
      %dma_wait3A_181 = arith.constant 0 : i32
      %dma_wait3A_182 = arith.constant 0 : i32
      %dma_wait3A_183 = tpu.memref_slice %arg2[%dma_wait3A_180, %add3A, %dma_wait3A_181, %dma_wait3A_182] : memref<25x32x8x128xi32, #tpu.memory_space<hbm>> -> memref<25x1x8x128xi32, #tpu.memory_space<hbm>>
      %dma_wait3A_184 = tpu.memref_squeeze %dma_wait3A_183 : memref<25x1x8x128xi32, #tpu.memory_space<hbm>> -> memref<25x8x128xi32, #tpu.memory_space<hbm>>
      tpu.wait_dma2 semaphore(%run_scoped3A : memref<!tpu.dma_semaphore, #tpu.memory_space<semaphore_mem>>) src(%dma_wait3A_184 : memref<25x8x128xi32, #tpu.memory_space<hbm>>) dst(%arg7 : memref<25x8x128xi32, #tpu.memory_space<vmem>>)
      tpu.yield
    }) : () -> ()
    "tpu.region"() ({
      %run_scoped3A = tpu.sem_alloc : memref<!tpu.dma_semaphore, #tpu.memory_space<semaphore_mem>>
      %dma_start3A_165 = arith.constant 0 : i32
      %dma_start3A_166 = arith.constant 0 : i32
      %dma_start3A_167 = arith.constant 0 : i32
      %dma_start3A_168 = tpu.memref_slice %arg3[%dma_start3A_165, %add3A, %dma_start3A_166, %dma_start3A_167] : memref<25x32x8x128xi32, #tpu.memory_space<hbm>> -> memref<25x1x8x128xi32, #tpu.memory_space<hbm>>
      %dma_start3A_169 = tpu.memref_squeeze %dma_start3A_168 : memref<25x1x8x128xi32, #tpu.memory_space<hbm>> -> memref<25x8x128xi32, #tpu.memory_space<hbm>>
      %dma_start3A_170 = arith.constant 0 : i32
      %dma_start3A_171 = arith.constant 0 : i32
      %dma_start3A_172 = arith.constant 0 : i32
      %dma_start3A_173 = tpu.memref_slice %arg3[%dma_start3A_170, %add3A, %dma_start3A_171, %dma_start3A_172] : memref<25x32x8x128xi32, #tpu.memory_space<hbm>> -> memref<25x1x8x128xi32, #tpu.memory_space<hbm>>
      %dma_start3A_174 = tpu.memref_squeeze %dma_start3A_173 : memref<25x1x8x128xi32, #tpu.memory_space<hbm>> -> memref<25x8x128xi32, #tpu.memory_space<hbm>>
      tpu.enqueue_dma source(%dma_start3A_174 : memref<25x8x128xi32, #tpu.memory_space<hbm>>) target(%arg8 : memref<25x8x128xi32, #tpu.memory_space<vmem>>) target_semaphore(%run_scoped3A : memref<!tpu.dma_semaphore, #tpu.memory_space<semaphore_mem>>)
      %dma_wait3A_175 = arith.constant 0 : i32
      %dma_wait3A_176 = arith.constant 0 : i32
      %dma_wait3A_177 = arith.constant 0 : i32
      %dma_wait3A_178 = tpu.memref_slice %arg3[%dma_wait3A_175, %add3A, %dma_wait3A_176, %dma_wait3A_177] : memref<25x32x8x128xi32, #tpu.memory_space<hbm>> -> memref<25x1x8x128xi32, #tpu.memory_space<hbm>>
      %dma_wait3A_179 = tpu.memref_squeeze %dma_wait3A_178 : memref<25x1x8x128xi32, #tpu.memory_space<hbm>> -> memref<25x8x128xi32, #tpu.memory_space<hbm>>
      %dma_wait3A_180 = arith.constant 0 : i32
      %dma_wait3A_181 = arith.constant 0 : i32
      %dma_wait3A_182 = arith.constant 0 : i32
      %dma_wait3A_183 = tpu.memref_slice %arg3[%dma_wait3A_180, %add3A, %dma_wait3A_181, %dma_wait3A_182] : memref<25x32x8x128xi32, #tpu.memory_space<hbm>> -> memref<25x1x8x128xi32, #tpu.memory_space<hbm>>
      %dma_wait3A_184 = tpu.memref_squeeze %dma_wait3A_183 : memref<25x1x8x128xi32, #tpu.memory_space<hbm>> -> memref<25x8x128xi32, #tpu.memory_space<hbm>>
      tpu.wait_dma2 semaphore(%run_scoped3A : memref<!tpu.dma_semaphore, #tpu.memory_space<semaphore_mem>>) src(%dma_wait3A_184 : memref<25x8x128xi32, #tpu.memory_space<hbm>>) dst(%arg8 : memref<25x8x128xi32, #tpu.memory_space<vmem>>)
      tpu.yield
    }) : () -> ()
    %iota3A = tpu.iota {dimensions = array<i32: 0>} : vector<16xi32>
    %dma_start3A = arith.constant 0 : i32
    %dma_start3A_1 = arith.constant 0 : i32
    %dma_start3A_2 = arith.constant 0 : i32
    %dma_start3A_3 = arith.constant 0 : i32
    %dma_start3A_4 = arith.constant 0 : i32
    %dma_start3A_5 = tpu.memref_slice %arg9[%dma_start3A_3, %dma_start3A_4] : memref<512x32xf32, #tpu.memory_space<vmem>> -> memref<128x32xf32, #tpu.memory_space<vmem>>
    %dma_start3A_6 = arith.constant 0 : i32
    %dma_start3A_7 = tpu.memref_slice %arg7[%dma_start3A, %dma_start3A_1, %dma_start3A_6] : memref<25x8x128xi32, #tpu.memory_space<vmem>> -> memref<1x1x128xi32, #tpu.memory_space<vmem>>
    %dma_start3A_8 = tpu.memref_squeeze %dma_start3A_7 : memref<1x1x128xi32, #tpu.memory_space<vmem>> -> memref<128xi32, #tpu.memory_space<vmem>>
    %dma_start3A_9 = arith.constant 0 : i32
    %dma_start3A_10 = arith.constant 0 : i32
    %dma_start3A_11 = tpu.memref_slice %arg4[%dma_start3A_9, %dma_start3A_10] : memref<100000x32xf32, #tpu.memory_space<hbm>> -> memref<100000x32xf32, #tpu.memory_space<hbm>>
    %dma_start3A_12 = tpu.memref_slice %arg12[%dma_start3A_2] : memref<4x!tpu.dma_semaphore, #tpu.memory_space<semaphore_mem>> -> memref<1x!tpu.dma_semaphore, #tpu.memory_space<semaphore_mem>>
    %dma_start3A_13 = tpu.memref_squeeze %dma_start3A_12 : memref<1x!tpu.dma_semaphore, #tpu.memory_space<semaphore_mem>> -> memref<!tpu.dma_semaphore, #tpu.memory_space<semaphore_mem>>
    tpu.enqueue_indirect_dma source(%dma_start3A_11 : memref<100000x32xf32, #tpu.memory_space<hbm>>) target(%dma_start3A_5 : memref<128x32xf32, #tpu.memory_space<vmem>>) offsets(%dma_start3A_8 : memref<128xi32, #tpu.memory_space<vmem>>) semaphore(%dma_start3A_13 : memref<!tpu.dma_semaphore, #tpu.memory_space<semaphore_mem>>)
    %dma_start3A_14 = arith.constant 0 : i32
    %dma_start3A_15 = arith.constant 0 : i32
    %dma_start3A_16 = arith.constant 0 : i32
    %dma_start3A_17 = arith.constant 0 : i32
    %dma_start3A_18 = arith.constant 0 : i32
    %dma_start3A_19 = tpu.memref_slice %arg10[%dma_start3A_17, %dma_start3A_18] : memref<512x32xf32, #tpu.memory_space<vmem>> -> memref<128x32xf32, #tpu.memory_space<vmem>>
    %dma_start3A_20 = arith.constant 0 : i32
    %dma_start3A_21 = tpu.memref_slice %arg8[%dma_start3A_14, %dma_start3A_15, %dma_start3A_20] : memref<25x8x128xi32, #tpu.memory_space<vmem>> -> memref<1x1x128xi32, #tpu.memory_space<vmem>>
    %dma_start3A_22 = tpu.memref_squeeze %dma_start3A_21 : memref<1x1x128xi32, #tpu.memory_space<vmem>> -> memref<128xi32, #tpu.memory_space<vmem>>
    %dma_start3A_23 = arith.constant 0 : i32
    %dma_start3A_24 = arith.constant 0 : i32
    %dma_start3A_25 = tpu.memref_slice %arg5[%dma_start3A_23, %dma_start3A_24] : memref<100000x32xf32, #tpu.memory_space<hbm>> -> memref<100000x32xf32, #tpu.memory_space<hbm>>
    %dma_start3A_26 = tpu.memref_slice %arg12[%dma_start3A_16] : memref<4x!tpu.dma_semaphore, #tpu.memory_space<semaphore_mem>> -> memref<1x!tpu.dma_semaphore, #tpu.memory_space<semaphore_mem>>
    %dma_start3A_27 = tpu.memref_squeeze %dma_start3A_26 : memref<1x!tpu.dma_semaphore, #tpu.memory_space<semaphore_mem>> -> memref<!tpu.dma_semaphore, #tpu.memory_space<semaphore_mem>>
    tpu.enqueue_indirect_dma source(%dma_start3A_25 : memref<100000x32xf32, #tpu.memory_space<hbm>>) target(%dma_start3A_19 : memref<128x32xf32, #tpu.memory_space<vmem>>) offsets(%dma_start3A_22 : memref<128xi32, #tpu.memory_space<vmem>>) semaphore(%dma_start3A_27 : memref<!tpu.dma_semaphore, #tpu.memory_space<semaphore_mem>>)
    %dma_start3A_28 = arith.constant 0 : i32
    %dma_start3A_29 = arith.constant 1 : i32
    %dma_start3A_30 = arith.constant 1 : i32
    %dma_start3A_31 = arith.constant 128 : i32
    %dma_start3A_32 = arith.constant 0 : i32
    %dma_start3A_33 = tpu.memref_slice %arg9[%dma_start3A_31, %dma_start3A_32] : memref<512x32xf32, #tpu.memory_space<vmem>> -> memref<128x32xf32, #tpu.memory_space<vmem>>
    %dma_start3A_34 = arith.constant 0 : i32
    %dma_start3A_35 = tpu.memref_slice %arg7[%dma_start3A_28, %dma_start3A_29, %dma_start3A_34] : memref<25x8x128xi32, #tpu.memory_space<vmem>> -> memref<1x1x128xi32, #tpu.memory_space<vmem>>
    %dma_start3A_36 = tpu.memref_squeeze %dma_start3A_35 : memref<1x1x128xi32, #tpu.memory_space<vmem>> -> memref<128xi32, #tpu.memory_space<vmem>>
    %dma_start3A_37 = arith.constant 0 : i32
    %dma_start3A_38 = arith.constant 0 : i32
    %dma_start3A_39 = tpu.memref_slice %arg4[%dma_start3A_37, %dma_start3A_38] : memref<100000x32xf32, #tpu.memory_space<hbm>> -> memref<100000x32xf32, #tpu.memory_space<hbm>>
    %dma_start3A_40 = tpu.memref_slice %arg12[%dma_start3A_30] : memref<4x!tpu.dma_semaphore, #tpu.memory_space<semaphore_mem>> -> memref<1x!tpu.dma_semaphore, #tpu.memory_space<semaphore_mem>>
    %dma_start3A_41 = tpu.memref_squeeze %dma_start3A_40 : memref<1x!tpu.dma_semaphore, #tpu.memory_space<semaphore_mem>> -> memref<!tpu.dma_semaphore, #tpu.memory_space<semaphore_mem>>
    tpu.enqueue_indirect_dma source(%dma_start3A_39 : memref<100000x32xf32, #tpu.memory_space<hbm>>) target(%dma_start3A_33 : memref<128x32xf32, #tpu.memory_space<vmem>>) offsets(%dma_start3A_36 : memref<128xi32, #tpu.memory_space<vmem>>) semaphore(%dma_start3A_41 : memref<!tpu.dma_semaphore, #tpu.memory_space<semaphore_mem>>)
    %dma_start3A_42 = arith.constant 0 : i32
    %dma_start3A_43 = arith.constant 1 : i32
    %dma_start3A_44 = arith.constant 1 : i32
    %dma_start3A_45 = arith.constant 128 : i32
    %dma_start3A_46 = arith.constant 0 : i32
    %dma_start3A_47 = tpu.memref_slice %arg10[%dma_start3A_45, %dma_start3A_46] : memref<512x32xf32, #tpu.memory_space<vmem>> -> memref<128x32xf32, #tpu.memory_space<vmem>>
    %dma_start3A_48 = arith.constant 0 : i32
    %dma_start3A_49 = tpu.memref_slice %arg8[%dma_start3A_42, %dma_start3A_43, %dma_start3A_48] : memref<25x8x128xi32, #tpu.memory_space<vmem>> -> memref<1x1x128xi32, #tpu.memory_space<vmem>>
    %dma_start3A_50 = tpu.memref_squeeze %dma_start3A_49 : memref<1x1x128xi32, #tpu.memory_space<vmem>> -> memref<128xi32, #tpu.memory_space<vmem>>
    %dma_start3A_51 = arith.constant 0 : i32
    %dma_start3A_52 = arith.constant 0 : i32
    %dma_start3A_53 = tpu.memref_slice %arg5[%dma_start3A_51, %dma_start3A_52] : memref<100000x32xf32, #tpu.memory_space<hbm>> -> memref<100000x32xf32, #tpu.memory_space<hbm>>
    %dma_start3A_54 = tpu.memref_slice %arg12[%dma_start3A_44] : memref<4x!tpu.dma_semaphore, #tpu.memory_space<semaphore_mem>> -> memref<1x!tpu.dma_semaphore, #tpu.memory_space<semaphore_mem>>
    %dma_start3A_55 = tpu.memref_squeeze %dma_start3A_54 : memref<1x!tpu.dma_semaphore, #tpu.memory_space<semaphore_mem>> -> memref<!tpu.dma_semaphore, #tpu.memory_space<semaphore_mem>>
    tpu.enqueue_indirect_dma source(%dma_start3A_53 : memref<100000x32xf32, #tpu.memory_space<hbm>>) target(%dma_start3A_47 : memref<128x32xf32, #tpu.memory_space<vmem>>) offsets(%dma_start3A_50 : memref<128xi32, #tpu.memory_space<vmem>>) semaphore(%dma_start3A_55 : memref<!tpu.dma_semaphore, #tpu.memory_space<semaphore_mem>>)
    %dma_start3A_56 = arith.constant 0 : i32
    %dma_start3A_57 = arith.constant 2 : i32
    %dma_start3A_58 = arith.constant 2 : i32
    %dma_start3A_59 = arith.constant 256 : i32
    %dma_start3A_60 = arith.constant 0 : i32
    %dma_start3A_61 = tpu.memref_slice %arg9[%dma_start3A_59, %dma_start3A_60] : memref<512x32xf32, #tpu.memory_space<vmem>> -> memref<128x32xf32, #tpu.memory_space<vmem>>
    %dma_start3A_62 = arith.constant 0 : i32
    %dma_start3A_63 = tpu.memref_slice %arg7[%dma_start3A_56, %dma_start3A_57, %dma_start3A_62] : memref<25x8x128xi32, #tpu.memory_space<vmem>> -> memref<1x1x128xi32, #tpu.memory_space<vmem>>
    %dma_start3A_64 = tpu.memref_squeeze %dma_start3A_63 : memref<1x1x128xi32, #tpu.memory_space<vmem>> -> memref<128xi32, #tpu.memory_space<vmem>>
    %dma_start3A_65 = arith.constant 0 : i32
    %dma_start3A_66 = arith.constant 0 : i32
    %dma_start3A_67 = tpu.memref_slice %arg4[%dma_start3A_65, %dma_start3A_66] : memref<100000x32xf32, #tpu.memory_space<hbm>> -> memref<100000x32xf32, #tpu.memory_space<hbm>>
    %dma_start3A_68 = tpu.memref_slice %arg12[%dma_start3A_58] : memref<4x!tpu.dma_semaphore, #tpu.memory_space<semaphore_mem>> -> memref<1x!tpu.dma_semaphore, #tpu.memory_space<semaphore_mem>>
    %dma_start3A_69 = tpu.memref_squeeze %dma_start3A_68 : memref<1x!tpu.dma_semaphore, #tpu.memory_space<semaphore_mem>> -> memref<!tpu.dma_semaphore, #tpu.memory_space<semaphore_mem>>
    tpu.enqueue_indirect_dma source(%dma_start3A_67 : memref<100000x32xf32, #tpu.memory_space<hbm>>) target(%dma_start3A_61 : memref<128x32xf32, #tpu.memory_space<vmem>>) offsets(%dma_start3A_64 : memref<128xi32, #tpu.memory_space<vmem>>) semaphore(%dma_start3A_69 : memref<!tpu.dma_semaphore, #tpu.memory_space<semaphore_mem>>)
    %dma_start3A_70 = arith.constant 0 : i32
    %dma_start3A_71 = arith.constant 2 : i32
    %dma_start3A_72 = arith.constant 2 : i32
    %dma_start3A_73 = arith.constant 256 : i32
    %dma_start3A_74 = arith.constant 0 : i32
    %dma_start3A_75 = tpu.memref_slice %arg10[%dma_start3A_73, %dma_start3A_74] : memref<512x32xf32, #tpu.memory_space<vmem>> -> memref<128x32xf32, #tpu.memory_space<vmem>>
    %dma_start3A_76 = arith.constant 0 : i32
    %dma_start3A_77 = tpu.memref_slice %arg8[%dma_start3A_70, %dma_start3A_71, %dma_start3A_76] : memref<25x8x128xi32, #tpu.memory_space<vmem>> -> memref<1x1x128xi32, #tpu.memory_space<vmem>>
    %dma_start3A_78 = tpu.memref_squeeze %dma_start3A_77 : memref<1x1x128xi32, #tpu.memory_space<vmem>> -> memref<128xi32, #tpu.memory_space<vmem>>
    %dma_start3A_79 = arith.constant 0 : i32
    %dma_start3A_80 = arith.constant 0 : i32
    %dma_start3A_81 = tpu.memref_slice %arg5[%dma_start3A_79, %dma_start3A_80] : memref<100000x32xf32, #tpu.memory_space<hbm>> -> memref<100000x32xf32, #tpu.memory_space<hbm>>
    %dma_start3A_82 = tpu.memref_slice %arg12[%dma_start3A_72] : memref<4x!tpu.dma_semaphore, #tpu.memory_space<semaphore_mem>> -> memref<1x!tpu.dma_semaphore, #tpu.memory_space<semaphore_mem>>
    %dma_start3A_83 = tpu.memref_squeeze %dma_start3A_82 : memref<1x!tpu.dma_semaphore, #tpu.memory_space<semaphore_mem>> -> memref<!tpu.dma_semaphore, #tpu.memory_space<semaphore_mem>>
    tpu.enqueue_indirect_dma source(%dma_start3A_81 : memref<100000x32xf32, #tpu.memory_space<hbm>>) target(%dma_start3A_75 : memref<128x32xf32, #tpu.memory_space<vmem>>) offsets(%dma_start3A_78 : memref<128xi32, #tpu.memory_space<vmem>>) semaphore(%dma_start3A_83 : memref<!tpu.dma_semaphore, #tpu.memory_space<semaphore_mem>>)
    %dma_start3A_84 = arith.constant 0 : i32
    %dma_start3A_85 = arith.constant 3 : i32
    %dma_start3A_86 = arith.constant 3 : i32
    %dma_start3A_87 = arith.constant 384 : i32
    %dma_start3A_88 = arith.constant 0 : i32
    %dma_start3A_89 = tpu.memref_slice %arg9[%dma_start3A_87, %dma_start3A_88] : memref<512x32xf32, #tpu.memory_space<vmem>> -> memref<128x32xf32, #tpu.memory_space<vmem>>
    %dma_start3A_90 = arith.constant 0 : i32
    %dma_start3A_91 = tpu.memref_slice %arg7[%dma_start3A_84, %dma_start3A_85, %dma_start3A_90] : memref<25x8x128xi32, #tpu.memory_space<vmem>> -> memref<1x1x128xi32, #tpu.memory_space<vmem>>
    %dma_start3A_92 = tpu.memref_squeeze %dma_start3A_91 : memref<1x1x128xi32, #tpu.memory_space<vmem>> -> memref<128xi32, #tpu.memory_space<vmem>>
    %dma_start3A_93 = arith.constant 0 : i32
    %dma_start3A_94 = arith.constant 0 : i32
    %dma_start3A_95 = tpu.memref_slice %arg4[%dma_start3A_93, %dma_start3A_94] : memref<100000x32xf32, #tpu.memory_space<hbm>> -> memref<100000x32xf32, #tpu.memory_space<hbm>>
    %dma_start3A_96 = tpu.memref_slice %arg12[%dma_start3A_86] : memref<4x!tpu.dma_semaphore, #tpu.memory_space<semaphore_mem>> -> memref<1x!tpu.dma_semaphore, #tpu.memory_space<semaphore_mem>>
    %dma_start3A_97 = tpu.memref_squeeze %dma_start3A_96 : memref<1x!tpu.dma_semaphore, #tpu.memory_space<semaphore_mem>> -> memref<!tpu.dma_semaphore, #tpu.memory_space<semaphore_mem>>
    tpu.enqueue_indirect_dma source(%dma_start3A_95 : memref<100000x32xf32, #tpu.memory_space<hbm>>) target(%dma_start3A_89 : memref<128x32xf32, #tpu.memory_space<vmem>>) offsets(%dma_start3A_92 : memref<128xi32, #tpu.memory_space<vmem>>) semaphore(%dma_start3A_97 : memref<!tpu.dma_semaphore, #tpu.memory_space<semaphore_mem>>)
    %dma_start3A_98 = arith.constant 0 : i32
    %dma_start3A_99 = arith.constant 3 : i32
    %dma_start3A_100 = arith.constant 3 : i32
    %dma_start3A_101 = arith.constant 384 : i32
    %dma_start3A_102 = arith.constant 0 : i32
    %dma_start3A_103 = tpu.memref_slice %arg10[%dma_start3A_101, %dma_start3A_102] : memref<512x32xf32, #tpu.memory_space<vmem>> -> memref<128x32xf32, #tpu.memory_space<vmem>>
    %dma_start3A_104 = arith.constant 0 : i32
    %dma_start3A_105 = tpu.memref_slice %arg8[%dma_start3A_98, %dma_start3A_99, %dma_start3A_104] : memref<25x8x128xi32, #tpu.memory_space<vmem>> -> memref<1x1x128xi32, #tpu.memory_space<vmem>>
    %dma_start3A_106 = tpu.memref_squeeze %dma_start3A_105 : memref<1x1x128xi32, #tpu.memory_space<vmem>> -> memref<128xi32, #tpu.memory_space<vmem>>
    %dma_start3A_107 = arith.constant 0 : i32
    %dma_start3A_108 = arith.constant 0 : i32
    %dma_start3A_109 = tpu.memref_slice %arg5[%dma_start3A_107, %dma_start3A_108] : memref<100000x32xf32, #tpu.memory_space<hbm>> -> memref<100000x32xf32, #tpu.memory_space<hbm>>
    %dma_start3A_110 = tpu.memref_slice %arg12[%dma_start3A_100] : memref<4x!tpu.dma_semaphore, #tpu.memory_space<semaphore_mem>> -> memref<1x!tpu.dma_semaphore, #tpu.memory_space<semaphore_mem>>
    %dma_start3A_111 = tpu.memref_squeeze %dma_start3A_110 : memref<1x!tpu.dma_semaphore, #tpu.memory_space<semaphore_mem>> -> memref<!tpu.dma_semaphore, #tpu.memory_space<semaphore_mem>>
    tpu.enqueue_indirect_dma source(%dma_start3A_109 : memref<100000x32xf32, #tpu.memory_space<hbm>>) target(%dma_start3A_103 : memref<128x32xf32, #tpu.memory_space<vmem>>) offsets(%dma_start3A_106 : memref<128xi32, #tpu.memory_space<vmem>>) semaphore(%dma_start3A_111 : memref<!tpu.dma_semaphore, #tpu.memory_space<semaphore_mem>>)
    %scan3A = arith.constant 0 : i32
    %scan3A_112 = arith.constant 50 : i32
    %scan3A_113 = arith.addi %scan3A, %scan3A_112 : i32
    %scan3A_114 = arith.constant 1 : i32
    scf.for %scan3A_165 = %scan3A to %scan3A_113 step %scan3A_114  : i32 {
      %mul3A_166 = arith.constant 1 : i32
      %mul3A_167 = arith.muli %scan3A_165, %mul3A_166 : i32
      %add3A_168 = arith.constant 0 : i32
      %add3A_169 = arith.addi %add3A_168, %mul3A_167 : i32
      %mul3A_170 = arith.constant 4 : i32
      %mul3A_171 = arith.muli %add3A_169, %mul3A_170 : i32
      %add3A_172 = arith.constant 0 : i32
      %add3A_173 = arith.addi %mul3A_171, %add3A_172 : i32
      %dma_wait3A_174 = arith.constant 0 : i32
      %dma_wait3A_175 = arith.constant 0 : i32
      %dma_wait3A_176 = arith.constant 0 : i32
      %dma_wait3A_177 = arith.constant 0 : i32
      %dma_wait3A_178 = arith.constant 0 : i32
      %dma_wait3A_179 = tpu.memref_slice %arg9[%dma_wait3A_177, %dma_wait3A_178] : memref<512x32xf32, #tpu.memory_space<vmem>> -> memref<128x32xf32, #tpu.memory_space<vmem>>
      %dma_wait3A_180 = arith.constant 0 : i32
      %dma_wait3A_181 = tpu.memref_slice %arg7[%dma_wait3A_174, %dma_wait3A_175, %dma_wait3A_180] : memref<25x8x128xi32, #tpu.memory_space<vmem>> -> memref<1x1x128xi32, #tpu.memory_space<vmem>>
      %dma_wait3A_182 = tpu.memref_squeeze %dma_wait3A_181 : memref<1x1x128xi32, #tpu.memory_space<vmem>> -> memref<128xi32, #tpu.memory_space<vmem>>
      %dma_wait3A_183 = arith.constant 0 : i32
      %dma_wait3A_184 = arith.constant 0 : i32
      %dma_wait3A_185 = tpu.memref_slice %arg4[%dma_wait3A_183, %dma_wait3A_184] : memref<100000x32xf32, #tpu.memory_space<hbm>> -> memref<100000x32xf32, #tpu.memory_space<hbm>>
      %dma_wait3A_186 = tpu.memref_slice %arg12[%dma_wait3A_176] : memref<4x!tpu.dma_semaphore, #tpu.memory_space<semaphore_mem>> -> memref<1x!tpu.dma_semaphore, #tpu.memory_space<semaphore_mem>>
      %dma_wait3A_187 = tpu.memref_squeeze %dma_wait3A_186 : memref<1x!tpu.dma_semaphore, #tpu.memory_space<semaphore_mem>> -> memref<!tpu.dma_semaphore, #tpu.memory_space<semaphore_mem>>
      tpu.wait_indirect_dma semaphore(%dma_wait3A_187 : memref<!tpu.dma_semaphore, #tpu.memory_space<semaphore_mem>>) src(%dma_wait3A_185 : memref<100000x32xf32, #tpu.memory_space<hbm>>) dst(%dma_wait3A_179 : memref<128x32xf32, #tpu.memory_space<vmem>>)
      %dma_wait3A_188 = arith.constant 0 : i32
      %dma_wait3A_189 = arith.constant 0 : i32
      %dma_wait3A_190 = arith.constant 0 : i32
      %dma_wait3A_191 = arith.constant 0 : i32
      %dma_wait3A_192 = arith.constant 0 : i32
      %dma_wait3A_193 = tpu.memref_slice %arg10[%dma_wait3A_191, %dma_wait3A_192] : memref<512x32xf32, #tpu.memory_space<vmem>> -> memref<128x32xf32, #tpu.memory_space<vmem>>
      %dma_wait3A_194 = arith.constant 0 : i32
      %dma_wait3A_195 = tpu.memref_slice %arg8[%dma_wait3A_188, %dma_wait3A_189, %dma_wait3A_194] : memref<25x8x128xi32, #tpu.memory_space<vmem>> -> memref<1x1x128xi32, #tpu.memory_space<vmem>>
      %dma_wait3A_196 = tpu.memref_squeeze %dma_wait3A_195 : memref<1x1x128xi32, #tpu.memory_space<vmem>> -> memref<128xi32, #tpu.memory_space<vmem>>
      %dma_wait3A_197 = arith.constant 0 : i32
      %dma_wait3A_198 = arith.constant 0 : i32
      %dma_wait3A_199 = tpu.memref_slice %arg5[%dma_wait3A_197, %dma_wait3A_198] : memref<100000x32xf32, #tpu.memory_space<hbm>> -> memref<100000x32xf32, #tpu.memory_space<hbm>>
      %dma_wait3A_200 = tpu.memref_slice %arg12[%dma_wait3A_190] : memref<4x!tpu.dma_semaphore, #tpu.memory_space<semaphore_mem>> -> memref<1x!tpu.dma_semaphore, #tpu.memory_space<semaphore_mem>>
      %dma_wait3A_201 = tpu.memref_squeeze %dma_wait3A_200 : memref<1x!tpu.dma_semaphore, #tpu.memory_space<semaphore_mem>> -> memref<!tpu.dma_semaphore, #tpu.memory_space<semaphore_mem>>
      tpu.wait_indirect_dma semaphore(%dma_wait3A_201 : memref<!tpu.dma_semaphore, #tpu.memory_space<semaphore_mem>>) src(%dma_wait3A_199 : memref<100000x32xf32, #tpu.memory_space<hbm>>) dst(%dma_wait3A_193 : memref<128x32xf32, #tpu.memory_space<vmem>>)
      %ge3A = arith.constant 2 : i32
      %ge3A_202 = arith.cmpi sge, %add3A_173, %ge3A : i32
      %convert_element_type3A = arith.extui %ge3A_202 : i1 to i32
      %cond3A = arith.constant 0 : i32
      %cond3A_203 = arith.cmpi ne, %convert_element_type3A, %cond3A : i32
      scf.if %cond3A_203 {
        %dma_wait3A_497 = arith.constant 0 : i32
        %dma_wait3A_498 = arith.constant 0 : i32
        %dma_wait3A_499 = arith.constant 0 : i32
        %dma_wait3A_500 = arith.constant 0 : i32
        %dma_wait3A_501 = arith.constant 0 : i32
        %dma_wait3A_502 = arith.constant 0 : i32
        %dma_wait3A_503 = tpu.memref_slice %arg11[%dma_wait3A_497, %dma_wait3A_500, %dma_wait3A_501, %dma_wait3A_502] : memref<2x8x8x128xf32, #tpu.memory_space<vmem>> -> memref<1x8x8x128xf32, #tpu.memory_space<vmem>>
        %dma_wait3A_504 = tpu.memref_squeeze %dma_wait3A_503 : memref<1x8x8x128xf32, #tpu.memory_space<vmem>> -> memref<8x8x128xf32, #tpu.memory_space<vmem>>
        %dma_wait3A_505 = arith.constant 0 : i32
        %dma_wait3A_506 = arith.constant 0 : i32
        %dma_wait3A_507 = arith.constant 0 : i32
        %dma_wait3A_508 = tpu.memref_slice %arg6[%dma_wait3A_498, %dma_wait3A_505, %add3A, %dma_wait3A_506, %dma_wait3A_507] : memref<200x8x32x8x128xf32, #tpu.memory_space<hbm>> -> memref<1x8x1x8x128xf32, #tpu.memory_space<hbm>>
        %dma_wait3A_509 = tpu.memref_squeeze %dma_wait3A_508 : memref<1x8x1x8x128xf32, #tpu.memory_space<hbm>> -> memref<8x8x128xf32, #tpu.memory_space<hbm>>
        %dma_wait3A_510 = tpu.memref_slice %arg13[%dma_wait3A_499] : memref<2x!tpu.dma_semaphore, #tpu.memory_space<semaphore_mem>> -> memref<1x!tpu.dma_semaphore, #tpu.memory_space<semaphore_mem>>
        %dma_wait3A_511 = tpu.memref_squeeze %dma_wait3A_510 : memref<1x!tpu.dma_semaphore, #tpu.memory_space<semaphore_mem>> -> memref<!tpu.dma_semaphore, #tpu.memory_space<semaphore_mem>>
        %dma_wait3A_512 = arith.constant 0 : i32
        %dma_wait3A_513 = arith.constant 0 : i32
        %dma_wait3A_514 = arith.constant 0 : i32
        %dma_wait3A_515 = tpu.memref_slice %arg6[%dma_wait3A_498, %dma_wait3A_512, %add3A, %dma_wait3A_513, %dma_wait3A_514] : memref<200x8x32x8x128xf32, #tpu.memory_space<hbm>> -> memref<1x8x1x8x128xf32, #tpu.memory_space<hbm>>
        %dma_wait3A_516 = tpu.memref_squeeze %dma_wait3A_515 : memref<1x8x1x8x128xf32, #tpu.memory_space<hbm>> -> memref<8x8x128xf32, #tpu.memory_space<hbm>>
        %dma_wait3A_517 = arith.constant 0 : i32
        %dma_wait3A_518 = arith.constant 0 : i32
        %dma_wait3A_519 = arith.constant 0 : i32
        %dma_wait3A_520 = tpu.memref_slice %arg11[%dma_wait3A_497, %dma_wait3A_517, %dma_wait3A_518, %dma_wait3A_519] : memref<2x8x8x128xf32, #tpu.memory_space<vmem>> -> memref<1x8x8x128xf32, #tpu.memory_space<vmem>>
        %dma_wait3A_521 = tpu.memref_squeeze %dma_wait3A_520 : memref<1x8x8x128xf32, #tpu.memory_space<vmem>> -> memref<8x8x128xf32, #tpu.memory_space<vmem>>
        tpu.wait_dma2 semaphore(%dma_wait3A_511 : memref<!tpu.dma_semaphore, #tpu.memory_space<semaphore_mem>>) src(%dma_wait3A_521 : memref<8x8x128xf32, #tpu.memory_space<vmem>>) dst(%dma_wait3A_516 : memref<8x8x128xf32, #tpu.memory_space<hbm>>)
      } else {
      }
      %broadcast_in_dim3A = arith.constant 0 : i32
      %broadcast_in_dim3A_204 = vector.broadcast %broadcast_in_dim3A : i32 to vector<16xi32>
      %add3A_205 = arith.constant 0 : i32
      %add3A_206 = vector.broadcast %add3A_205 : i32 to vector<16xi32>
      %add3A_207 = arith.addi %broadcast_in_dim3A_204, %add3A_206 : vector<16xi32>
      %scan3A_208 = arith.constant 0 : i32
      %scan3A_209 = arith.constant 32 : i32
      %scan3A_210 = arith.addi %scan3A_208, %scan3A_209 : i32
      %scan3A_211 = arith.constant 1 : i32
      scf.for %scan3A_497 = %scan3A_208 to %scan3A_210 step %scan3A_211  : i32 {
        %mul3A_498 = arith.constant 1 : i32
        %mul3A_499 = arith.muli %scan3A_497, %mul3A_498 : i32
        %add3A_500 = arith.constant 0 : i32
        %add3A_501 = arith.addi %add3A_500, %mul3A_499 : i32
        %add3A_502 = vector.broadcast %add3A_501 : i32 to vector<16xi32>
        %add3A_503 = arith.addi %add3A_502, %iota3A : vector<16xi32>
        %rem3A = arith.constant 32 : i32
        %rem3A_504 = vector.broadcast %rem3A : i32 to vector<16xi32>
        %rem3A_505 = arith.remsi %add3A_503, %rem3A_504 : vector<16xi32>
        %jit3A = arith.constant 8 : i32
        %div3A = vector.broadcast %jit3A : i32 to vector<16xi32>
        %div3A_506 = arith.divsi %rem3A_505, %div3A : vector<16xi32>
        %sign3A = arith.constant 0 : i32
        %sign3A_507 = vector.broadcast %sign3A : i32 to vector<16xi32>
        %sign3A_508 = arith.cmpi sgt, %rem3A_505, %sign3A_507 : vector<16xi32>
        %sign3A_509 = arith.extui %sign3A_508 : vector<16xi1> to vector<16xi32>
        %sign3A_510 = arith.constant 0 : i32
        %sign3A_511 = vector.broadcast %sign3A_510 : i32 to vector<16xi32>
        %sign3A_512 = arith.cmpi slt, %rem3A_505, %sign3A_511 : vector<16xi32>
        %sign3A_513 = arith.extui %sign3A_512 : vector<16xi1> to vector<16xi32>
        %sign3A_514 = arith.subi %sign3A_509, %sign3A_513 : vector<16xi32>
        %sign3A_515 = arith.constant 0 : i32
        %sign3A_516 = arith.cmpi sgt, %jit3A, %sign3A_515 : i32
        %sign3A_517 = arith.extui %sign3A_516 : i1 to i32
        %sign3A_518 = arith.constant 0 : i32
        %sign3A_519 = arith.cmpi slt, %jit3A, %sign3A_518 : i32
        %sign3A_520 = arith.extui %sign3A_519 : i1 to i32
        %sign3A_521 = arith.subi %sign3A_517, %sign3A_520 : i32
        %ne3A = vector.broadcast %sign3A_521 : i32 to vector<16xi32>
        %ne3A_522 = arith.cmpi ne, %sign3A_514, %ne3A : vector<16xi32>
        %rem3A_523 = vector.broadcast %jit3A : i32 to vector<16xi32>
        %rem3A_524 = arith.remsi %rem3A_505, %rem3A_523 : vector<16xi32>
        %ne3A_525 = arith.constant 0 : i32
        %ne3A_526 = vector.broadcast %ne3A_525 : i32 to vector<16xi32>
        %ne3A_527 = arith.cmpi ne, %rem3A_524, %ne3A_526 : vector<16xi32>
        %and3A = arith.andi %ne3A_522, %ne3A_527 : vector<16xi1>
        %sub3A = arith.constant 1 : i32
        %sub3A_528 = vector.broadcast %sub3A : i32 to vector<16xi32>
        %sub3A_529 = arith.subi %div3A_506, %sub3A_528 : vector<16xi32>
        %select_n3A = arith.select %and3A, %sub3A_529, %div3A_506 : vector<16xi1>, vector<16xi32>
        %add3A_530 = arith.constant 0 : i32
        %add3A_531 = vector.broadcast %add3A_530 : i32 to vector<16xi32>
        %add3A_532 = arith.addi %add3A_531, %select_n3A : vector<16xi32>
        %rem3A_533 = arith.constant 8 : i32
        %rem3A_534 = vector.broadcast %rem3A_533 : i32 to vector<16xi32>
        %rem3A_535 = arith.remsi %rem3A_505, %rem3A_534 : vector<16xi32>
        %add3A_536 = arith.constant 0 : i32
        %add3A_537 = vector.broadcast %add3A_536 : i32 to vector<16xi32>
        %add3A_538 = arith.addi %add3A_537, %iota3A : vector<16xi32>
        %gather3A = tpu.vector_load_idx %arg9[%add3A_538, %rem3A_505] : memref<512x32xf32, #tpu.memory_space<vmem>>[vector<16xi32>, vector<16xi32>], vector<16xf32>,
        %add3A_539 = arith.constant 16 : i32
        %add3A_540 = vector.broadcast %add3A_539 : i32 to vector<16xi32>
        %add3A_541 = arith.addi %add3A_540, %iota3A : vector<16xi32>
        %gather3A_542 = tpu.vector_load_idx %arg9[%add3A_541, %rem3A_505] : memref<512x32xf32, #tpu.memory_space<vmem>>[vector<16xi32>, vector<16xi32>], vector<16xf32>,
        %add3A_543 = arith.constant 32 : i32
        %add3A_544 = vector.broadcast %add3A_543 : i32 to vector<16xi32>
        %add3A_545 = arith.addi %add3A_544, %iota3A : vector<16xi32>
        %gather3A_546 = tpu.vector_load_idx %arg9[%add3A_545, %rem3A_505] : memref<512x32xf32, #tpu.memory_space<vmem>>[vector<16xi32>, vector<16xi32>], vector<16xf32>,
        %add3A_547 = arith.constant 48 : i32
        %add3A_548 = vector.broadcast %add3A_547 : i32 to vector<16xi32>
        %add3A_549 = arith.addi %add3A_548, %iota3A : vector<16xi32>
        %gather3A_550 = tpu.vector_load_idx %arg9[%add3A_549, %rem3A_505] : memref<512x32xf32, #tpu.memory_space<vmem>>[vector<16xi32>, vector<16xi32>], vector<16xf32>,
        %add3A_551 = arith.constant 64 : i32
        %add3A_552 = vector.broadcast %add3A_551 : i32 to vector<16xi32>
        %add3A_553 = arith.addi %add3A_552, %iota3A : vector<16xi32>
        %gather3A_554 = tpu.vector_load_idx %arg9[%add3A_553, %rem3A_505] : memref<512x32xf32, #tpu.memory_space<vmem>>[vector<16xi32>, vector<16xi32>], vector<16xf32>,
        %add3A_555 = arith.constant 80 : i32
        %add3A_556 = vector.broadcast %add3A_555 : i32 to vector<16xi32>
        %add3A_557 = arith.addi %add3A_556, %iota3A : vector<16xi32>
        %gather3A_558 = tpu.vector_load_idx %arg9[%add3A_557, %rem3A_505] : memref<512x32xf32, #tpu.memory_space<vmem>>[vector<16xi32>, vector<16xi32>], vector<16xf32>,
        %add3A_559 = arith.constant 96 : i32
        %add3A_560 = vector.broadcast %add3A_559 : i32 to vector<16xi32>
        %add3A_561 = arith.addi %add3A_560, %iota3A : vector<16xi32>
        %gather3A_562 = tpu.vector_load_idx %arg9[%add3A_561, %rem3A_505] : memref<512x32xf32, #tpu.memory_space<vmem>>[vector<16xi32>, vector<16xi32>], vector<16xf32>,
        %add3A_563 = arith.constant 112 : i32
        %add3A_564 = vector.broadcast %add3A_563 : i32 to vector<16xi32>
        %add3A_565 = arith.addi %add3A_564, %iota3A : vector<16xi32>
        %gather3A_566 = tpu.vector_load_idx %arg9[%add3A_565, %rem3A_505] : memref<512x32xf32, #tpu.memory_space<vmem>>[vector<16xi32>, vector<16xi32>], vector<16xf32>,
        %add3A_567 = arith.constant 0 : i32
        %add3A_568 = vector.broadcast %add3A_567 : i32 to vector<16xi32>
        %add3A_569 = arith.addi %add3A_568, %iota3A : vector<16xi32>
        tpu.vector_store_idx %arg11[%add3A_207, %add3A_532, %rem3A_535, %add3A_569], %gather3A : memref<2x8x8x128xf32, #tpu.memory_space<vmem>>[vector<16xi32>, vector<16xi32>, vector<16xi32>, vector<16xi32>], vector<16xf32>,
        %add3A_570 = arith.constant 16 : i32
        %add3A_571 = vector.broadcast %add3A_570 : i32 to vector<16xi32>
        %add3A_572 = arith.addi %add3A_571, %iota3A : vector<16xi32>
        tpu.vector_store_idx %arg11[%add3A_207, %add3A_532, %rem3A_535, %add3A_572], %gather3A_542 : memref<2x8x8x128xf32, #tpu.memory_space<vmem>>[vector<16xi32>, vector<16xi32>, vector<16xi32>, vector<16xi32>], vector<16xf32>,
        %add3A_573 = arith.constant 32 : i32
        %add3A_574 = vector.broadcast %add3A_573 : i32 to vector<16xi32>
        %add3A_575 = arith.addi %add3A_574, %iota3A : vector<16xi32>
        tpu.vector_store_idx %arg11[%add3A_207, %add3A_532, %rem3A_535, %add3A_575], %gather3A_546 : memref<2x8x8x128xf32, #tpu.memory_space<vmem>>[vector<16xi32>, vector<16xi32>, vector<16xi32>, vector<16xi32>], vector<16xf32>,
        %add3A_576 = arith.constant 48 : i32
        %add3A_577 = vector.broadcast %add3A_576 : i32 to vector<16xi32>
        %add3A_578 = arith.addi %add3A_577, %iota3A : vector<16xi32>
        tpu.vector_store_idx %arg11[%add3A_207, %add3A_532, %rem3A_535, %add3A_578], %gather3A_550 : memref<2x8x8x128xf32, #tpu.memory_space<vmem>>[vector<16xi32>, vector<16xi32>, vector<16xi32>, vector<16xi32>], vector<16xf32>,
        %add3A_579 = arith.constant 64 : i32
        %add3A_580 = vector.broadcast %add3A_579 : i32 to vector<16xi32>
        %add3A_581 = arith.addi %add3A_580, %iota3A : vector<16xi32>
        tpu.vector_store_idx %arg11[%add3A_207, %add3A_532, %rem3A_535, %add3A_581], %gather3A_554 : memref<2x8x8x128xf32, #tpu.memory_space<vmem>>[vector<16xi32>, vector<16xi32>, vector<16xi32>, vector<16xi32>], vector<16xf32>,
        %add3A_582 = arith.constant 80 : i32
        %add3A_583 = vector.broadcast %add3A_582 : i32 to vector<16xi32>
        %add3A_584 = arith.addi %add3A_583, %iota3A : vector<16xi32>
        tpu.vector_store_idx %arg11[%add3A_207, %add3A_532, %rem3A_535, %add3A_584], %gather3A_558 : memref<2x8x8x128xf32, #tpu.memory_space<vmem>>[vector<16xi32>, vector<16xi32>, vector<16xi32>, vector<16xi32>], vector<16xf32>,
        %add3A_585 = arith.constant 96 : i32
        %add3A_586 = vector.broadcast %add3A_585 : i32 to vector<16xi32>
        %add3A_587 = arith.addi %add3A_586, %iota3A : vector<16xi32>
        tpu.vector_store_idx %arg11[%add3A_207, %add3A_532, %rem3A_535, %add3A_587], %gather3A_562 : memref<2x8x8x128xf32, #tpu.memory_space<vmem>>[vector<16xi32>, vector<16xi32>, vector<16xi32>, vector<16xi32>], vector<16xf32>,
        %add3A_588 = arith.constant 112 : i32
        %add3A_589 = vector.broadcast %add3A_588 : i32 to vector<16xi32>
        %add3A_590 = arith.addi %add3A_589, %iota3A : vector<16xi32>
        tpu.vector_store_idx %arg11[%add3A_207, %add3A_532, %rem3A_535, %add3A_590], %gather3A_566 : memref<2x8x8x128xf32, #tpu.memory_space<vmem>>[vector<16xi32>, vector<16xi32>, vector<16xi32>, vector<16xi32>], vector<16xf32>,
      }
      %scan3A_212 = arith.constant 32 : i32
      %scan3A_213 = arith.constant 0 : i32
      %scan3A_214 = arith.constant 32 : i32
      %scan3A_215 = arith.addi %scan3A_213, %scan3A_214 : i32
      %scan3A_216 = arith.constant 1 : i32
      scf.for %scan3A_497 = %scan3A_213 to %scan3A_215 step %scan3A_216  : i32 {
        %mul3A_498 = arith.constant 1 : i32
        %mul3A_499 = arith.muli %scan3A_497, %mul3A_498 : i32
        %add3A_500 = arith.constant 0 : i32
        %add3A_501 = arith.addi %add3A_500, %mul3A_499 : i32
        %add3A_502 = vector.broadcast %add3A_501 : i32 to vector<16xi32>
        %add3A_503 = arith.addi %add3A_502, %iota3A : vector<16xi32>
        %rem3A = arith.constant 32 : i32
        %rem3A_504 = vector.broadcast %rem3A : i32 to vector<16xi32>
        %rem3A_505 = arith.remsi %add3A_503, %rem3A_504 : vector<16xi32>
        %jit3A = arith.constant 8 : i32
        %div3A = vector.broadcast %jit3A : i32 to vector<16xi32>
        %div3A_506 = arith.divsi %rem3A_505, %div3A : vector<16xi32>
        %sign3A = arith.constant 0 : i32
        %sign3A_507 = vector.broadcast %sign3A : i32 to vector<16xi32>
        %sign3A_508 = arith.cmpi sgt, %rem3A_505, %sign3A_507 : vector<16xi32>
        %sign3A_509 = arith.extui %sign3A_508 : vector<16xi1> to vector<16xi32>
        %sign3A_510 = arith.constant 0 : i32
        %sign3A_511 = vector.broadcast %sign3A_510 : i32 to vector<16xi32>
        %sign3A_512 = arith.cmpi slt, %rem3A_505, %sign3A_511 : vector<16xi32>
        %sign3A_513 = arith.extui %sign3A_512 : vector<16xi1> to vector<16xi32>
        %sign3A_514 = arith.subi %sign3A_509, %sign3A_513 : vector<16xi32>
        %sign3A_515 = arith.constant 0 : i32
        %sign3A_516 = arith.cmpi sgt, %jit3A, %sign3A_515 : i32
        %sign3A_517 = arith.extui %sign3A_516 : i1 to i32
        %sign3A_518 = arith.constant 0 : i32
        %sign3A_519 = arith.cmpi slt, %jit3A, %sign3A_518 : i32
        %sign3A_520 = arith.extui %sign3A_519 : i1 to i32
        %sign3A_521 = arith.subi %sign3A_517, %sign3A_520 : i32
        %ne3A = vector.broadcast %sign3A_521 : i32 to vector<16xi32>
        %ne3A_522 = arith.cmpi ne, %sign3A_514, %ne3A : vector<16xi32>
        %rem3A_523 = vector.broadcast %jit3A : i32 to vector<16xi32>
        %rem3A_524 = arith.remsi %rem3A_505, %rem3A_523 : vector<16xi32>
        %ne3A_525 = arith.constant 0 : i32
        %ne3A_526 = vector.broadcast %ne3A_525 : i32 to vector<16xi32>
        %ne3A_527 = arith.cmpi ne, %rem3A_524, %ne3A_526 : vector<16xi32>
        %and3A = arith.andi %ne3A_522, %ne3A_527 : vector<16xi1>
        %sub3A = arith.constant 1 : i32
        %sub3A_528 = vector.broadcast %sub3A : i32 to vector<16xi32>
        %sub3A_529 = arith.subi %div3A_506, %sub3A_528 : vector<16xi32>
        %select_n3A = arith.select %and3A, %sub3A_529, %div3A_506 : vector<16xi1>, vector<16xi32>
        %add3A_530 = arith.constant 4 : i32
        %add3A_531 = vector.broadcast %add3A_530 : i32 to vector<16xi32>
        %add3A_532 = arith.addi %add3A_531, %select_n3A : vector<16xi32>
        %rem3A_533 = arith.constant 8 : i32
        %rem3A_534 = vector.broadcast %rem3A_533 : i32 to vector<16xi32>
        %rem3A_535 = arith.remsi %rem3A_505, %rem3A_534 : vector<16xi32>
        %add3A_536 = arith.constant 0 : i32
        %add3A_537 = vector.broadcast %add3A_536 : i32 to vector<16xi32>
        %add3A_538 = arith.addi %add3A_537, %iota3A : vector<16xi32>
        %gather3A = tpu.vector_load_idx %arg10[%add3A_538, %rem3A_505] : memref<512x32xf32, #tpu.memory_space<vmem>>[vector<16xi32>, vector<16xi32>], vector<16xf32>,
        %add3A_539 = arith.constant 16 : i32
        %add3A_540 = vector.broadcast %add3A_539 : i32 to vector<16xi32>
        %add3A_541 = arith.addi %add3A_540, %iota3A : vector<16xi32>
        %gather3A_542 = tpu.vector_load_idx %arg10[%add3A_541, %rem3A_505] : memref<512x32xf32, #tpu.memory_space<vmem>>[vector<16xi32>, vector<16xi32>], vector<16xf32>,
        %add3A_543 = arith.constant 32 : i32
        %add3A_544 = vector.broadcast %add3A_543 : i32 to vector<16xi32>
        %add3A_545 = arith.addi %add3A_544, %iota3A : vector<16xi32>
        %gather3A_546 = tpu.vector_load_idx %arg10[%add3A_545, %rem3A_505] : memref<512x32xf32, #tpu.memory_space<vmem>>[vector<16xi32>, vector<16xi32>], vector<16xf32>,
        %add3A_547 = arith.constant 48 : i32
        %add3A_548 = vector.broadcast %add3A_547 : i32 to vector<16xi32>
        %add3A_549 = arith.addi %add3A_548, %iota3A : vector<16xi32>
        %gather3A_550 = tpu.vector_load_idx %arg10[%add3A_549, %rem3A_505] : memref<512x32xf32, #tpu.memory_space<vmem>>[vector<16xi32>, vector<16xi32>], vector<16xf32>,
        %add3A_551 = arith.constant 64 : i32
        %add3A_552 = vector.broadcast %add3A_551 : i32 to vector<16xi32>
        %add3A_553 = arith.addi %add3A_552, %iota3A : vector<16xi32>
        %gather3A_554 = tpu.vector_load_idx %arg10[%add3A_553, %rem3A_505] : memref<512x32xf32, #tpu.memory_space<vmem>>[vector<16xi32>, vector<16xi32>], vector<16xf32>,
        %add3A_555 = arith.constant 80 : i32
        %add3A_556 = vector.broadcast %add3A_555 : i32 to vector<16xi32>
        %add3A_557 = arith.addi %add3A_556, %iota3A : vector<16xi32>
        %gather3A_558 = tpu.vector_load_idx %arg10[%add3A_557, %rem3A_505] : memref<512x32xf32, #tpu.memory_space<vmem>>[vector<16xi32>, vector<16xi32>], vector<16xf32>,
        %add3A_559 = arith.constant 96 : i32
        %add3A_560 = vector.broadcast %add3A_559 : i32 to vector<16xi32>
        %add3A_561 = arith.addi %add3A_560, %iota3A : vector<16xi32>
        %gather3A_562 = tpu.vector_load_idx %arg10[%add3A_561, %rem3A_505] : memref<512x32xf32, #tpu.memory_space<vmem>>[vector<16xi32>, vector<16xi32>], vector<16xf32>,
        %add3A_563 = arith.constant 112 : i32
        %add3A_564 = vector.broadcast %add3A_563 : i32 to vector<16xi32>
        %add3A_565 = arith.addi %add3A_564, %iota3A : vector<16xi32>
        %gather3A_566 = tpu.vector_load_idx %arg10[%add3A_565, %rem3A_505] : memref<512x32xf32, #tpu.memory_space<vmem>>[vector<16xi32>, vector<16xi32>], vector<16xf32>,
        %add3A_567 = arith.constant 0 : i32
        %add3A_568 = vector.broadcast %add3A_567 : i32 to vector<16xi32>
        %add3A_569 = arith.addi %add3A_568, %iota3A : vector<16xi32>
        tpu.vector_store_idx %arg11[%add3A_207, %add3A_532, %rem3A_535, %add3A_569], %gather3A : memref<2x8x8x128xf32, #tpu.memory_space<vmem>>[vector<16xi32>, vector<16xi32>, vector<16xi32>, vector<16xi32>], vector<16xf32>,
        %add3A_570 = arith.constant 16 : i32
        %add3A_571 = vector.broadcast %add3A_570 : i32 to vector<16xi32>
        %add3A_572 = arith.addi %add3A_571, %iota3A : vector<16xi32>
        tpu.vector_store_idx %arg11[%add3A_207, %add3A_532, %rem3A_535, %add3A_572], %gather3A_542 : memref<2x8x8x128xf32, #tpu.memory_space<vmem>>[vector<16xi32>, vector<16xi32>, vector<16xi32>, vector<16xi32>], vector<16xf32>,
        %add3A_573 = arith.constant 32 : i32
        %add3A_574 = vector.broadcast %add3A_573 : i32 to vector<16xi32>
        %add3A_575 = arith.addi %add3A_574, %iota3A : vector<16xi32>
        tpu.vector_store_idx %arg11[%add3A_207, %add3A_532, %rem3A_535, %add3A_575], %gather3A_546 : memref<2x8x8x128xf32, #tpu.memory_space<vmem>>[vector<16xi32>, vector<16xi32>, vector<16xi32>, vector<16xi32>], vector<16xf32>,
        %add3A_576 = arith.constant 48 : i32
        %add3A_577 = vector.broadcast %add3A_576 : i32 to vector<16xi32>
        %add3A_578 = arith.addi %add3A_577, %iota3A : vector<16xi32>
        tpu.vector_store_idx %arg11[%add3A_207, %add3A_532, %rem3A_535, %add3A_578], %gather3A_550 : memref<2x8x8x128xf32, #tpu.memory_space<vmem>>[vector<16xi32>, vector<16xi32>, vector<16xi32>, vector<16xi32>], vector<16xf32>,
        %add3A_579 = arith.constant 64 : i32
        %add3A_580 = vector.broadcast %add3A_579 : i32 to vector<16xi32>
        %add3A_581 = arith.addi %add3A_580, %iota3A : vector<16xi32>
        tpu.vector_store_idx %arg11[%add3A_207, %add3A_532, %rem3A_535, %add3A_581], %gather3A_554 : memref<2x8x8x128xf32, #tpu.memory_space<vmem>>[vector<16xi32>, vector<16xi32>, vector<16xi32>, vector<16xi32>], vector<16xf32>,
        %add3A_582 = arith.constant 80 : i32
        %add3A_583 = vector.broadcast %add3A_582 : i32 to vector<16xi32>
        %add3A_584 = arith.addi %add3A_583, %iota3A : vector<16xi32>
        tpu.vector_store_idx %arg11[%add3A_207, %add3A_532, %rem3A_535, %add3A_584], %gather3A_558 : memref<2x8x8x128xf32, #tpu.memory_space<vmem>>[vector<16xi32>, vector<16xi32>, vector<16xi32>, vector<16xi32>], vector<16xf32>,
        %add3A_585 = arith.constant 96 : i32
        %add3A_586 = vector.broadcast %add3A_585 : i32 to vector<16xi32>
        %add3A_587 = arith.addi %add3A_586, %iota3A : vector<16xi32>
        tpu.vector_store_idx %arg11[%add3A_207, %add3A_532, %rem3A_535, %add3A_587], %gather3A_562 : memref<2x8x8x128xf32, #tpu.memory_space<vmem>>[vector<16xi32>, vector<16xi32>, vector<16xi32>, vector<16xi32>], vector<16xf32>,
        %add3A_588 = arith.constant 112 : i32
        %add3A_589 = vector.broadcast %add3A_588 : i32 to vector<16xi32>
        %add3A_590 = arith.addi %add3A_589, %iota3A : vector<16xi32>
        tpu.vector_store_idx %arg11[%add3A_207, %add3A_532, %rem3A_535, %add3A_590], %gather3A_566 : memref<2x8x8x128xf32, #tpu.memory_space<vmem>>[vector<16xi32>, vector<16xi32>, vector<16xi32>, vector<16xi32>], vector<16xf32>,
      }
      %scan3A_217 = arith.constant 32 : i32
      %dma_start3A_218 = arith.constant 0 : i32
      %dma_start3A_219 = arith.constant 0 : i32
      %dma_start3A_220 = arith.constant 0 : i32
      %dma_start3A_221 = arith.constant 0 : i32
      %dma_start3A_222 = arith.constant 0 : i32
      %dma_start3A_223 = tpu.memref_slice %arg11[%dma_start3A_218, %dma_start3A_220, %dma_start3A_221, %dma_start3A_222] : memref<2x8x8x128xf32, #tpu.memory_space<vmem>> -> memref<1x8x8x128xf32, #tpu.memory_space<vmem>>
      %dma_start3A_224 = tpu.memref_squeeze %dma_start3A_223 : memref<1x8x8x128xf32, #tpu.memory_space<vmem>> -> memref<8x8x128xf32, #tpu.memory_space<vmem>>
      %dma_start3A_225 = arith.constant 0 : i32
      %dma_start3A_226 = arith.constant 0 : i32
      %dma_start3A_227 = arith.constant 0 : i32
      %dma_start3A_228 = tpu.memref_slice %arg6[%add3A_173, %dma_start3A_225, %add3A, %dma_start3A_226, %dma_start3A_227] : memref<200x8x32x8x128xf32, #tpu.memory_space<hbm>> -> memref<1x8x1x8x128xf32, #tpu.memory_space<hbm>>
      %dma_start3A_229 = tpu.memref_squeeze %dma_start3A_228 : memref<1x8x1x8x128xf32, #tpu.memory_space<hbm>> -> memref<8x8x128xf32, #tpu.memory_space<hbm>>
      %dma_start3A_230 = tpu.memref_slice %arg13[%dma_start3A_219] : memref<2x!tpu.dma_semaphore, #tpu.memory_space<semaphore_mem>> -> memref<1x!tpu.dma_semaphore, #tpu.memory_space<semaphore_mem>>
      %dma_start3A_231 = tpu.memref_squeeze %dma_start3A_230 : memref<1x!tpu.dma_semaphore, #tpu.memory_space<semaphore_mem>> -> memref<!tpu.dma_semaphore, #tpu.memory_space<semaphore_mem>>
      %dma_start3A_232 = arith.constant 0 : i32
      %dma_start3A_233 = arith.constant 0 : i32
      %dma_start3A_234 = arith.constant 0 : i32
      %dma_start3A_235 = tpu.memref_slice %arg6[%add3A_173, %dma_start3A_232, %add3A, %dma_start3A_233, %dma_start3A_234] : memref<200x8x32x8x128xf32, #tpu.memory_space<hbm>> -> memref<1x8x1x8x128xf32, #tpu.memory_space<hbm>>
      %dma_start3A_236 = tpu.memref_squeeze %dma_start3A_235 : memref<1x8x1x8x128xf32, #tpu.memory_space<hbm>> -> memref<8x8x128xf32, #tpu.memory_space<hbm>>
      %dma_start3A_237 = arith.constant 0 : i32
      %dma_start3A_238 = arith.constant 0 : i32
      %dma_start3A_239 = arith.constant 0 : i32
      %dma_start3A_240 = tpu.memref_slice %arg11[%dma_start3A_218, %dma_start3A_237, %dma_start3A_238, %dma_start3A_239] : memref<2x8x8x128xf32, #tpu.memory_space<vmem>> -> memref<1x8x8x128xf32, #tpu.memory_space<vmem>>
      %dma_start3A_241 = tpu.memref_squeeze %dma_start3A_240 : memref<1x8x8x128xf32, #tpu.memory_space<vmem>> -> memref<8x8x128xf32, #tpu.memory_space<vmem>>
      tpu.enqueue_dma source(%dma_start3A_241 : memref<8x8x128xf32, #tpu.memory_space<vmem>>) target(%dma_start3A_236 : memref<8x8x128xf32, #tpu.memory_space<hbm>>) target_semaphore(%dma_start3A_231 : memref<!tpu.dma_semaphore, #tpu.memory_space<semaphore_mem>>)
      %add3A_242 = arith.constant 4 : i32
      %add3A_243 = arith.addi %add3A_173, %add3A_242 : i32
      %lt3A = arith.constant 200 : i32
      %lt3A_244 = arith.cmpi slt, %add3A_243, %lt3A : i32
      %convert_element_type3A_245 = arith.extui %lt3A_244 : i1 to i32
      %cond3A_246 = arith.constant 0 : i32
      %cond3A_247 = arith.cmpi ne, %convert_element_type3A_245, %cond3A_246 : i32
      scf.if %cond3A_247 {
        %add3A_497 = arith.constant 4 : i32
        %add3A_498 = arith.addi %add3A_173, %add3A_497 : i32
        %jit3A = arith.constant 8 : i32
        %div3A = arith.divsi %add3A_498, %jit3A : i32
        %sign3A = arith.constant 0 : i32
        %sign3A_499 = arith.cmpi sgt, %add3A_498, %sign3A : i32
        %sign3A_500 = arith.extui %sign3A_499 : i1 to i32
        %sign3A_501 = arith.constant 0 : i32
        %sign3A_502 = arith.cmpi slt, %add3A_498, %sign3A_501 : i32
        %sign3A_503 = arith.extui %sign3A_502 : i1 to i32
        %sign3A_504 = arith.subi %sign3A_500, %sign3A_503 : i32
        %sign3A_505 = arith.constant 0 : i32
        %sign3A_506 = arith.cmpi sgt, %jit3A, %sign3A_505 : i32
        %sign3A_507 = arith.extui %sign3A_506 : i1 to i32
        %sign3A_508 = arith.constant 0 : i32
        %sign3A_509 = arith.cmpi slt, %jit3A, %sign3A_508 : i32
        %sign3A_510 = arith.extui %sign3A_509 : i1 to i32
        %sign3A_511 = arith.subi %sign3A_507, %sign3A_510 : i32
        %ne3A = arith.cmpi ne, %sign3A_504, %sign3A_511 : i32
        %rem3A = arith.remsi %add3A_498, %jit3A : i32
        %ne3A_512 = arith.constant 0 : i32
        %ne3A_513 = arith.cmpi ne, %rem3A, %ne3A_512 : i32
        %and3A = arith.andi %ne3A, %ne3A_513 : i1
        %sub3A = arith.constant 1 : i32
        %sub3A_514 = arith.subi %div3A, %sub3A : i32
        %select_n3A = arith.select %and3A, %sub3A_514, %div3A : i32
        %jit3A_515 = arith.constant 8 : i32
        %eq3A = arith.constant 0 : i32
        %eq3A_516 = arith.cmpi eq, %jit3A_515, %eq3A : i32
        %jit3A_517 = arith.constant 1 : i32
        %select_n3A_518 = arith.select %eq3A_516, %jit3A_517, %jit3A_515 : i32
        %rem3A_519 = arith.remsi %add3A_498, %select_n3A_518 : i32
        %ne3A_520 = arith.constant 0 : i32
        %ne3A_521 = arith.cmpi ne, %rem3A_519, %ne3A_520 : i32
        %lt3A_522 = arith.constant 0 : i32
        %lt3A_523 = arith.cmpi slt, %rem3A_519, %lt3A_522 : i32
        %lt3A_524 = arith.constant 0 : i32
        %lt3A_525 = arith.cmpi slt, %select_n3A_518, %lt3A_524 : i32
        %ne3A_526 = arith.xori %lt3A_523, %lt3A_525 : i1
        %and3A_527 = arith.andi %ne3A_526, %ne3A_521 : i1
        %add3A_528 = arith.addi %rem3A_519, %select_n3A_518 : i32
        %select_n3A_529 = arith.select %and3A_527, %add3A_528, %rem3A_519 : i32
        %dma_start3A_530 = arith.constant 0 : i32
        %dma_start3A_531 = arith.constant 0 : i32
        %dma_start3A_532 = arith.constant 0 : i32
        %dma_start3A_533 = tpu.memref_slice %arg9[%dma_start3A_531, %dma_start3A_532] : memref<512x32xf32, #tpu.memory_space<vmem>> -> memref<128x32xf32, #tpu.memory_space<vmem>>
        %dma_start3A_534 = arith.constant 0 : i32
        %dma_start3A_535 = tpu.memref_slice %arg7[%select_n3A, %select_n3A_529, %dma_start3A_534] : memref<25x8x128xi32, #tpu.memory_space<vmem>> -> memref<1x1x128xi32, #tpu.memory_space<vmem>>
        %dma_start3A_536 = tpu.memref_squeeze %dma_start3A_535 : memref<1x1x128xi32, #tpu.memory_space<vmem>> -> memref<128xi32, #tpu.memory_space<vmem>>
        %dma_start3A_537 = arith.constant 0 : i32
        %dma_start3A_538 = arith.constant 0 : i32
        %dma_start3A_539 = tpu.memref_slice %arg4[%dma_start3A_537, %dma_start3A_538] : memref<100000x32xf32, #tpu.memory_space<hbm>> -> memref<100000x32xf32, #tpu.memory_space<hbm>>
        %dma_start3A_540 = tpu.memref_slice %arg12[%dma_start3A_530] : memref<4x!tpu.dma_semaphore, #tpu.memory_space<semaphore_mem>> -> memref<1x!tpu.dma_semaphore, #tpu.memory_space<semaphore_mem>>
        %dma_start3A_541 = tpu.memref_squeeze %dma_start3A_540 : memref<1x!tpu.dma_semaphore, #tpu.memory_space<semaphore_mem>> -> memref<!tpu.dma_semaphore, #tpu.memory_space<semaphore_mem>>
        tpu.enqueue_indirect_dma source(%dma_start3A_539 : memref<100000x32xf32, #tpu.memory_space<hbm>>) target(%dma_start3A_533 : memref<128x32xf32, #tpu.memory_space<vmem>>) offsets(%dma_start3A_536 : memref<128xi32, #tpu.memory_space<vmem>>) semaphore(%dma_start3A_541 : memref<!tpu.dma_semaphore, #tpu.memory_space<semaphore_mem>>)
        %dma_start3A_542 = arith.constant 0 : i32
        %dma_start3A_543 = arith.constant 0 : i32
        %dma_start3A_544 = arith.constant 0 : i32
        %dma_start3A_545 = tpu.memref_slice %arg10[%dma_start3A_543, %dma_start3A_544] : memref<512x32xf32, #tpu.memory_space<vmem>> -> memref<128x32xf32, #tpu.memory_space<vmem>>
        %dma_start3A_546 = arith.constant 0 : i32
        %dma_start3A_547 = tpu.memref_slice %arg8[%select_n3A, %select_n3A_529, %dma_start3A_546] : memref<25x8x128xi32, #tpu.memory_space<vmem>> -> memref<1x1x128xi32, #tpu.memory_space<vmem>>
        %dma_start3A_548 = tpu.memref_squeeze %dma_start3A_547 : memref<1x1x128xi32, #tpu.memory_space<vmem>> -> memref<128xi32, #tpu.memory_space<vmem>>
        %dma_start3A_549 = arith.constant 0 : i32
        %dma_start3A_550 = arith.constant 0 : i32
        %dma_start3A_551 = tpu.memref_slice %arg5[%dma_start3A_549, %dma_start3A_550] : memref<100000x32xf32, #tpu.memory_space<hbm>> -> memref<100000x32xf32, #tpu.memory_space<hbm>>
        %dma_start3A_552 = tpu.memref_slice %arg12[%dma_start3A_542] : memref<4x!tpu.dma_semaphore, #tpu.memory_space<semaphore_mem>> -> memref<1x!tpu.dma_semaphore, #tpu.memory_space<semaphore_mem>>
        %dma_start3A_553 = tpu.memref_squeeze %dma_start3A_552 : memref<1x!tpu.dma_semaphore, #tpu.memory_space<semaphore_mem>> -> memref<!tpu.dma_semaphore, #tpu.memory_space<semaphore_mem>>
        tpu.enqueue_indirect_dma source(%dma_start3A_551 : memref<100000x32xf32, #tpu.memory_space<hbm>>) target(%dma_start3A_545 : memref<128x32xf32, #tpu.memory_space<vmem>>) offsets(%dma_start3A_548 : memref<128xi32, #tpu.memory_space<vmem>>) semaphore(%dma_start3A_553 : memref<!tpu.dma_semaphore, #tpu.memory_space<semaphore_mem>>)
      } else {
      }
      %mul3A_248 = arith.constant 4 : i32
      %mul3A_249 = arith.muli %add3A_169, %mul3A_248 : i32
      %add3A_250 = arith.constant 1 : i32
      %add3A_251 = arith.addi %mul3A_249, %add3A_250 : i32
      %dma_wait3A_252 = arith.constant 0 : i32
      %dma_wait3A_253 = arith.constant 0 : i32
      %dma_wait3A_254 = arith.constant 1 : i32
      %dma_wait3A_255 = arith.constant 128 : i32
      %dma_wait3A_256 = arith.constant 0 : i32
      %dma_wait3A_257 = tpu.memref_slice %arg9[%dma_wait3A_255, %dma_wait3A_256] : memref<512x32xf32, #tpu.memory_space<vmem>> -> memref<128x32xf32, #tpu.memory_space<vmem>>
      %dma_wait3A_258 = arith.constant 0 : i32
      %dma_wait3A_259 = tpu.memref_slice %arg7[%dma_wait3A_252, %dma_wait3A_253, %dma_wait3A_258] : memref<25x8x128xi32, #tpu.memory_space<vmem>> -> memref<1x1x128xi32, #tpu.memory_space<vmem>>
      %dma_wait3A_260 = tpu.memref_squeeze %dma_wait3A_259 : memref<1x1x128xi32, #tpu.memory_space<vmem>> -> memref<128xi32, #tpu.memory_space<vmem>>
      %dma_wait3A_261 = arith.constant 0 : i32
      %dma_wait3A_262 = arith.constant 0 : i32
      %dma_wait3A_263 = tpu.memref_slice %arg4[%dma_wait3A_261, %dma_wait3A_262] : memref<100000x32xf32, #tpu.memory_space<hbm>> -> memref<100000x32xf32, #tpu.memory_space<hbm>>
      %dma_wait3A_264 = tpu.memref_slice %arg12[%dma_wait3A_254] : memref<4x!tpu.dma_semaphore, #tpu.memory_space<semaphore_mem>> -> memref<1x!tpu.dma_semaphore, #tpu.memory_space<semaphore_mem>>
      %dma_wait3A_265 = tpu.memref_squeeze %dma_wait3A_264 : memref<1x!tpu.dma_semaphore, #tpu.memory_space<semaphore_mem>> -> memref<!tpu.dma_semaphore, #tpu.memory_space<semaphore_mem>>
      tpu.wait_indirect_dma semaphore(%dma_wait3A_265 : memref<!tpu.dma_semaphore, #tpu.memory_space<semaphore_mem>>) src(%dma_wait3A_263 : memref<100000x32xf32, #tpu.memory_space<hbm>>) dst(%dma_wait3A_257 : memref<128x32xf32, #tpu.memory_space<vmem>>)
      %dma_wait3A_266 = arith.constant 0 : i32
      %dma_wait3A_267 = arith.constant 0 : i32
      %dma_wait3A_268 = arith.constant 1 : i32
      %dma_wait3A_269 = arith.constant 128 : i32
      %dma_wait3A_270 = arith.constant 0 : i32
      %dma_wait3A_271 = tpu.memref_slice %arg10[%dma_wait3A_269, %dma_wait3A_270] : memref<512x32xf32, #tpu.memory_space<vmem>> -> memref<128x32xf32, #tpu.memory_space<vmem>>
      %dma_wait3A_272 = arith.constant 0 : i32
      %dma_wait3A_273 = tpu.memref_slice %arg8[%dma_wait3A_266, %dma_wait3A_267, %dma_wait3A_272] : memref<25x8x128xi32, #tpu.memory_space<vmem>> -> memref<1x1x128xi32, #tpu.memory_space<vmem>>
      %dma_wait3A_274 = tpu.memref_squeeze %dma_wait3A_273 : memref<1x1x128xi32, #tpu.memory_space<vmem>> -> memref<128xi32, #tpu.memory_space<vmem>>
      %dma_wait3A_275 = arith.constant 0 : i32
      %dma_wait3A_276 = arith.constant 0 : i32
      %dma_wait3A_277 = tpu.memref_slice %arg5[%dma_wait3A_275, %dma_wait3A_276] : memref<100000x32xf32, #tpu.memory_space<hbm>> -> memref<100000x32xf32, #tpu.memory_space<hbm>>
      %dma_wait3A_278 = tpu.memref_slice %arg12[%dma_wait3A_268] : memref<4x!tpu.dma_semaphore, #tpu.memory_space<semaphore_mem>> -> memref<1x!tpu.dma_semaphore, #tpu.memory_space<semaphore_mem>>
      %dma_wait3A_279 = tpu.memref_squeeze %dma_wait3A_278 : memref<1x!tpu.dma_semaphore, #tpu.memory_space<semaphore_mem>> -> memref<!tpu.dma_semaphore, #tpu.memory_space<semaphore_mem>>
      tpu.wait_indirect_dma semaphore(%dma_wait3A_279 : memref<!tpu.dma_semaphore, #tpu.memory_space<semaphore_mem>>) src(%dma_wait3A_277 : memref<100000x32xf32, #tpu.memory_space<hbm>>) dst(%dma_wait3A_271 : memref<128x32xf32, #tpu.memory_space<vmem>>)
      %ge3A_280 = arith.constant 2 : i32
      %ge3A_281 = arith.cmpi sge, %add3A_251, %ge3A_280 : i32
      %convert_element_type3A_282 = arith.extui %ge3A_281 : i1 to i32
      %cond3A_283 = arith.constant 0 : i32
      %cond3A_284 = arith.cmpi ne, %convert_element_type3A_282, %cond3A_283 : i32
      scf.if %cond3A_284 {
        %dma_wait3A_497 = arith.constant 1 : i32
        %dma_wait3A_498 = arith.constant 0 : i32
        %dma_wait3A_499 = arith.constant 1 : i32
        %dma_wait3A_500 = arith.constant 0 : i32
        %dma_wait3A_501 = arith.constant 0 : i32
        %dma_wait3A_502 = arith.constant 0 : i32
        %dma_wait3A_503 = tpu.memref_slice %arg11[%dma_wait3A_497, %dma_wait3A_500, %dma_wait3A_501, %dma_wait3A_502] : memref<2x8x8x128xf32, #tpu.memory_space<vmem>> -> memref<1x8x8x128xf32, #tpu.memory_space<vmem>>
        %dma_wait3A_504 = tpu.memref_squeeze %dma_wait3A_503 : memref<1x8x8x128xf32, #tpu.memory_space<vmem>> -> memref<8x8x128xf32, #tpu.memory_space<vmem>>
        %dma_wait3A_505 = arith.constant 0 : i32
        %dma_wait3A_506 = arith.constant 0 : i32
        %dma_wait3A_507 = arith.constant 0 : i32
        %dma_wait3A_508 = tpu.memref_slice %arg6[%dma_wait3A_498, %dma_wait3A_505, %add3A, %dma_wait3A_506, %dma_wait3A_507] : memref<200x8x32x8x128xf32, #tpu.memory_space<hbm>> -> memref<1x8x1x8x128xf32, #tpu.memory_space<hbm>>
        %dma_wait3A_509 = tpu.memref_squeeze %dma_wait3A_508 : memref<1x8x1x8x128xf32, #tpu.memory_space<hbm>> -> memref<8x8x128xf32, #tpu.memory_space<hbm>>
        %dma_wait3A_510 = tpu.memref_slice %arg13[%dma_wait3A_499] : memref<2x!tpu.dma_semaphore, #tpu.memory_space<semaphore_mem>> -> memref<1x!tpu.dma_semaphore, #tpu.memory_space<semaphore_mem>>
        %dma_wait3A_511 = tpu.memref_squeeze %dma_wait3A_510 : memref<1x!tpu.dma_semaphore, #tpu.memory_space<semaphore_mem>> -> memref<!tpu.dma_semaphore, #tpu.memory_space<semaphore_mem>>
        %dma_wait3A_512 = arith.constant 0 : i32
        %dma_wait3A_513 = arith.constant 0 : i32
        %dma_wait3A_514 = arith.constant 0 : i32
        %dma_wait3A_515 = tpu.memref_slice %arg6[%dma_wait3A_498, %dma_wait3A_512, %add3A, %dma_wait3A_513, %dma_wait3A_514] : memref<200x8x32x8x128xf32, #tpu.memory_space<hbm>> -> memref<1x8x1x8x128xf32, #tpu.memory_space<hbm>>
        %dma_wait3A_516 = tpu.memref_squeeze %dma_wait3A_515 : memref<1x8x1x8x128xf32, #tpu.memory_space<hbm>> -> memref<8x8x128xf32, #tpu.memory_space<hbm>>
        %dma_wait3A_517 = arith.constant 0 : i32
        %dma_wait3A_518 = arith.constant 0 : i32
        %dma_wait3A_519 = arith.constant 0 : i32
        %dma_wait3A_520 = tpu.memref_slice %arg11[%dma_wait3A_497, %dma_wait3A_517, %dma_wait3A_518, %dma_wait3A_519] : memref<2x8x8x128xf32, #tpu.memory_space<vmem>> -> memref<1x8x8x128xf32, #tpu.memory_space<vmem>>
        %dma_wait3A_521 = tpu.memref_squeeze %dma_wait3A_520 : memref<1x8x8x128xf32, #tpu.memory_space<vmem>> -> memref<8x8x128xf32, #tpu.memory_space<vmem>>
        tpu.wait_dma2 semaphore(%dma_wait3A_511 : memref<!tpu.dma_semaphore, #tpu.memory_space<semaphore_mem>>) src(%dma_wait3A_521 : memref<8x8x128xf32, #tpu.memory_space<vmem>>) dst(%dma_wait3A_516 : memref<8x8x128xf32, #tpu.memory_space<hbm>>)
      } else {
      }
      %broadcast_in_dim3A_285 = arith.constant 0 : i32
      %broadcast_in_dim3A_286 = vector.broadcast %broadcast_in_dim3A_285 : i32 to vector<16xi32>
      %add3A_287 = arith.constant 1 : i32
      %add3A_288 = vector.broadcast %add3A_287 : i32 to vector<16xi32>
      %add3A_289 = arith.addi %broadcast_in_dim3A_286, %add3A_288 : vector<16xi32>
      %scan3A_290 = arith.constant 0 : i32
      %scan3A_291 = arith.constant 32 : i32
      %scan3A_292 = arith.addi %scan3A_290, %scan3A_291 : i32
      %scan3A_293 = arith.constant 1 : i32
      scf.for %scan3A_497 = %scan3A_290 to %scan3A_292 step %scan3A_293  : i32 {
        %mul3A_498 = arith.constant 1 : i32
        %mul3A_499 = arith.muli %scan3A_497, %mul3A_498 : i32
        %add3A_500 = arith.constant 0 : i32
        %add3A_501 = arith.addi %add3A_500, %mul3A_499 : i32
        %add3A_502 = vector.broadcast %add3A_501 : i32 to vector<16xi32>
        %add3A_503 = arith.addi %add3A_502, %iota3A : vector<16xi32>
        %rem3A = arith.constant 32 : i32
        %rem3A_504 = vector.broadcast %rem3A : i32 to vector<16xi32>
        %rem3A_505 = arith.remsi %add3A_503, %rem3A_504 : vector<16xi32>
        %jit3A = arith.constant 8 : i32
        %div3A = vector.broadcast %jit3A : i32 to vector<16xi32>
        %div3A_506 = arith.divsi %rem3A_505, %div3A : vector<16xi32>
        %sign3A = arith.constant 0 : i32
        %sign3A_507 = vector.broadcast %sign3A : i32 to vector<16xi32>
        %sign3A_508 = arith.cmpi sgt, %rem3A_505, %sign3A_507 : vector<16xi32>
        %sign3A_509 = arith.extui %sign3A_508 : vector<16xi1> to vector<16xi32>
        %sign3A_510 = arith.constant 0 : i32
        %sign3A_511 = vector.broadcast %sign3A_510 : i32 to vector<16xi32>
        %sign3A_512 = arith.cmpi slt, %rem3A_505, %sign3A_511 : vector<16xi32>
        %sign3A_513 = arith.extui %sign3A_512 : vector<16xi1> to vector<16xi32>
        %sign3A_514 = arith.subi %sign3A_509, %sign3A_513 : vector<16xi32>
        %sign3A_515 = arith.constant 0 : i32
        %sign3A_516 = arith.cmpi sgt, %jit3A, %sign3A_515 : i32
        %sign3A_517 = arith.extui %sign3A_516 : i1 to i32
        %sign3A_518 = arith.constant 0 : i32
        %sign3A_519 = arith.cmpi slt, %jit3A, %sign3A_518 : i32
        %sign3A_520 = arith.extui %sign3A_519 : i1 to i32
        %sign3A_521 = arith.subi %sign3A_517, %sign3A_520 : i32
        %ne3A = vector.broadcast %sign3A_521 : i32 to vector<16xi32>
        %ne3A_522 = arith.cmpi ne, %sign3A_514, %ne3A : vector<16xi32>
        %rem3A_523 = vector.broadcast %jit3A : i32 to vector<16xi32>
        %rem3A_524 = arith.remsi %rem3A_505, %rem3A_523 : vector<16xi32>
        %ne3A_525 = arith.constant 0 : i32
        %ne3A_526 = vector.broadcast %ne3A_525 : i32 to vector<16xi32>
        %ne3A_527 = arith.cmpi ne, %rem3A_524, %ne3A_526 : vector<16xi32>
        %and3A = arith.andi %ne3A_522, %ne3A_527 : vector<16xi1>
        %sub3A = arith.constant 1 : i32
        %sub3A_528 = vector.broadcast %sub3A : i32 to vector<16xi32>
        %sub3A_529 = arith.subi %div3A_506, %sub3A_528 : vector<16xi32>
        %select_n3A = arith.select %and3A, %sub3A_529, %div3A_506 : vector<16xi1>, vector<16xi32>
        %add3A_530 = arith.constant 0 : i32
        %add3A_531 = vector.broadcast %add3A_530 : i32 to vector<16xi32>
        %add3A_532 = arith.addi %add3A_531, %select_n3A : vector<16xi32>
        %rem3A_533 = arith.constant 8 : i32
        %rem3A_534 = vector.broadcast %rem3A_533 : i32 to vector<16xi32>
        %rem3A_535 = arith.remsi %rem3A_505, %rem3A_534 : vector<16xi32>
        %add3A_536 = arith.constant 128 : i32
        %add3A_537 = vector.broadcast %add3A_536 : i32 to vector<16xi32>
        %add3A_538 = arith.addi %add3A_537, %iota3A : vector<16xi32>
        %gather3A = tpu.vector_load_idx %arg9[%add3A_538, %rem3A_505] : memref<512x32xf32, #tpu.memory_space<vmem>>[vector<16xi32>, vector<16xi32>], vector<16xf32>,
        %add3A_539 = arith.constant 144 : i32
        %add3A_540 = vector.broadcast %add3A_539 : i32 to vector<16xi32>
        %add3A_541 = arith.addi %add3A_540, %iota3A : vector<16xi32>
        %gather3A_542 = tpu.vector_load_idx %arg9[%add3A_541, %rem3A_505] : memref<512x32xf32, #tpu.memory_space<vmem>>[vector<16xi32>, vector<16xi32>], vector<16xf32>,
        %add3A_543 = arith.constant 160 : i32
        %add3A_544 = vector.broadcast %add3A_543 : i32 to vector<16xi32>
        %add3A_545 = arith.addi %add3A_544, %iota3A : vector<16xi32>
        %gather3A_546 = tpu.vector_load_idx %arg9[%add3A_545, %rem3A_505] : memref<512x32xf32, #tpu.memory_space<vmem>>[vector<16xi32>, vector<16xi32>], vector<16xf32>,
        %add3A_547 = arith.constant 176 : i32
        %add3A_548 = vector.broadcast %add3A_547 : i32 to vector<16xi32>
        %add3A_549 = arith.addi %add3A_548, %iota3A : vector<16xi32>
        %gather3A_550 = tpu.vector_load_idx %arg9[%add3A_549, %rem3A_505] : memref<512x32xf32, #tpu.memory_space<vmem>>[vector<16xi32>, vector<16xi32>], vector<16xf32>,
        %add3A_551 = arith.constant 192 : i32
        %add3A_552 = vector.broadcast %add3A_551 : i32 to vector<16xi32>
        %add3A_553 = arith.addi %add3A_552, %iota3A : vector<16xi32>
        %gather3A_554 = tpu.vector_load_idx %arg9[%add3A_553, %rem3A_505] : memref<512x32xf32, #tpu.memory_space<vmem>>[vector<16xi32>, vector<16xi32>], vector<16xf32>,
        %add3A_555 = arith.constant 208 : i32
        %add3A_556 = vector.broadcast %add3A_555 : i32 to vector<16xi32>
        %add3A_557 = arith.addi %add3A_556, %iota3A : vector<16xi32>
        %gather3A_558 = tpu.vector_load_idx %arg9[%add3A_557, %rem3A_505] : memref<512x32xf32, #tpu.memory_space<vmem>>[vector<16xi32>, vector<16xi32>], vector<16xf32>,
        %add3A_559 = arith.constant 224 : i32
        %add3A_560 = vector.broadcast %add3A_559 : i32 to vector<16xi32>
        %add3A_561 = arith.addi %add3A_560, %iota3A : vector<16xi32>
        %gather3A_562 = tpu.vector_load_idx %arg9[%add3A_561, %rem3A_505] : memref<512x32xf32, #tpu.memory_space<vmem>>[vector<16xi32>, vector<16xi32>], vector<16xf32>,
        %add3A_563 = arith.constant 240 : i32
        %add3A_564 = vector.broadcast %add3A_563 : i32 to vector<16xi32>
        %add3A_565 = arith.addi %add3A_564, %iota3A : vector<16xi32>
        %gather3A_566 = tpu.vector_load_idx %arg9[%add3A_565, %rem3A_505] : memref<512x32xf32, #tpu.memory_space<vmem>>[vector<16xi32>, vector<16xi32>], vector<16xf32>,
        %add3A_567 = arith.constant 0 : i32
        %add3A_568 = vector.broadcast %add3A_567 : i32 to vector<16xi32>
        %add3A_569 = arith.addi %add3A_568, %iota3A : vector<16xi32>
        tpu.vector_store_idx %arg11[%add3A_289, %add3A_532, %rem3A_535, %add3A_569], %gather3A : memref<2x8x8x128xf32, #tpu.memory_space<vmem>>[vector<16xi32>, vector<16xi32>, vector<16xi32>, vector<16xi32>], vector<16xf32>,
        %add3A_570 = arith.constant 16 : i32
        %add3A_571 = vector.broadcast %add3A_570 : i32 to vector<16xi32>
        %add3A_572 = arith.addi %add3A_571, %iota3A : vector<16xi32>
        tpu.vector_store_idx %arg11[%add3A_289, %add3A_532, %rem3A_535, %add3A_572], %gather3A_542 : memref<2x8x8x128xf32, #tpu.memory_space<vmem>>[vector<16xi32>, vector<16xi32>, vector<16xi32>, vector<16xi32>], vector<16xf32>,
        %add3A_573 = arith.constant 32 : i32
        %add3A_574 = vector.broadcast %add3A_573 : i32 to vector<16xi32>
        %add3A_575 = arith.addi %add3A_574, %iota3A : vector<16xi32>
        tpu.vector_store_idx %arg11[%add3A_289, %add3A_532, %rem3A_535, %add3A_575], %gather3A_546 : memref<2x8x8x128xf32, #tpu.memory_space<vmem>>[vector<16xi32>, vector<16xi32>, vector<16xi32>, vector<16xi32>], vector<16xf32>,
        %add3A_576 = arith.constant 48 : i32
        %add3A_577 = vector.broadcast %add3A_576 : i32 to vector<16xi32>
        %add3A_578 = arith.addi %add3A_577, %iota3A : vector<16xi32>
        tpu.vector_store_idx %arg11[%add3A_289, %add3A_532, %rem3A_535, %add3A_578], %gather3A_550 : memref<2x8x8x128xf32, #tpu.memory_space<vmem>>[vector<16xi32>, vector<16xi32>, vector<16xi32>, vector<16xi32>], vector<16xf32>,
        %add3A_579 = arith.constant 64 : i32
        %add3A_580 = vector.broadcast %add3A_579 : i32 to vector<16xi32>
        %add3A_581 = arith.addi %add3A_580, %iota3A : vector<16xi32>
        tpu.vector_store_idx %arg11[%add3A_289, %add3A_532, %rem3A_535, %add3A_581], %gather3A_554 : memref<2x8x8x128xf32, #tpu.memory_space<vmem>>[vector<16xi32>, vector<16xi32>, vector<16xi32>, vector<16xi32>], vector<16xf32>,
        %add3A_582 = arith.constant 80 : i32
        %add3A_583 = vector.broadcast %add3A_582 : i32 to vector<16xi32>
        %add3A_584 = arith.addi %add3A_583, %iota3A : vector<16xi32>
        tpu.vector_store_idx %arg11[%add3A_289, %add3A_532, %rem3A_535, %add3A_584], %gather3A_558 : memref<2x8x8x128xf32, #tpu.memory_space<vmem>>[vector<16xi32>, vector<16xi32>, vector<16xi32>, vector<16xi32>], vector<16xf32>,
        %add3A_585 = arith.constant 96 : i32
        %add3A_586 = vector.broadcast %add3A_585 : i32 to vector<16xi32>
        %add3A_587 = arith.addi %add3A_586, %iota3A : vector<16xi32>
        tpu.vector_store_idx %arg11[%add3A_289, %add3A_532, %rem3A_535, %add3A_587], %gather3A_562 : memref<2x8x8x128xf32, #tpu.memory_space<vmem>>[vector<16xi32>, vector<16xi32>, vector<16xi32>, vector<16xi32>], vector<16xf32>,
        %add3A_588 = arith.constant 112 : i32
        %add3A_589 = vector.broadcast %add3A_588 : i32 to vector<16xi32>
        %add3A_590 = arith.addi %add3A_589, %iota3A : vector<16xi32>
        tpu.vector_store_idx %arg11[%add3A_289, %add3A_532, %rem3A_535, %add3A_590], %gather3A_566 : memref<2x8x8x128xf32, #tpu.memory_space<vmem>>[vector<16xi32>, vector<16xi32>, vector<16xi32>, vector<16xi32>], vector<16xf32>,
      }
      %scan3A_294 = arith.constant 32 : i32
      %scan3A_295 = arith.constant 0 : i32
      %scan3A_296 = arith.constant 32 : i32
      %scan3A_297 = arith.addi %scan3A_295, %scan3A_296 : i32
      %scan3A_298 = arith.constant 1 : i32
      scf.for %scan3A_497 = %scan3A_295 to %scan3A_297 step %scan3A_298  : i32 {
        %mul3A_498 = arith.constant 1 : i32
        %mul3A_499 = arith.muli %scan3A_497, %mul3A_498 : i32
        %add3A_500 = arith.constant 0 : i32
        %add3A_501 = arith.addi %add3A_500, %mul3A_499 : i32
        %add3A_502 = vector.broadcast %add3A_501 : i32 to vector<16xi32>
        %add3A_503 = arith.addi %add3A_502, %iota3A : vector<16xi32>
        %rem3A = arith.constant 32 : i32
        %rem3A_504 = vector.broadcast %rem3A : i32 to vector<16xi32>
        %rem3A_505 = arith.remsi %add3A_503, %rem3A_504 : vector<16xi32>
        %jit3A = arith.constant 8 : i32
        %div3A = vector.broadcast %jit3A : i32 to vector<16xi32>
        %div3A_506 = arith.divsi %rem3A_505, %div3A : vector<16xi32>
        %sign3A = arith.constant 0 : i32
        %sign3A_507 = vector.broadcast %sign3A : i32 to vector<16xi32>
        %sign3A_508 = arith.cmpi sgt, %rem3A_505, %sign3A_507 : vector<16xi32>
        %sign3A_509 = arith.extui %sign3A_508 : vector<16xi1> to vector<16xi32>
        %sign3A_510 = arith.constant 0 : i32
        %sign3A_511 = vector.broadcast %sign3A_510 : i32 to vector<16xi32>
        %sign3A_512 = arith.cmpi slt, %rem3A_505, %sign3A_511 : vector<16xi32>
        %sign3A_513 = arith.extui %sign3A_512 : vector<16xi1> to vector<16xi32>
        %sign3A_514 = arith.subi %sign3A_509, %sign3A_513 : vector<16xi32>
        %sign3A_515 = arith.constant 0 : i32
        %sign3A_516 = arith.cmpi sgt, %jit3A, %sign3A_515 : i32
        %sign3A_517 = arith.extui %sign3A_516 : i1 to i32
        %sign3A_518 = arith.constant 0 : i32
        %sign3A_519 = arith.cmpi slt, %jit3A, %sign3A_518 : i32
        %sign3A_520 = arith.extui %sign3A_519 : i1 to i32
        %sign3A_521 = arith.subi %sign3A_517, %sign3A_520 : i32
        %ne3A = vector.broadcast %sign3A_521 : i32 to vector<16xi32>
        %ne3A_522 = arith.cmpi ne, %sign3A_514, %ne3A : vector<16xi32>
        %rem3A_523 = vector.broadcast %jit3A : i32 to vector<16xi32>
        %rem3A_524 = arith.remsi %rem3A_505, %rem3A_523 : vector<16xi32>
        %ne3A_525 = arith.constant 0 : i32
        %ne3A_526 = vector.broadcast %ne3A_525 : i32 to vector<16xi32>
        %ne3A_527 = arith.cmpi ne, %rem3A_524, %ne3A_526 : vector<16xi32>
        %and3A = arith.andi %ne3A_522, %ne3A_527 : vector<16xi1>
        %sub3A = arith.constant 1 : i32
        %sub3A_528 = vector.broadcast %sub3A : i32 to vector<16xi32>
        %sub3A_529 = arith.subi %div3A_506, %sub3A_528 : vector<16xi32>
        %select_n3A = arith.select %and3A, %sub3A_529, %div3A_506 : vector<16xi1>, vector<16xi32>
        %add3A_530 = arith.constant 4 : i32
        %add3A_531 = vector.broadcast %add3A_530 : i32 to vector<16xi32>
        %add3A_532 = arith.addi %add3A_531, %select_n3A : vector<16xi32>
        %rem3A_533 = arith.constant 8 : i32
        %rem3A_534 = vector.broadcast %rem3A_533 : i32 to vector<16xi32>
        %rem3A_535 = arith.remsi %rem3A_505, %rem3A_534 : vector<16xi32>
        %add3A_536 = arith.constant 128 : i32
        %add3A_537 = vector.broadcast %add3A_536 : i32 to vector<16xi32>
        %add3A_538 = arith.addi %add3A_537, %iota3A : vector<16xi32>
        %gather3A = tpu.vector_load_idx %arg10[%add3A_538, %rem3A_505] : memref<512x32xf32, #tpu.memory_space<vmem>>[vector<16xi32>, vector<16xi32>], vector<16xf32>,
        %add3A_539 = arith.constant 144 : i32
        %add3A_540 = vector.broadcast %add3A_539 : i32 to vector<16xi32>
        %add3A_541 = arith.addi %add3A_540, %iota3A : vector<16xi32>
        %gather3A_542 = tpu.vector_load_idx %arg10[%add3A_541, %rem3A_505] : memref<512x32xf32, #tpu.memory_space<vmem>>[vector<16xi32>, vector<16xi32>], vector<16xf32>,
        %add3A_543 = arith.constant 160 : i32
        %add3A_544 = vector.broadcast %add3A_543 : i32 to vector<16xi32>
        %add3A_545 = arith.addi %add3A_544, %iota3A : vector<16xi32>
        %gather3A_546 = tpu.vector_load_idx %arg10[%add3A_545, %rem3A_505] : memref<512x32xf32, #tpu.memory_space<vmem>>[vector<16xi32>, vector<16xi32>], vector<16xf32>,
        %add3A_547 = arith.constant 176 : i32
        %add3A_548 = vector.broadcast %add3A_547 : i32 to vector<16xi32>
        %add3A_549 = arith.addi %add3A_548, %iota3A : vector<16xi32>
        %gather3A_550 = tpu.vector_load_idx %arg10[%add3A_549, %rem3A_505] : memref<512x32xf32, #tpu.memory_space<vmem>>[vector<16xi32>, vector<16xi32>], vector<16xf32>,
        %add3A_551 = arith.constant 192 : i32
        %add3A_552 = vector.broadcast %add3A_551 : i32 to vector<16xi32>
        %add3A_553 = arith.addi %add3A_552, %iota3A : vector<16xi32>
        %gather3A_554 = tpu.vector_load_idx %arg10[%add3A_553, %rem3A_505] : memref<512x32xf32, #tpu.memory_space<vmem>>[vector<16xi32>, vector<16xi32>], vector<16xf32>,
        %add3A_555 = arith.constant 208 : i32
        %add3A_556 = vector.broadcast %add3A_555 : i32 to vector<16xi32>
        %add3A_557 = arith.addi %add3A_556, %iota3A : vector<16xi32>
        %gather3A_558 = tpu.vector_load_idx %arg10[%add3A_557, %rem3A_505] : memref<512x32xf32, #tpu.memory_space<vmem>>[vector<16xi32>, vector<16xi32>], vector<16xf32>,
        %add3A_559 = arith.constant 224 : i32
        %add3A_560 = vector.broadcast %add3A_559 : i32 to vector<16xi32>
        %add3A_561 = arith.addi %add3A_560, %iota3A : vector<16xi32>
        %gather3A_562 = tpu.vector_load_idx %arg10[%add3A_561, %rem3A_505] : memref<512x32xf32, #tpu.memory_space<vmem>>[vector<16xi32>, vector<16xi32>], vector<16xf32>,
        %add3A_563 = arith.constant 240 : i32
        %add3A_564 = vector.broadcast %add3A_563 : i32 to vector<16xi32>
        %add3A_565 = arith.addi %add3A_564, %iota3A : vector<16xi32>
        %gather3A_566 = tpu.vector_load_idx %arg10[%add3A_565, %rem3A_505] : memref<512x32xf32, #tpu.memory_space<vmem>>[vector<16xi32>, vector<16xi32>], vector<16xf32>,
        %add3A_567 = arith.constant 0 : i32
        %add3A_568 = vector.broadcast %add3A_567 : i32 to vector<16xi32>
        %add3A_569 = arith.addi %add3A_568, %iota3A : vector<16xi32>
        tpu.vector_store_idx %arg11[%add3A_289, %add3A_532, %rem3A_535, %add3A_569], %gather3A : memref<2x8x8x128xf32, #tpu.memory_space<vmem>>[vector<16xi32>, vector<16xi32>, vector<16xi32>, vector<16xi32>], vector<16xf32>,
        %add3A_570 = arith.constant 16 : i32
        %add3A_571 = vector.broadcast %add3A_570 : i32 to vector<16xi32>
        %add3A_572 = arith.addi %add3A_571, %iota3A : vector<16xi32>
        tpu.vector_store_idx %arg11[%add3A_289, %add3A_532, %rem3A_535, %add3A_572], %gather3A_542 : memref<2x8x8x128xf32, #tpu.memory_space<vmem>>[vector<16xi32>, vector<16xi32>, vector<16xi32>, vector<16xi32>], vector<16xf32>,
        %add3A_573 = arith.constant 32 : i32
        %add3A_574 = vector.broadcast %add3A_573 : i32 to vector<16xi32>
        %add3A_575 = arith.addi %add3A_574, %iota3A : vector<16xi32>
        tpu.vector_store_idx %arg11[%add3A_289, %add3A_532, %rem3A_535, %add3A_575], %gather3A_546 : memref<2x8x8x128xf32, #tpu.memory_space<vmem>>[vector<16xi32>, vector<16xi32>, vector<16xi32>, vector<16xi32>], vector<16xf32>,
        %add3A_576 = arith.constant 48 : i32
        %add3A_577 = vector.broadcast %add3A_576 : i32 to vector<16xi32>
        %add3A_578 = arith.addi %add3A_577, %iota3A : vector<16xi32>
        tpu.vector_store_idx %arg11[%add3A_289, %add3A_532, %rem3A_535, %add3A_578], %gather3A_550 : memref<2x8x8x128xf32, #tpu.memory_space<vmem>>[vector<16xi32>, vector<16xi32>, vector<16xi32>, vector<16xi32>], vector<16xf32>,
        %add3A_579 = arith.constant 64 : i32
        %add3A_580 = vector.broadcast %add3A_579 : i32 to vector<16xi32>
        %add3A_581 = arith.addi %add3A_580, %iota3A : vector<16xi32>
        tpu.vector_store_idx %arg11[%add3A_289, %add3A_532, %rem3A_535, %add3A_581], %gather3A_554 : memref<2x8x8x128xf32, #tpu.memory_space<vmem>>[vector<16xi32>, vector<16xi32>, vector<16xi32>, vector<16xi32>], vector<16xf32>,
        %add3A_582 = arith.constant 80 : i32
        %add3A_583 = vector.broadcast %add3A_582 : i32 to vector<16xi32>
        %add3A_584 = arith.addi %add3A_583, %iota3A : vector<16xi32>
        tpu.vector_store_idx %arg11[%add3A_289, %add3A_532, %rem3A_535, %add3A_584], %gather3A_558 : memref<2x8x8x128xf32, #tpu.memory_space<vmem>>[vector<16xi32>, vector<16xi32>, vector<16xi32>, vector<16xi32>], vector<16xf32>,
        %add3A_585 = arith.constant 96 : i32
        %add3A_586 = vector.broadcast %add3A_585 : i32 to vector<16xi32>
        %add3A_587 = arith.addi %add3A_586, %iota3A : vector<16xi32>
        tpu.vector_store_idx %arg11[%add3A_289, %add3A_532, %rem3A_535, %add3A_587], %gather3A_562 : memref<2x8x8x128xf32, #tpu.memory_space<vmem>>[vector<16xi32>, vector<16xi32>, vector<16xi32>, vector<16xi32>], vector<16xf32>,
        %add3A_588 = arith.constant 112 : i32
        %add3A_589 = vector.broadcast %add3A_588 : i32 to vector<16xi32>
        %add3A_590 = arith.addi %add3A_589, %iota3A : vector<16xi32>
        tpu.vector_store_idx %arg11[%add3A_289, %add3A_532, %rem3A_535, %add3A_590], %gather3A_566 : memref<2x8x8x128xf32, #tpu.memory_space<vmem>>[vector<16xi32>, vector<16xi32>, vector<16xi32>, vector<16xi32>], vector<16xf32>,
      }
      %scan3A_299 = arith.constant 32 : i32
      %dma_start3A_300 = arith.constant 1 : i32
      %dma_start3A_301 = arith.constant 1 : i32
      %dma_start3A_302 = arith.constant 0 : i32
      %dma_start3A_303 = arith.constant 0 : i32
      %dma_start3A_304 = arith.constant 0 : i32
      %dma_start3A_305 = tpu.memref_slice %arg11[%dma_start3A_300, %dma_start3A_302, %dma_start3A_303, %dma_start3A_304] : memref<2x8x8x128xf32, #tpu.memory_space<vmem>> -> memref<1x8x8x128xf32, #tpu.memory_space<vmem>>
      %dma_start3A_306 = tpu.memref_squeeze %dma_start3A_305 : memref<1x8x8x128xf32, #tpu.memory_space<vmem>> -> memref<8x8x128xf32, #tpu.memory_space<vmem>>
      %dma_start3A_307 = arith.constant 0 : i32
      %dma_start3A_308 = arith.constant 0 : i32
      %dma_start3A_309 = arith.constant 0 : i32
      %dma_start3A_310 = tpu.memref_slice %arg6[%add3A_251, %dma_start3A_307, %add3A, %dma_start3A_308, %dma_start3A_309] : memref<200x8x32x8x128xf32, #tpu.memory_space<hbm>> -> memref<1x8x1x8x128xf32, #tpu.memory_space<hbm>>
      %dma_start3A_311 = tpu.memref_squeeze %dma_start3A_310 : memref<1x8x1x8x128xf32, #tpu.memory_space<hbm>> -> memref<8x8x128xf32, #tpu.memory_space<hbm>>
      %dma_start3A_312 = tpu.memref_slice %arg13[%dma_start3A_301] : memref<2x!tpu.dma_semaphore, #tpu.memory_space<semaphore_mem>> -> memref<1x!tpu.dma_semaphore, #tpu.memory_space<semaphore_mem>>
      %dma_start3A_313 = tpu.memref_squeeze %dma_start3A_312 : memref<1x!tpu.dma_semaphore, #tpu.memory_space<semaphore_mem>> -> memref<!tpu.dma_semaphore, #tpu.memory_space<semaphore_mem>>
      %dma_start3A_314 = arith.constant 0 : i32
      %dma_start3A_315 = arith.constant 0 : i32
      %dma_start3A_316 = arith.constant 0 : i32
      %dma_start3A_317 = tpu.memref_slice %arg6[%add3A_251, %dma_start3A_314, %add3A, %dma_start3A_315, %dma_start3A_316] : memref<200x8x32x8x128xf32, #tpu.memory_space<hbm>> -> memref<1x8x1x8x128xf32, #tpu.memory_space<hbm>>
      %dma_start3A_318 = tpu.memref_squeeze %dma_start3A_317 : memref<1x8x1x8x128xf32, #tpu.memory_space<hbm>> -> memref<8x8x128xf32, #tpu.memory_space<hbm>>
      %dma_start3A_319 = arith.constant 0 : i32
      %dma_start3A_320 = arith.constant 0 : i32
      %dma_start3A_321 = arith.constant 0 : i32
      %dma_start3A_322 = tpu.memref_slice %arg11[%dma_start3A_300, %dma_start3A_319, %dma_start3A_320, %dma_start3A_321] : memref<2x8x8x128xf32, #tpu.memory_space<vmem>> -> memref<1x8x8x128xf32, #tpu.memory_space<vmem>>
      %dma_start3A_323 = tpu.memref_squeeze %dma_start3A_322 : memref<1x8x8x128xf32, #tpu.memory_space<vmem>> -> memref<8x8x128xf32, #tpu.memory_space<vmem>>
      tpu.enqueue_dma source(%dma_start3A_323 : memref<8x8x128xf32, #tpu.memory_space<vmem>>) target(%dma_start3A_318 : memref<8x8x128xf32, #tpu.memory_space<hbm>>) target_semaphore(%dma_start3A_313 : memref<!tpu.dma_semaphore, #tpu.memory_space<semaphore_mem>>)
      %add3A_324 = arith.constant 4 : i32
      %add3A_325 = arith.addi %add3A_251, %add3A_324 : i32
      %lt3A_326 = arith.constant 200 : i32
      %lt3A_327 = arith.cmpi slt, %add3A_325, %lt3A_326 : i32
      %convert_element_type3A_328 = arith.extui %lt3A_327 : i1 to i32
      %cond3A_329 = arith.constant 0 : i32
      %cond3A_330 = arith.cmpi ne, %convert_element_type3A_328, %cond3A_329 : i32
      scf.if %cond3A_330 {
        %add3A_497 = arith.constant 4 : i32
        %add3A_498 = arith.addi %add3A_251, %add3A_497 : i32
        %jit3A = arith.constant 8 : i32
        %div3A = arith.divsi %add3A_498, %jit3A : i32
        %sign3A = arith.constant 0 : i32
        %sign3A_499 = arith.cmpi sgt, %add3A_498, %sign3A : i32
        %sign3A_500 = arith.extui %sign3A_499 : i1 to i32
        %sign3A_501 = arith.constant 0 : i32
        %sign3A_502 = arith.cmpi slt, %add3A_498, %sign3A_501 : i32
        %sign3A_503 = arith.extui %sign3A_502 : i1 to i32
        %sign3A_504 = arith.subi %sign3A_500, %sign3A_503 : i32
        %sign3A_505 = arith.constant 0 : i32
        %sign3A_506 = arith.cmpi sgt, %jit3A, %sign3A_505 : i32
        %sign3A_507 = arith.extui %sign3A_506 : i1 to i32
        %sign3A_508 = arith.constant 0 : i32
        %sign3A_509 = arith.cmpi slt, %jit3A, %sign3A_508 : i32
        %sign3A_510 = arith.extui %sign3A_509 : i1 to i32
        %sign3A_511 = arith.subi %sign3A_507, %sign3A_510 : i32
        %ne3A = arith.cmpi ne, %sign3A_504, %sign3A_511 : i32
        %rem3A = arith.remsi %add3A_498, %jit3A : i32
        %ne3A_512 = arith.constant 0 : i32
        %ne3A_513 = arith.cmpi ne, %rem3A, %ne3A_512 : i32
        %and3A = arith.andi %ne3A, %ne3A_513 : i1
        %sub3A = arith.constant 1 : i32
        %sub3A_514 = arith.subi %div3A, %sub3A : i32
        %select_n3A = arith.select %and3A, %sub3A_514, %div3A : i32
        %jit3A_515 = arith.constant 8 : i32
        %eq3A = arith.constant 0 : i32
        %eq3A_516 = arith.cmpi eq, %jit3A_515, %eq3A : i32
        %jit3A_517 = arith.constant 1 : i32
        %select_n3A_518 = arith.select %eq3A_516, %jit3A_517, %jit3A_515 : i32
        %rem3A_519 = arith.remsi %add3A_498, %select_n3A_518 : i32
        %ne3A_520 = arith.constant 0 : i32
        %ne3A_521 = arith.cmpi ne, %rem3A_519, %ne3A_520 : i32
        %lt3A_522 = arith.constant 0 : i32
        %lt3A_523 = arith.cmpi slt, %rem3A_519, %lt3A_522 : i32
        %lt3A_524 = arith.constant 0 : i32
        %lt3A_525 = arith.cmpi slt, %select_n3A_518, %lt3A_524 : i32
        %ne3A_526 = arith.xori %lt3A_523, %lt3A_525 : i1
        %and3A_527 = arith.andi %ne3A_526, %ne3A_521 : i1
        %add3A_528 = arith.addi %rem3A_519, %select_n3A_518 : i32
        %select_n3A_529 = arith.select %and3A_527, %add3A_528, %rem3A_519 : i32
        %dma_start3A_530 = arith.constant 1 : i32
        %dma_start3A_531 = arith.constant 128 : i32
        %dma_start3A_532 = arith.constant 0 : i32
        %dma_start3A_533 = tpu.memref_slice %arg9[%dma_start3A_531, %dma_start3A_532] : memref<512x32xf32, #tpu.memory_space<vmem>> -> memref<128x32xf32, #tpu.memory_space<vmem>>
        %dma_start3A_534 = arith.constant 0 : i32
        %dma_start3A_535 = tpu.memref_slice %arg7[%select_n3A, %select_n3A_529, %dma_start3A_534] : memref<25x8x128xi32, #tpu.memory_space<vmem>> -> memref<1x1x128xi32, #tpu.memory_space<vmem>>
        %dma_start3A_536 = tpu.memref_squeeze %dma_start3A_535 : memref<1x1x128xi32, #tpu.memory_space<vmem>> -> memref<128xi32, #tpu.memory_space<vmem>>
        %dma_start3A_537 = arith.constant 0 : i32
        %dma_start3A_538 = arith.constant 0 : i32
        %dma_start3A_539 = tpu.memref_slice %arg4[%dma_start3A_537, %dma_start3A_538] : memref<100000x32xf32, #tpu.memory_space<hbm>> -> memref<100000x32xf32, #tpu.memory_space<hbm>>
        %dma_start3A_540 = tpu.memref_slice %arg12[%dma_start3A_530] : memref<4x!tpu.dma_semaphore, #tpu.memory_space<semaphore_mem>> -> memref<1x!tpu.dma_semaphore, #tpu.memory_space<semaphore_mem>>
        %dma_start3A_541 = tpu.memref_squeeze %dma_start3A_540 : memref<1x!tpu.dma_semaphore, #tpu.memory_space<semaphore_mem>> -> memref<!tpu.dma_semaphore, #tpu.memory_space<semaphore_mem>>
        tpu.enqueue_indirect_dma source(%dma_start3A_539 : memref<100000x32xf32, #tpu.memory_space<hbm>>) target(%dma_start3A_533 : memref<128x32xf32, #tpu.memory_space<vmem>>) offsets(%dma_start3A_536 : memref<128xi32, #tpu.memory_space<vmem>>) semaphore(%dma_start3A_541 : memref<!tpu.dma_semaphore, #tpu.memory_space<semaphore_mem>>)
        %dma_start3A_542 = arith.constant 1 : i32
        %dma_start3A_543 = arith.constant 128 : i32
        %dma_start3A_544 = arith.constant 0 : i32
        %dma_start3A_545 = tpu.memref_slice %arg10[%dma_start3A_543, %dma_start3A_544] : memref<512x32xf32, #tpu.memory_space<vmem>> -> memref<128x32xf32, #tpu.memory_space<vmem>>
        %dma_start3A_546 = arith.constant 0 : i32
        %dma_start3A_547 = tpu.memref_slice %arg8[%select_n3A, %select_n3A_529, %dma_start3A_546] : memref<25x8x128xi32, #tpu.memory_space<vmem>> -> memref<1x1x128xi32, #tpu.memory_space<vmem>>
        %dma_start3A_548 = tpu.memref_squeeze %dma_start3A_547 : memref<1x1x128xi32, #tpu.memory_space<vmem>> -> memref<128xi32, #tpu.memory_space<vmem>>
        %dma_start3A_549 = arith.constant 0 : i32
        %dma_start3A_550 = arith.constant 0 : i32
        %dma_start3A_551 = tpu.memref_slice %arg5[%dma_start3A_549, %dma_start3A_550] : memref<100000x32xf32, #tpu.memory_space<hbm>> -> memref<100000x32xf32, #tpu.memory_space<hbm>>
        %dma_start3A_552 = tpu.memref_slice %arg12[%dma_start3A_542] : memref<4x!tpu.dma_semaphore, #tpu.memory_space<semaphore_mem>> -> memref<1x!tpu.dma_semaphore, #tpu.memory_space<semaphore_mem>>
        %dma_start3A_553 = tpu.memref_squeeze %dma_start3A_552 : memref<1x!tpu.dma_semaphore, #tpu.memory_space<semaphore_mem>> -> memref<!tpu.dma_semaphore, #tpu.memory_space<semaphore_mem>>
        tpu.enqueue_indirect_dma source(%dma_start3A_551 : memref<100000x32xf32, #tpu.memory_space<hbm>>) target(%dma_start3A_545 : memref<128x32xf32, #tpu.memory_space<vmem>>) offsets(%dma_start3A_548 : memref<128xi32, #tpu.memory_space<vmem>>) semaphore(%dma_start3A_553 : memref<!tpu.dma_semaphore, #tpu.memory_space<semaphore_mem>>)
      } else {
      }
      %mul3A_331 = arith.constant 4 : i32
      %mul3A_332 = arith.muli %add3A_169, %mul3A_331 : i32
      %add3A_333 = arith.constant 2 : i32
      %add3A_334 = arith.addi %mul3A_332, %add3A_333 : i32
      %dma_wait3A_335 = arith.constant 0 : i32
      %dma_wait3A_336 = arith.constant 0 : i32
      %dma_wait3A_337 = arith.constant 2 : i32
      %dma_wait3A_338 = arith.constant 256 : i32
      %dma_wait3A_339 = arith.constant 0 : i32
      %dma_wait3A_340 = tpu.memref_slice %arg9[%dma_wait3A_338, %dma_wait3A_339] : memref<512x32xf32, #tpu.memory_space<vmem>> -> memref<128x32xf32, #tpu.memory_space<vmem>>
      %dma_wait3A_341 = arith.constant 0 : i32
      %dma_wait3A_342 = tpu.memref_slice %arg7[%dma_wait3A_335, %dma_wait3A_336, %dma_wait3A_341] : memref<25x8x128xi32, #tpu.memory_space<vmem>> -> memref<1x1x128xi32, #tpu.memory_space<vmem>>
      %dma_wait3A_343 = tpu.memref_squeeze %dma_wait3A_342 : memref<1x1x128xi32, #tpu.memory_space<vmem>> -> memref<128xi32, #tpu.memory_space<vmem>>
      %dma_wait3A_344 = arith.constant 0 : i32
      %dma_wait3A_345 = arith.constant 0 : i32
      %dma_wait3A_346 = tpu.memref_slice %arg4[%dma_wait3A_344, %dma_wait3A_345] : memref<100000x32xf32, #tpu.memory_space<hbm>> -> memref<100000x32xf32, #tpu.memory_space<hbm>>
      %dma_wait3A_347 = tpu.memref_slice %arg12[%dma_wait3A_337] : memref<4x!tpu.dma_semaphore, #tpu.memory_space<semaphore_mem>> -> memref<1x!tpu.dma_semaphore, #tpu.memory_space<semaphore_mem>>
      %dma_wait3A_348 = tpu.memref_squeeze %dma_wait3A_347 : memref<1x!tpu.dma_semaphore, #tpu.memory_space<semaphore_mem>> -> memref<!tpu.dma_semaphore, #tpu.memory_space<semaphore_mem>>
      tpu.wait_indirect_dma semaphore(%dma_wait3A_348 : memref<!tpu.dma_semaphore, #tpu.memory_space<semaphore_mem>>) src(%dma_wait3A_346 : memref<100000x32xf32, #tpu.memory_space<hbm>>) dst(%dma_wait3A_340 : memref<128x32xf32, #tpu.memory_space<vmem>>)
      %dma_wait3A_349 = arith.constant 0 : i32
      %dma_wait3A_350 = arith.constant 0 : i32
      %dma_wait3A_351 = arith.constant 2 : i32
      %dma_wait3A_352 = arith.constant 256 : i32
      %dma_wait3A_353 = arith.constant 0 : i32
      %dma_wait3A_354 = tpu.memref_slice %arg10[%dma_wait3A_352, %dma_wait3A_353] : memref<512x32xf32, #tpu.memory_space<vmem>> -> memref<128x32xf32, #tpu.memory_space<vmem>>
      %dma_wait3A_355 = arith.constant 0 : i32
      %dma_wait3A_356 = tpu.memref_slice %arg8[%dma_wait3A_349, %dma_wait3A_350, %dma_wait3A_355] : memref<25x8x128xi32, #tpu.memory_space<vmem>> -> memref<1x1x128xi32, #tpu.memory_space<vmem>>
      %dma_wait3A_357 = tpu.memref_squeeze %dma_wait3A_356 : memref<1x1x128xi32, #tpu.memory_space<vmem>> -> memref<128xi32, #tpu.memory_space<vmem>>
      %dma_wait3A_358 = arith.constant 0 : i32
      %dma_wait3A_359 = arith.constant 0 : i32
      %dma_wait3A_360 = tpu.memref_slice %arg5[%dma_wait3A_358, %dma_wait3A_359] : memref<100000x32xf32, #tpu.memory_space<hbm>> -> memref<100000x32xf32, #tpu.memory_space<hbm>>
      %dma_wait3A_361 = tpu.memref_slice %arg12[%dma_wait3A_351] : memref<4x!tpu.dma_semaphore, #tpu.memory_space<semaphore_mem>> -> memref<1x!tpu.dma_semaphore, #tpu.memory_space<semaphore_mem>>
      %dma_wait3A_362 = tpu.memref_squeeze %dma_wait3A_361 : memref<1x!tpu.dma_semaphore, #tpu.memory_space<semaphore_mem>> -> memref<!tpu.dma_semaphore, #tpu.memory_space<semaphore_mem>>
      tpu.wait_indirect_dma semaphore(%dma_wait3A_362 : memref<!tpu.dma_semaphore, #tpu.memory_space<semaphore_mem>>) src(%dma_wait3A_360 : memref<100000x32xf32, #tpu.memory_space<hbm>>) dst(%dma_wait3A_354 : memref<128x32xf32, #tpu.memory_space<vmem>>)
      %ge3A_363 = arith.constant 2 : i32
      %ge3A_364 = arith.cmpi sge, %add3A_334, %ge3A_363 : i32
      %convert_element_type3A_365 = arith.extui %ge3A_364 : i1 to i32
      %cond3A_366 = arith.constant 0 : i32
      %cond3A_367 = arith.cmpi ne, %convert_element_type3A_365, %cond3A_366 : i32
      scf.if %cond3A_367 {
        %dma_wait3A_497 = arith.constant 0 : i32
        %dma_wait3A_498 = arith.constant 0 : i32
        %dma_wait3A_499 = arith.constant 0 : i32
        %dma_wait3A_500 = arith.constant 0 : i32
        %dma_wait3A_501 = arith.constant 0 : i32
        %dma_wait3A_502 = arith.constant 0 : i32
        %dma_wait3A_503 = tpu.memref_slice %arg11[%dma_wait3A_497, %dma_wait3A_500, %dma_wait3A_501, %dma_wait3A_502] : memref<2x8x8x128xf32, #tpu.memory_space<vmem>> -> memref<1x8x8x128xf32, #tpu.memory_space<vmem>>
        %dma_wait3A_504 = tpu.memref_squeeze %dma_wait3A_503 : memref<1x8x8x128xf32, #tpu.memory_space<vmem>> -> memref<8x8x128xf32, #tpu.memory_space<vmem>>
        %dma_wait3A_505 = arith.constant 0 : i32
        %dma_wait3A_506 = arith.constant 0 : i32
        %dma_wait3A_507 = arith.constant 0 : i32
        %dma_wait3A_508 = tpu.memref_slice %arg6[%dma_wait3A_498, %dma_wait3A_505, %add3A, %dma_wait3A_506, %dma_wait3A_507] : memref<200x8x32x8x128xf32, #tpu.memory_space<hbm>> -> memref<1x8x1x8x128xf32, #tpu.memory_space<hbm>>
        %dma_wait3A_509 = tpu.memref_squeeze %dma_wait3A_508 : memref<1x8x1x8x128xf32, #tpu.memory_space<hbm>> -> memref<8x8x128xf32, #tpu.memory_space<hbm>>
        %dma_wait3A_510 = tpu.memref_slice %arg13[%dma_wait3A_499] : memref<2x!tpu.dma_semaphore, #tpu.memory_space<semaphore_mem>> -> memref<1x!tpu.dma_semaphore, #tpu.memory_space<semaphore_mem>>
        %dma_wait3A_511 = tpu.memref_squeeze %dma_wait3A_510 : memref<1x!tpu.dma_semaphore, #tpu.memory_space<semaphore_mem>> -> memref<!tpu.dma_semaphore, #tpu.memory_space<semaphore_mem>>
        %dma_wait3A_512 = arith.constant 0 : i32
        %dma_wait3A_513 = arith.constant 0 : i32
        %dma_wait3A_514 = arith.constant 0 : i32
        %dma_wait3A_515 = tpu.memref_slice %arg6[%dma_wait3A_498, %dma_wait3A_512, %add3A, %dma_wait3A_513, %dma_wait3A_514] : memref<200x8x32x8x128xf32, #tpu.memory_space<hbm>> -> memref<1x8x1x8x128xf32, #tpu.memory_space<hbm>>
        %dma_wait3A_516 = tpu.memref_squeeze %dma_wait3A_515 : memref<1x8x1x8x128xf32, #tpu.memory_space<hbm>> -> memref<8x8x128xf32, #tpu.memory_space<hbm>>
        %dma_wait3A_517 = arith.constant 0 : i32
        %dma_wait3A_518 = arith.constant 0 : i32
        %dma_wait3A_519 = arith.constant 0 : i32
        %dma_wait3A_520 = tpu.memref_slice %arg11[%dma_wait3A_497, %dma_wait3A_517, %dma_wait3A_518, %dma_wait3A_519] : memref<2x8x8x128xf32, #tpu.memory_space<vmem>> -> memref<1x8x8x128xf32, #tpu.memory_space<vmem>>
        %dma_wait3A_521 = tpu.memref_squeeze %dma_wait3A_520 : memref<1x8x8x128xf32, #tpu.memory_space<vmem>> -> memref<8x8x128xf32, #tpu.memory_space<vmem>>
        tpu.wait_dma2 semaphore(%dma_wait3A_511 : memref<!tpu.dma_semaphore, #tpu.memory_space<semaphore_mem>>) src(%dma_wait3A_521 : memref<8x8x128xf32, #tpu.memory_space<vmem>>) dst(%dma_wait3A_516 : memref<8x8x128xf32, #tpu.memory_space<hbm>>)
      } else {
      }
      %broadcast_in_dim3A_368 = arith.constant 0 : i32
      %broadcast_in_dim3A_369 = vector.broadcast %broadcast_in_dim3A_368 : i32 to vector<16xi32>
      %add3A_370 = arith.constant 0 : i32
      %add3A_371 = vector.broadcast %add3A_370 : i32 to vector<16xi32>
      %add3A_372 = arith.addi %broadcast_in_dim3A_369, %add3A_371 : vector<16xi32>
      %scan3A_373 = arith.constant 0 : i32
      %scan3A_374 = arith.constant 32 : i32
      %scan3A_375 = arith.addi %scan3A_373, %scan3A_374 : i32
      %scan3A_376 = arith.constant 1 : i32
      scf.for %scan3A_497 = %scan3A_373 to %scan3A_375 step %scan3A_376  : i32 {
        %mul3A_498 = arith.constant 1 : i32
        %mul3A_499 = arith.muli %scan3A_497, %mul3A_498 : i32
        %add3A_500 = arith.constant 0 : i32
        %add3A_501 = arith.addi %add3A_500, %mul3A_499 : i32
        %add3A_502 = vector.broadcast %add3A_501 : i32 to vector<16xi32>
        %add3A_503 = arith.addi %add3A_502, %iota3A : vector<16xi32>
        %rem3A = arith.constant 32 : i32
        %rem3A_504 = vector.broadcast %rem3A : i32 to vector<16xi32>
        %rem3A_505 = arith.remsi %add3A_503, %rem3A_504 : vector<16xi32>
        %jit3A = arith.constant 8 : i32
        %div3A = vector.broadcast %jit3A : i32 to vector<16xi32>
        %div3A_506 = arith.divsi %rem3A_505, %div3A : vector<16xi32>
        %sign3A = arith.constant 0 : i32
        %sign3A_507 = vector.broadcast %sign3A : i32 to vector<16xi32>
        %sign3A_508 = arith.cmpi sgt, %rem3A_505, %sign3A_507 : vector<16xi32>
        %sign3A_509 = arith.extui %sign3A_508 : vector<16xi1> to vector<16xi32>
        %sign3A_510 = arith.constant 0 : i32
        %sign3A_511 = vector.broadcast %sign3A_510 : i32 to vector<16xi32>
        %sign3A_512 = arith.cmpi slt, %rem3A_505, %sign3A_511 : vector<16xi32>
        %sign3A_513 = arith.extui %sign3A_512 : vector<16xi1> to vector<16xi32>
        %sign3A_514 = arith.subi %sign3A_509, %sign3A_513 : vector<16xi32>
        %sign3A_515 = arith.constant 0 : i32
        %sign3A_516 = arith.cmpi sgt, %jit3A, %sign3A_515 : i32
        %sign3A_517 = arith.extui %sign3A_516 : i1 to i32
        %sign3A_518 = arith.constant 0 : i32
        %sign3A_519 = arith.cmpi slt, %jit3A, %sign3A_518 : i32
        %sign3A_520 = arith.extui %sign3A_519 : i1 to i32
        %sign3A_521 = arith.subi %sign3A_517, %sign3A_520 : i32
        %ne3A = vector.broadcast %sign3A_521 : i32 to vector<16xi32>
        %ne3A_522 = arith.cmpi ne, %sign3A_514, %ne3A : vector<16xi32>
        %rem3A_523 = vector.broadcast %jit3A : i32 to vector<16xi32>
        %rem3A_524 = arith.remsi %rem3A_505, %rem3A_523 : vector<16xi32>
        %ne3A_525 = arith.constant 0 : i32
        %ne3A_526 = vector.broadcast %ne3A_525 : i32 to vector<16xi32>
        %ne3A_527 = arith.cmpi ne, %rem3A_524, %ne3A_526 : vector<16xi32>
        %and3A = arith.andi %ne3A_522, %ne3A_527 : vector<16xi1>
        %sub3A = arith.constant 1 : i32
        %sub3A_528 = vector.broadcast %sub3A : i32 to vector<16xi32>
        %sub3A_529 = arith.subi %div3A_506, %sub3A_528 : vector<16xi32>
        %select_n3A = arith.select %and3A, %sub3A_529, %div3A_506 : vector<16xi1>, vector<16xi32>
        %add3A_530 = arith.constant 0 : i32
        %add3A_531 = vector.broadcast %add3A_530 : i32 to vector<16xi32>
        %add3A_532 = arith.addi %add3A_531, %select_n3A : vector<16xi32>
        %rem3A_533 = arith.constant 8 : i32
        %rem3A_534 = vector.broadcast %rem3A_533 : i32 to vector<16xi32>
        %rem3A_535 = arith.remsi %rem3A_505, %rem3A_534 : vector<16xi32>
        %add3A_536 = arith.constant 256 : i32
        %add3A_537 = vector.broadcast %add3A_536 : i32 to vector<16xi32>
        %add3A_538 = arith.addi %add3A_537, %iota3A : vector<16xi32>
        %gather3A = tpu.vector_load_idx %arg9[%add3A_538, %rem3A_505] : memref<512x32xf32, #tpu.memory_space<vmem>>[vector<16xi32>, vector<16xi32>], vector<16xf32>,
        %add3A_539 = arith.constant 272 : i32
        %add3A_540 = vector.broadcast %add3A_539 : i32 to vector<16xi32>
        %add3A_541 = arith.addi %add3A_540, %iota3A : vector<16xi32>
        %gather3A_542 = tpu.vector_load_idx %arg9[%add3A_541, %rem3A_505] : memref<512x32xf32, #tpu.memory_space<vmem>>[vector<16xi32>, vector<16xi32>], vector<16xf32>,
        %add3A_543 = arith.constant 288 : i32
        %add3A_544 = vector.broadcast %add3A_543 : i32 to vector<16xi32>
        %add3A_545 = arith.addi %add3A_544, %iota3A : vector<16xi32>
        %gather3A_546 = tpu.vector_load_idx %arg9[%add3A_545, %rem3A_505] : memref<512x32xf32, #tpu.memory_space<vmem>>[vector<16xi32>, vector<16xi32>], vector<16xf32>,
        %add3A_547 = arith.constant 304 : i32
        %add3A_548 = vector.broadcast %add3A_547 : i32 to vector<16xi32>
        %add3A_549 = arith.addi %add3A_548, %iota3A : vector<16xi32>
        %gather3A_550 = tpu.vector_load_idx %arg9[%add3A_549, %rem3A_505] : memref<512x32xf32, #tpu.memory_space<vmem>>[vector<16xi32>, vector<16xi32>], vector<16xf32>,
        %add3A_551 = arith.constant 320 : i32
        %add3A_552 = vector.broadcast %add3A_551 : i32 to vector<16xi32>
        %add3A_553 = arith.addi %add3A_552, %iota3A : vector<16xi32>
        %gather3A_554 = tpu.vector_load_idx %arg9[%add3A_553, %rem3A_505] : memref<512x32xf32, #tpu.memory_space<vmem>>[vector<16xi32>, vector<16xi32>], vector<16xf32>,
        %add3A_555 = arith.constant 336 : i32
        %add3A_556 = vector.broadcast %add3A_555 : i32 to vector<16xi32>
        %add3A_557 = arith.addi %add3A_556, %iota3A : vector<16xi32>
        %gather3A_558 = tpu.vector_load_idx %arg9[%add3A_557, %rem3A_505] : memref<512x32xf32, #tpu.memory_space<vmem>>[vector<16xi32>, vector<16xi32>], vector<16xf32>,
        %add3A_559 = arith.constant 352 : i32
        %add3A_560 = vector.broadcast %add3A_559 : i32 to vector<16xi32>
        %add3A_561 = arith.addi %add3A_560, %iota3A : vector<16xi32>
        %gather3A_562 = tpu.vector_load_idx %arg9[%add3A_561, %rem3A_505] : memref<512x32xf32, #tpu.memory_space<vmem>>[vector<16xi32>, vector<16xi32>], vector<16xf32>,
        %add3A_563 = arith.constant 368 : i32
        %add3A_564 = vector.broadcast %add3A_563 : i32 to vector<16xi32>
        %add3A_565 = arith.addi %add3A_564, %iota3A : vector<16xi32>
        %gather3A_566 = tpu.vector_load_idx %arg9[%add3A_565, %rem3A_505] : memref<512x32xf32, #tpu.memory_space<vmem>>[vector<16xi32>, vector<16xi32>], vector<16xf32>,
        %add3A_567 = arith.constant 0 : i32
        %add3A_568 = vector.broadcast %add3A_567 : i32 to vector<16xi32>
        %add3A_569 = arith.addi %add3A_568, %iota3A : vector<16xi32>
        tpu.vector_store_idx %arg11[%add3A_372, %add3A_532, %rem3A_535, %add3A_569], %gather3A : memref<2x8x8x128xf32, #tpu.memory_space<vmem>>[vector<16xi32>, vector<16xi32>, vector<16xi32>, vector<16xi32>], vector<16xf32>,
        %add3A_570 = arith.constant 16 : i32
        %add3A_571 = vector.broadcast %add3A_570 : i32 to vector<16xi32>
        %add3A_572 = arith.addi %add3A_571, %iota3A : vector<16xi32>
        tpu.vector_store_idx %arg11[%add3A_372, %add3A_532, %rem3A_535, %add3A_572], %gather3A_542 : memref<2x8x8x128xf32, #tpu.memory_space<vmem>>[vector<16xi32>, vector<16xi32>, vector<16xi32>, vector<16xi32>], vector<16xf32>,
        %add3A_573 = arith.constant 32 : i32
        %add3A_574 = vector.broadcast %add3A_573 : i32 to vector<16xi32>
        %add3A_575 = arith.addi %add3A_574, %iota3A : vector<16xi32>
        tpu.vector_store_idx %arg11[%add3A_372, %add3A_532, %rem3A_535, %add3A_575], %gather3A_546 : memref<2x8x8x128xf32, #tpu.memory_space<vmem>>[vector<16xi32>, vector<16xi32>, vector<16xi32>, vector<16xi32>], vector<16xf32>,
        %add3A_576 = arith.constant 48 : i32
        %add3A_577 = vector.broadcast %add3A_576 : i32 to vector<16xi32>
        %add3A_578 = arith.addi %add3A_577, %iota3A : vector<16xi32>
        tpu.vector_store_idx %arg11[%add3A_372, %add3A_532, %rem3A_535, %add3A_578], %gather3A_550 : memref<2x8x8x128xf32, #tpu.memory_space<vmem>>[vector<16xi32>, vector<16xi32>, vector<16xi32>, vector<16xi32>], vector<16xf32>,
        %add3A_579 = arith.constant 64 : i32
        %add3A_580 = vector.broadcast %add3A_579 : i32 to vector<16xi32>
        %add3A_581 = arith.addi %add3A_580, %iota3A : vector<16xi32>
        tpu.vector_store_idx %arg11[%add3A_372, %add3A_532, %rem3A_535, %add3A_581], %gather3A_554 : memref<2x8x8x128xf32, #tpu.memory_space<vmem>>[vector<16xi32>, vector<16xi32>, vector<16xi32>, vector<16xi32>], vector<16xf32>,
        %add3A_582 = arith.constant 80 : i32
        %add3A_583 = vector.broadcast %add3A_582 : i32 to vector<16xi32>
        %add3A_584 = arith.addi %add3A_583, %iota3A : vector<16xi32>
        tpu.vector_store_idx %arg11[%add3A_372, %add3A_532, %rem3A_535, %add3A_584], %gather3A_558 : memref<2x8x8x128xf32, #tpu.memory_space<vmem>>[vector<16xi32>, vector<16xi32>, vector<16xi32>, vector<16xi32>], vector<16xf32>,
        %add3A_585 = arith.constant 96 : i32
        %add3A_586 = vector.broadcast %add3A_585 : i32 to vector<16xi32>
        %add3A_587 = arith.addi %add3A_586, %iota3A : vector<16xi32>
        tpu.vector_store_idx %arg11[%add3A_372, %add3A_532, %rem3A_535, %add3A_587], %gather3A_562 : memref<2x8x8x128xf32, #tpu.memory_space<vmem>>[vector<16xi32>, vector<16xi32>, vector<16xi32>, vector<16xi32>], vector<16xf32>,
        %add3A_588 = arith.constant 112 : i32
        %add3A_589 = vector.broadcast %add3A_588 : i32 to vector<16xi32>
        %add3A_590 = arith.addi %add3A_589, %iota3A : vector<16xi32>
        tpu.vector_store_idx %arg11[%add3A_372, %add3A_532, %rem3A_535, %add3A_590], %gather3A_566 : memref<2x8x8x128xf32, #tpu.memory_space<vmem>>[vector<16xi32>, vector<16xi32>, vector<16xi32>, vector<16xi32>], vector<16xf32>,
      }
      %scan3A_377 = arith.constant 32 : i32
      %scan3A_378 = arith.constant 0 : i32
      %scan3A_379 = arith.constant 32 : i32
      %scan3A_380 = arith.addi %scan3A_378, %scan3A_379 : i32
      %scan3A_381 = arith.constant 1 : i32
      scf.for %scan3A_497 = %scan3A_378 to %scan3A_380 step %scan3A_381  : i32 {
        %mul3A_498 = arith.constant 1 : i32
        %mul3A_499 = arith.muli %scan3A_497, %mul3A_498 : i32
        %add3A_500 = arith.constant 0 : i32
        %add3A_501 = arith.addi %add3A_500, %mul3A_499 : i32
        %add3A_502 = vector.broadcast %add3A_501 : i32 to vector<16xi32>
        %add3A_503 = arith.addi %add3A_502, %iota3A : vector<16xi32>
        %rem3A = arith.constant 32 : i32
        %rem3A_504 = vector.broadcast %rem3A : i32 to vector<16xi32>
        %rem3A_505 = arith.remsi %add3A_503, %rem3A_504 : vector<16xi32>
        %jit3A = arith.constant 8 : i32
        %div3A = vector.broadcast %jit3A : i32 to vector<16xi32>
        %div3A_506 = arith.divsi %rem3A_505, %div3A : vector<16xi32>
        %sign3A = arith.constant 0 : i32
        %sign3A_507 = vector.broadcast %sign3A : i32 to vector<16xi32>
        %sign3A_508 = arith.cmpi sgt, %rem3A_505, %sign3A_507 : vector<16xi32>
        %sign3A_509 = arith.extui %sign3A_508 : vector<16xi1> to vector<16xi32>
        %sign3A_510 = arith.constant 0 : i32
        %sign3A_511 = vector.broadcast %sign3A_510 : i32 to vector<16xi32>
        %sign3A_512 = arith.cmpi slt, %rem3A_505, %sign3A_511 : vector<16xi32>
        %sign3A_513 = arith.extui %sign3A_512 : vector<16xi1> to vector<16xi32>
        %sign3A_514 = arith.subi %sign3A_509, %sign3A_513 : vector<16xi32>
        %sign3A_515 = arith.constant 0 : i32
        %sign3A_516 = arith.cmpi sgt, %jit3A, %sign3A_515 : i32
        %sign3A_517 = arith.extui %sign3A_516 : i1 to i32
        %sign3A_518 = arith.constant 0 : i32
        %sign3A_519 = arith.cmpi slt, %jit3A, %sign3A_518 : i32
        %sign3A_520 = arith.extui %sign3A_519 : i1 to i32
        %sign3A_521 = arith.subi %sign3A_517, %sign3A_520 : i32
        %ne3A = vector.broadcast %sign3A_521 : i32 to vector<16xi32>
        %ne3A_522 = arith.cmpi ne, %sign3A_514, %ne3A : vector<16xi32>
        %rem3A_523 = vector.broadcast %jit3A : i32 to vector<16xi32>
        %rem3A_524 = arith.remsi %rem3A_505, %rem3A_523 : vector<16xi32>
        %ne3A_525 = arith.constant 0 : i32
        %ne3A_526 = vector.broadcast %ne3A_525 : i32 to vector<16xi32>
        %ne3A_527 = arith.cmpi ne, %rem3A_524, %ne3A_526 : vector<16xi32>
        %and3A = arith.andi %ne3A_522, %ne3A_527 : vector<16xi1>
        %sub3A = arith.constant 1 : i32
        %sub3A_528 = vector.broadcast %sub3A : i32 to vector<16xi32>
        %sub3A_529 = arith.subi %div3A_506, %sub3A_528 : vector<16xi32>
        %select_n3A = arith.select %and3A, %sub3A_529, %div3A_506 : vector<16xi1>, vector<16xi32>
        %add3A_530 = arith.constant 4 : i32
        %add3A_531 = vector.broadcast %add3A_530 : i32 to vector<16xi32>
        %add3A_532 = arith.addi %add3A_531, %select_n3A : vector<16xi32>
        %rem3A_533 = arith.constant 8 : i32
        %rem3A_534 = vector.broadcast %rem3A_533 : i32 to vector<16xi32>
        %rem3A_535 = arith.remsi %rem3A_505, %rem3A_534 : vector<16xi32>
        %add3A_536 = arith.constant 256 : i32
        %add3A_537 = vector.broadcast %add3A_536 : i32 to vector<16xi32>
        %add3A_538 = arith.addi %add3A_537, %iota3A : vector<16xi32>
        %gather3A = tpu.vector_load_idx %arg10[%add3A_538, %rem3A_505] : memref<512x32xf32, #tpu.memory_space<vmem>>[vector<16xi32>, vector<16xi32>], vector<16xf32>,
        %add3A_539 = arith.constant 272 : i32
        %add3A_540 = vector.broadcast %add3A_539 : i32 to vector<16xi32>
        %add3A_541 = arith.addi %add3A_540, %iota3A : vector<16xi32>
        %gather3A_542 = tpu.vector_load_idx %arg10[%add3A_541, %rem3A_505] : memref<512x32xf32, #tpu.memory_space<vmem>>[vector<16xi32>, vector<16xi32>], vector<16xf32>,
        %add3A_543 = arith.constant 288 : i32
        %add3A_544 = vector.broadcast %add3A_543 : i32 to vector<16xi32>
        %add3A_545 = arith.addi %add3A_544, %iota3A : vector<16xi32>
        %gather3A_546 = tpu.vector_load_idx %arg10[%add3A_545, %rem3A_505] : memref<512x32xf32, #tpu.memory_space<vmem>>[vector<16xi32>, vector<16xi32>], vector<16xf32>,
        %add3A_547 = arith.constant 304 : i32
        %add3A_548 = vector.broadcast %add3A_547 : i32 to vector<16xi32>
        %add3A_549 = arith.addi %add3A_548, %iota3A : vector<16xi32>
        %gather3A_550 = tpu.vector_load_idx %arg10[%add3A_549, %rem3A_505] : memref<512x32xf32, #tpu.memory_space<vmem>>[vector<16xi32>, vector<16xi32>], vector<16xf32>,
        %add3A_551 = arith.constant 320 : i32
        %add3A_552 = vector.broadcast %add3A_551 : i32 to vector<16xi32>
        %add3A_553 = arith.addi %add3A_552, %iota3A : vector<16xi32>
        %gather3A_554 = tpu.vector_load_idx %arg10[%add3A_553, %rem3A_505] : memref<512x32xf32, #tpu.memory_space<vmem>>[vector<16xi32>, vector<16xi32>], vector<16xf32>,
        %add3A_555 = arith.constant 336 : i32
        %add3A_556 = vector.broadcast %add3A_555 : i32 to vector<16xi32>
        %add3A_557 = arith.addi %add3A_556, %iota3A : vector<16xi32>
        %gather3A_558 = tpu.vector_load_idx %arg10[%add3A_557, %rem3A_505] : memref<512x32xf32, #tpu.memory_space<vmem>>[vector<16xi32>, vector<16xi32>], vector<16xf32>,
        %add3A_559 = arith.constant 352 : i32
        %add3A_560 = vector.broadcast %add3A_559 : i32 to vector<16xi32>
        %add3A_561 = arith.addi %add3A_560, %iota3A : vector<16xi32>
        %gather3A_562 = tpu.vector_load_idx %arg10[%add3A_561, %rem3A_505] : memref<512x32xf32, #tpu.memory_space<vmem>>[vector<16xi32>, vector<16xi32>], vector<16xf32>,
        %add3A_563 = arith.constant 368 : i32
        %add3A_564 = vector.broadcast %add3A_563 : i32 to vector<16xi32>
        %add3A_565 = arith.addi %add3A_564, %iota3A : vector<16xi32>
        %gather3A_566 = tpu.vector_load_idx %arg10[%add3A_565, %rem3A_505] : memref<512x32xf32, #tpu.memory_space<vmem>>[vector<16xi32>, vector<16xi32>], vector<16xf32>,
        %add3A_567 = arith.constant 0 : i32
        %add3A_568 = vector.broadcast %add3A_567 : i32 to vector<16xi32>
        %add3A_569 = arith.addi %add3A_568, %iota3A : vector<16xi32>
        tpu.vector_store_idx %arg11[%add3A_372, %add3A_532, %rem3A_535, %add3A_569], %gather3A : memref<2x8x8x128xf32, #tpu.memory_space<vmem>>[vector<16xi32>, vector<16xi32>, vector<16xi32>, vector<16xi32>], vector<16xf32>,
        %add3A_570 = arith.constant 16 : i32
        %add3A_571 = vector.broadcast %add3A_570 : i32 to vector<16xi32>
        %add3A_572 = arith.addi %add3A_571, %iota3A : vector<16xi32>
        tpu.vector_store_idx %arg11[%add3A_372, %add3A_532, %rem3A_535, %add3A_572], %gather3A_542 : memref<2x8x8x128xf32, #tpu.memory_space<vmem>>[vector<16xi32>, vector<16xi32>, vector<16xi32>, vector<16xi32>], vector<16xf32>,
        %add3A_573 = arith.constant 32 : i32
        %add3A_574 = vector.broadcast %add3A_573 : i32 to vector<16xi32>
        %add3A_575 = arith.addi %add3A_574, %iota3A : vector<16xi32>
        tpu.vector_store_idx %arg11[%add3A_372, %add3A_532, %rem3A_535, %add3A_575], %gather3A_546 : memref<2x8x8x128xf32, #tpu.memory_space<vmem>>[vector<16xi32>, vector<16xi32>, vector<16xi32>, vector<16xi32>], vector<16xf32>,
        %add3A_576 = arith.constant 48 : i32
        %add3A_577 = vector.broadcast %add3A_576 : i32 to vector<16xi32>
        %add3A_578 = arith.addi %add3A_577, %iota3A : vector<16xi32>
        tpu.vector_store_idx %arg11[%add3A_372, %add3A_532, %rem3A_535, %add3A_578], %gather3A_550 : memref<2x8x8x128xf32, #tpu.memory_space<vmem>>[vector<16xi32>, vector<16xi32>, vector<16xi32>, vector<16xi32>], vector<16xf32>,
        %add3A_579 = arith.constant 64 : i32
        %add3A_580 = vector.broadcast %add3A_579 : i32 to vector<16xi32>
        %add3A_581 = arith.addi %add3A_580, %iota3A : vector<16xi32>
        tpu.vector_store_idx %arg11[%add3A_372, %add3A_532, %rem3A_535, %add3A_581], %gather3A_554 : memref<2x8x8x128xf32, #tpu.memory_space<vmem>>[vector<16xi32>, vector<16xi32>, vector<16xi32>, vector<16xi32>], vector<16xf32>,
        %add3A_582 = arith.constant 80 : i32
        %add3A_583 = vector.broadcast %add3A_582 : i32 to vector<16xi32>
        %add3A_584 = arith.addi %add3A_583, %iota3A : vector<16xi32>
        tpu.vector_store_idx %arg11[%add3A_372, %add3A_532, %rem3A_535, %add3A_584], %gather3A_558 : memref<2x8x8x128xf32, #tpu.memory_space<vmem>>[vector<16xi32>, vector<16xi32>, vector<16xi32>, vector<16xi32>], vector<16xf32>,
        %add3A_585 = arith.constant 96 : i32
        %add3A_586 = vector.broadcast %add3A_585 : i32 to vector<16xi32>
        %add3A_587 = arith.addi %add3A_586, %iota3A : vector<16xi32>
        tpu.vector_store_idx %arg11[%add3A_372, %add3A_532, %rem3A_535, %add3A_587], %gather3A_562 : memref<2x8x8x128xf32, #tpu.memory_space<vmem>>[vector<16xi32>, vector<16xi32>, vector<16xi32>, vector<16xi32>], vector<16xf32>,
        %add3A_588 = arith.constant 112 : i32
        %add3A_589 = vector.broadcast %add3A_588 : i32 to vector<16xi32>
        %add3A_590 = arith.addi %add3A_589, %iota3A : vector<16xi32>
        tpu.vector_store_idx %arg11[%add3A_372, %add3A_532, %rem3A_535, %add3A_590], %gather3A_566 : memref<2x8x8x128xf32, #tpu.memory_space<vmem>>[vector<16xi32>, vector<16xi32>, vector<16xi32>, vector<16xi32>], vector<16xf32>,
      }
      %scan3A_382 = arith.constant 32 : i32
      %dma_start3A_383 = arith.constant 0 : i32
      %dma_start3A_384 = arith.constant 0 : i32
      %dma_start3A_385 = arith.constant 0 : i32
      %dma_start3A_386 = arith.constant 0 : i32
      %dma_start3A_387 = arith.constant 0 : i32
      %dma_start3A_388 = tpu.memref_slice %arg11[%dma_start3A_383, %dma_start3A_385, %dma_start3A_386, %dma_start3A_387] : memref<2x8x8x128xf32, #tpu.memory_space<vmem>> -> memref<1x8x8x128xf32, #tpu.memory_space<vmem>>
      %dma_start3A_389 = tpu.memref_squeeze %dma_start3A_388 : memref<1x8x8x128xf32, #tpu.memory_space<vmem>> -> memref<8x8x128xf32, #tpu.memory_space<vmem>>
      %dma_start3A_390 = arith.constant 0 : i32
      %dma_start3A_391 = arith.constant 0 : i32
      %dma_start3A_392 = arith.constant 0 : i32
      %dma_start3A_393 = tpu.memref_slice %arg6[%add3A_334, %dma_start3A_390, %add3A, %dma_start3A_391, %dma_start3A_392] : memref<200x8x32x8x128xf32, #tpu.memory_space<hbm>> -> memref<1x8x1x8x128xf32, #tpu.memory_space<hbm>>
      %dma_start3A_394 = tpu.memref_squeeze %dma_start3A_393 : memref<1x8x1x8x128xf32, #tpu.memory_space<hbm>> -> memref<8x8x128xf32, #tpu.memory_space<hbm>>
      %dma_start3A_395 = tpu.memref_slice %arg13[%dma_start3A_384] : memref<2x!tpu.dma_semaphore, #tpu.memory_space<semaphore_mem>> -> memref<1x!tpu.dma_semaphore, #tpu.memory_space<semaphore_mem>>
      %dma_start3A_396 = tpu.memref_squeeze %dma_start3A_395 : memref<1x!tpu.dma_semaphore, #tpu.memory_space<semaphore_mem>> -> memref<!tpu.dma_semaphore, #tpu.memory_space<semaphore_mem>>
      %dma_start3A_397 = arith.constant 0 : i32
      %dma_start3A_398 = arith.constant 0 : i32
      %dma_start3A_399 = arith.constant 0 : i32
      %dma_start3A_400 = tpu.memref_slice %arg6[%add3A_334, %dma_start3A_397, %add3A, %dma_start3A_398, %dma_start3A_399] : memref<200x8x32x8x128xf32, #tpu.memory_space<hbm>> -> memref<1x8x1x8x128xf32, #tpu.memory_space<hbm>>
      %dma_start3A_401 = tpu.memref_squeeze %dma_start3A_400 : memref<1x8x1x8x128xf32, #tpu.memory_space<hbm>> -> memref<8x8x128xf32, #tpu.memory_space<hbm>>
      %dma_start3A_402 = arith.constant 0 : i32
      %dma_start3A_403 = arith.constant 0 : i32
      %dma_start3A_404 = arith.constant 0 : i32
      %dma_start3A_405 = tpu.memref_slice %arg11[%dma_start3A_383, %dma_start3A_402, %dma_start3A_403, %dma_start3A_404] : memref<2x8x8x128xf32, #tpu.memory_space<vmem>> -> memref<1x8x8x128xf32, #tpu.memory_space<vmem>>
      %dma_start3A_406 = tpu.memref_squeeze %dma_start3A_405 : memref<1x8x8x128xf32, #tpu.memory_space<vmem>> -> memref<8x8x128xf32, #tpu.memory_space<vmem>>
      tpu.enqueue_dma source(%dma_start3A_406 : memref<8x8x128xf32, #tpu.memory_space<vmem>>) target(%dma_start3A_401 : memref<8x8x128xf32, #tpu.memory_space<hbm>>) target_semaphore(%dma_start3A_396 : memref<!tpu.dma_semaphore, #tpu.memory_space<semaphore_mem>>)
      %add3A_407 = arith.constant 4 : i32
      %add3A_408 = arith.addi %add3A_334, %add3A_407 : i32
      %lt3A_409 = arith.constant 200 : i32
      %lt3A_410 = arith.cmpi slt, %add3A_408, %lt3A_409 : i32
      %convert_element_type3A_411 = arith.extui %lt3A_410 : i1 to i32
      %cond3A_412 = arith.constant 0 : i32
      %cond3A_413 = arith.cmpi ne, %convert_element_type3A_411, %cond3A_412 : i32
      scf.if %cond3A_413 {
        %add3A_497 = arith.constant 4 : i32
        %add3A_498 = arith.addi %add3A_334, %add3A_497 : i32
        %jit3A = arith.constant 8 : i32
        %div3A = arith.divsi %add3A_498, %jit3A : i32
        %sign3A = arith.constant 0 : i32
        %sign3A_499 = arith.cmpi sgt, %add3A_498, %sign3A : i32
        %sign3A_500 = arith.extui %sign3A_499 : i1 to i32
        %sign3A_501 = arith.constant 0 : i32
        %sign3A_502 = arith.cmpi slt, %add3A_498, %sign3A_501 : i32
        %sign3A_503 = arith.extui %sign3A_502 : i1 to i32
        %sign3A_504 = arith.subi %sign3A_500, %sign3A_503 : i32
        %sign3A_505 = arith.constant 0 : i32
        %sign3A_506 = arith.cmpi sgt, %jit3A, %sign3A_505 : i32
        %sign3A_507 = arith.extui %sign3A_506 : i1 to i32
        %sign3A_508 = arith.constant 0 : i32
        %sign3A_509 = arith.cmpi slt, %jit3A, %sign3A_508 : i32
        %sign3A_510 = arith.extui %sign3A_509 : i1 to i32
        %sign3A_511 = arith.subi %sign3A_507, %sign3A_510 : i32
        %ne3A = arith.cmpi ne, %sign3A_504, %sign3A_511 : i32
        %rem3A = arith.remsi %add3A_498, %jit3A : i32
        %ne3A_512 = arith.constant 0 : i32
        %ne3A_513 = arith.cmpi ne, %rem3A, %ne3A_512 : i32
        %and3A = arith.andi %ne3A, %ne3A_513 : i1
        %sub3A = arith.constant 1 : i32
        %sub3A_514 = arith.subi %div3A, %sub3A : i32
        %select_n3A = arith.select %and3A, %sub3A_514, %div3A : i32
        %jit3A_515 = arith.constant 8 : i32
        %eq3A = arith.constant 0 : i32
        %eq3A_516 = arith.cmpi eq, %jit3A_515, %eq3A : i32
        %jit3A_517 = arith.constant 1 : i32
        %select_n3A_518 = arith.select %eq3A_516, %jit3A_517, %jit3A_515 : i32
        %rem3A_519 = arith.remsi %add3A_498, %select_n3A_518 : i32
        %ne3A_520 = arith.constant 0 : i32
        %ne3A_521 = arith.cmpi ne, %rem3A_519, %ne3A_520 : i32
        %lt3A_522 = arith.constant 0 : i32
        %lt3A_523 = arith.cmpi slt, %rem3A_519, %lt3A_522 : i32
        %lt3A_524 = arith.constant 0 : i32
        %lt3A_525 = arith.cmpi slt, %select_n3A_518, %lt3A_524 : i32
        %ne3A_526 = arith.xori %lt3A_523, %lt3A_525 : i1
        %and3A_527 = arith.andi %ne3A_526, %ne3A_521 : i1
        %add3A_528 = arith.addi %rem3A_519, %select_n3A_518 : i32
        %select_n3A_529 = arith.select %and3A_527, %add3A_528, %rem3A_519 : i32
        %dma_start3A_530 = arith.constant 2 : i32
        %dma_start3A_531 = arith.constant 256 : i32
        %dma_start3A_532 = arith.constant 0 : i32
        %dma_start3A_533 = tpu.memref_slice %arg9[%dma_start3A_531, %dma_start3A_532] : memref<512x32xf32, #tpu.memory_space<vmem>> -> memref<128x32xf32, #tpu.memory_space<vmem>>
        %dma_start3A_534 = arith.constant 0 : i32
        %dma_start3A_535 = tpu.memref_slice %arg7[%select_n3A, %select_n3A_529, %dma_start3A_534] : memref<25x8x128xi32, #tpu.memory_space<vmem>> -> memref<1x1x128xi32, #tpu.memory_space<vmem>>
        %dma_start3A_536 = tpu.memref_squeeze %dma_start3A_535 : memref<1x1x128xi32, #tpu.memory_space<vmem>> -> memref<128xi32, #tpu.memory_space<vmem>>
        %dma_start3A_537 = arith.constant 0 : i32
        %dma_start3A_538 = arith.constant 0 : i32
        %dma_start3A_539 = tpu.memref_slice %arg4[%dma_start3A_537, %dma_start3A_538] : memref<100000x32xf32, #tpu.memory_space<hbm>> -> memref<100000x32xf32, #tpu.memory_space<hbm>>
        %dma_start3A_540 = tpu.memref_slice %arg12[%dma_start3A_530] : memref<4x!tpu.dma_semaphore, #tpu.memory_space<semaphore_mem>> -> memref<1x!tpu.dma_semaphore, #tpu.memory_space<semaphore_mem>>
        %dma_start3A_541 = tpu.memref_squeeze %dma_start3A_540 : memref<1x!tpu.dma_semaphore, #tpu.memory_space<semaphore_mem>> -> memref<!tpu.dma_semaphore, #tpu.memory_space<semaphore_mem>>
        tpu.enqueue_indirect_dma source(%dma_start3A_539 : memref<100000x32xf32, #tpu.memory_space<hbm>>) target(%dma_start3A_533 : memref<128x32xf32, #tpu.memory_space<vmem>>) offsets(%dma_start3A_536 : memref<128xi32, #tpu.memory_space<vmem>>) semaphore(%dma_start3A_541 : memref<!tpu.dma_semaphore, #tpu.memory_space<semaphore_mem>>)
        %dma_start3A_542 = arith.constant 2 : i32
        %dma_start3A_543 = arith.constant 256 : i32
        %dma_start3A_544 = arith.constant 0 : i32
        %dma_start3A_545 = tpu.memref_slice %arg10[%dma_start3A_543, %dma_start3A_544] : memref<512x32xf32, #tpu.memory_space<vmem>> -> memref<128x32xf32, #tpu.memory_space<vmem>>
        %dma_start3A_546 = arith.constant 0 : i32
        %dma_start3A_547 = tpu.memref_slice %arg8[%select_n3A, %select_n3A_529, %dma_start3A_546] : memref<25x8x128xi32, #tpu.memory_space<vmem>> -> memref<1x1x128xi32, #tpu.memory_space<vmem>>
        %dma_start3A_548 = tpu.memref_squeeze %dma_start3A_547 : memref<1x1x128xi32, #tpu.memory_space<vmem>> -> memref<128xi32, #tpu.memory_space<vmem>>
        %dma_start3A_549 = arith.constant 0 : i32
        %dma_start3A_550 = arith.constant 0 : i32
        %dma_start3A_551 = tpu.memref_slice %arg5[%dma_start3A_549, %dma_start3A_550] : memref<100000x32xf32, #tpu.memory_space<hbm>> -> memref<100000x32xf32, #tpu.memory_space<hbm>>
        %dma_start3A_552 = tpu.memref_slice %arg12[%dma_start3A_542] : memref<4x!tpu.dma_semaphore, #tpu.memory_space<semaphore_mem>> -> memref<1x!tpu.dma_semaphore, #tpu.memory_space<semaphore_mem>>
        %dma_start3A_553 = tpu.memref_squeeze %dma_start3A_552 : memref<1x!tpu.dma_semaphore, #tpu.memory_space<semaphore_mem>> -> memref<!tpu.dma_semaphore, #tpu.memory_space<semaphore_mem>>
        tpu.enqueue_indirect_dma source(%dma_start3A_551 : memref<100000x32xf32, #tpu.memory_space<hbm>>) target(%dma_start3A_545 : memref<128x32xf32, #tpu.memory_space<vmem>>) offsets(%dma_start3A_548 : memref<128xi32, #tpu.memory_space<vmem>>) semaphore(%dma_start3A_553 : memref<!tpu.dma_semaphore, #tpu.memory_space<semaphore_mem>>)
      } else {
      }
      %mul3A_414 = arith.constant 4 : i32
      %mul3A_415 = arith.muli %add3A_169, %mul3A_414 : i32
      %add3A_416 = arith.constant 3 : i32
      %add3A_417 = arith.addi %mul3A_415, %add3A_416 : i32
      %dma_wait3A_418 = arith.constant 0 : i32
      %dma_wait3A_419 = arith.constant 0 : i32
      %dma_wait3A_420 = arith.constant 3 : i32
      %dma_wait3A_421 = arith.constant 384 : i32
      %dma_wait3A_422 = arith.constant 0 : i32
      %dma_wait3A_423 = tpu.memref_slice %arg9[%dma_wait3A_421, %dma_wait3A_422] : memref<512x32xf32, #tpu.memory_space<vmem>> -> memref<128x32xf32, #tpu.memory_space<vmem>>
      %dma_wait3A_424 = arith.constant 0 : i32
      %dma_wait3A_425 = tpu.memref_slice %arg7[%dma_wait3A_418, %dma_wait3A_419, %dma_wait3A_424] : memref<25x8x128xi32, #tpu.memory_space<vmem>> -> memref<1x1x128xi32, #tpu.memory_space<vmem>>
      %dma_wait3A_426 = tpu.memref_squeeze %dma_wait3A_425 : memref<1x1x128xi32, #tpu.memory_space<vmem>> -> memref<128xi32, #tpu.memory_space<vmem>>
      %dma_wait3A_427 = arith.constant 0 : i32
      %dma_wait3A_428 = arith.constant 0 : i32
      %dma_wait3A_429 = tpu.memref_slice %arg4[%dma_wait3A_427, %dma_wait3A_428] : memref<100000x32xf32, #tpu.memory_space<hbm>> -> memref<100000x32xf32, #tpu.memory_space<hbm>>
      %dma_wait3A_430 = tpu.memref_slice %arg12[%dma_wait3A_420] : memref<4x!tpu.dma_semaphore, #tpu.memory_space<semaphore_mem>> -> memref<1x!tpu.dma_semaphore, #tpu.memory_space<semaphore_mem>>
      %dma_wait3A_431 = tpu.memref_squeeze %dma_wait3A_430 : memref<1x!tpu.dma_semaphore, #tpu.memory_space<semaphore_mem>> -> memref<!tpu.dma_semaphore, #tpu.memory_space<semaphore_mem>>
      tpu.wait_indirect_dma semaphore(%dma_wait3A_431 : memref<!tpu.dma_semaphore, #tpu.memory_space<semaphore_mem>>) src(%dma_wait3A_429 : memref<100000x32xf32, #tpu.memory_space<hbm>>) dst(%dma_wait3A_423 : memref<128x32xf32, #tpu.memory_space<vmem>>)
      %dma_wait3A_432 = arith.constant 0 : i32
      %dma_wait3A_433 = arith.constant 0 : i32
      %dma_wait3A_434 = arith.constant 3 : i32
      %dma_wait3A_435 = arith.constant 384 : i32
      %dma_wait3A_436 = arith.constant 0 : i32
      %dma_wait3A_437 = tpu.memref_slice %arg10[%dma_wait3A_435, %dma_wait3A_436] : memref<512x32xf32, #tpu.memory_space<vmem>> -> memref<128x32xf32, #tpu.memory_space<vmem>>
      %dma_wait3A_438 = arith.constant 0 : i32
      %dma_wait3A_439 = tpu.memref_slice %arg8[%dma_wait3A_432, %dma_wait3A_433, %dma_wait3A_438] : memref<25x8x128xi32, #tpu.memory_space<vmem>> -> memref<1x1x128xi32, #tpu.memory_space<vmem>>
      %dma_wait3A_440 = tpu.memref_squeeze %dma_wait3A_439 : memref<1x1x128xi32, #tpu.memory_space<vmem>> -> memref<128xi32, #tpu.memory_space<vmem>>
      %dma_wait3A_441 = arith.constant 0 : i32
      %dma_wait3A_442 = arith.constant 0 : i32
      %dma_wait3A_443 = tpu.memref_slice %arg5[%dma_wait3A_441, %dma_wait3A_442] : memref<100000x32xf32, #tpu.memory_space<hbm>> -> memref<100000x32xf32, #tpu.memory_space<hbm>>
      %dma_wait3A_444 = tpu.memref_slice %arg12[%dma_wait3A_434] : memref<4x!tpu.dma_semaphore, #tpu.memory_space<semaphore_mem>> -> memref<1x!tpu.dma_semaphore, #tpu.memory_space<semaphore_mem>>
      %dma_wait3A_445 = tpu.memref_squeeze %dma_wait3A_444 : memref<1x!tpu.dma_semaphore, #tpu.memory_space<semaphore_mem>> -> memref<!tpu.dma_semaphore, #tpu.memory_space<semaphore_mem>>
      tpu.wait_indirect_dma semaphore(%dma_wait3A_445 : memref<!tpu.dma_semaphore, #tpu.memory_space<semaphore_mem>>) src(%dma_wait3A_443 : memref<100000x32xf32, #tpu.memory_space<hbm>>) dst(%dma_wait3A_437 : memref<128x32xf32, #tpu.memory_space<vmem>>)
      %ge3A_446 = arith.constant 2 : i32
      %ge3A_447 = arith.cmpi sge, %add3A_417, %ge3A_446 : i32
      %convert_element_type3A_448 = arith.extui %ge3A_447 : i1 to i32
      %cond3A_449 = arith.constant 0 : i32
      %cond3A_450 = arith.cmpi ne, %convert_element_type3A_448, %cond3A_449 : i32
      scf.if %cond3A_450 {
        %dma_wait3A_497 = arith.constant 1 : i32
        %dma_wait3A_498 = arith.constant 0 : i32
        %dma_wait3A_499 = arith.constant 1 : i32
        %dma_wait3A_500 = arith.constant 0 : i32
        %dma_wait3A_501 = arith.constant 0 : i32
        %dma_wait3A_502 = arith.constant 0 : i32
        %dma_wait3A_503 = tpu.memref_slice %arg11[%dma_wait3A_497, %dma_wait3A_500, %dma_wait3A_501, %dma_wait3A_502] : memref<2x8x8x128xf32, #tpu.memory_space<vmem>> -> memref<1x8x8x128xf32, #tpu.memory_space<vmem>>
        %dma_wait3A_504 = tpu.memref_squeeze %dma_wait3A_503 : memref<1x8x8x128xf32, #tpu.memory_space<vmem>> -> memref<8x8x128xf32, #tpu.memory_space<vmem>>
        %dma_wait3A_505 = arith.constant 0 : i32
        %dma_wait3A_506 = arith.constant 0 : i32
        %dma_wait3A_507 = arith.constant 0 : i32
        %dma_wait3A_508 = tpu.memref_slice %arg6[%dma_wait3A_498, %dma_wait3A_505, %add3A, %dma_wait3A_506, %dma_wait3A_507] : memref<200x8x32x8x128xf32, #tpu.memory_space<hbm>> -> memref<1x8x1x8x128xf32, #tpu.memory_space<hbm>>
        %dma_wait3A_509 = tpu.memref_squeeze %dma_wait3A_508 : memref<1x8x1x8x128xf32, #tpu.memory_space<hbm>> -> memref<8x8x128xf32, #tpu.memory_space<hbm>>
        %dma_wait3A_510 = tpu.memref_slice %arg13[%dma_wait3A_499] : memref<2x!tpu.dma_semaphore, #tpu.memory_space<semaphore_mem>> -> memref<1x!tpu.dma_semaphore, #tpu.memory_space<semaphore_mem>>
        %dma_wait3A_511 = tpu.memref_squeeze %dma_wait3A_510 : memref<1x!tpu.dma_semaphore, #tpu.memory_space<semaphore_mem>> -> memref<!tpu.dma_semaphore, #tpu.memory_space<semaphore_mem>>
        %dma_wait3A_512 = arith.constant 0 : i32
        %dma_wait3A_513 = arith.constant 0 : i32
        %dma_wait3A_514 = arith.constant 0 : i32
        %dma_wait3A_515 = tpu.memref_slice %arg6[%dma_wait3A_498, %dma_wait3A_512, %add3A, %dma_wait3A_513, %dma_wait3A_514] : memref<200x8x32x8x128xf32, #tpu.memory_space<hbm>> -> memref<1x8x1x8x128xf32, #tpu.memory_space<hbm>>
        %dma_wait3A_516 = tpu.memref_squeeze %dma_wait3A_515 : memref<1x8x1x8x128xf32, #tpu.memory_space<hbm>> -> memref<8x8x128xf32, #tpu.memory_space<hbm>>
        %dma_wait3A_517 = arith.constant 0 : i32
        %dma_wait3A_518 = arith.constant 0 : i32
        %dma_wait3A_519 = arith.constant 0 : i32
        %dma_wait3A_520 = tpu.memref_slice %arg11[%dma_wait3A_497, %dma_wait3A_517, %dma_wait3A_518, %dma_wait3A_519] : memref<2x8x8x128xf32, #tpu.memory_space<vmem>> -> memref<1x8x8x128xf32, #tpu.memory_space<vmem>>
        %dma_wait3A_521 = tpu.memref_squeeze %dma_wait3A_520 : memref<1x8x8x128xf32, #tpu.memory_space<vmem>> -> memref<8x8x128xf32, #tpu.memory_space<vmem>>
        tpu.wait_dma2 semaphore(%dma_wait3A_511 : memref<!tpu.dma_semaphore, #tpu.memory_space<semaphore_mem>>) src(%dma_wait3A_521 : memref<8x8x128xf32, #tpu.memory_space<vmem>>) dst(%dma_wait3A_516 : memref<8x8x128xf32, #tpu.memory_space<hbm>>)
      } else {
      }
      %broadcast_in_dim3A_451 = arith.constant 0 : i32
      %broadcast_in_dim3A_452 = vector.broadcast %broadcast_in_dim3A_451 : i32 to vector<16xi32>
      %add3A_453 = arith.constant 1 : i32
      %add3A_454 = vector.broadcast %add3A_453 : i32 to vector<16xi32>
      %add3A_455 = arith.addi %broadcast_in_dim3A_452, %add3A_454 : vector<16xi32>
      %scan3A_456 = arith.constant 0 : i32
      %scan3A_457 = arith.constant 32 : i32
      %scan3A_458 = arith.addi %scan3A_456, %scan3A_457 : i32
      %scan3A_459 = arith.constant 1 : i32
      scf.for %scan3A_497 = %scan3A_456 to %scan3A_458 step %scan3A_459  : i32 {
        %mul3A_498 = arith.constant 1 : i32
        %mul3A_499 = arith.muli %scan3A_497, %mul3A_498 : i32
        %add3A_500 = arith.constant 0 : i32
        %add3A_501 = arith.addi %add3A_500, %mul3A_499 : i32
        %add3A_502 = vector.broadcast %add3A_501 : i32 to vector<16xi32>
        %add3A_503 = arith.addi %add3A_502, %iota3A : vector<16xi32>
        %rem3A = arith.constant 32 : i32
        %rem3A_504 = vector.broadcast %rem3A : i32 to vector<16xi32>
        %rem3A_505 = arith.remsi %add3A_503, %rem3A_504 : vector<16xi32>
        %jit3A = arith.constant 8 : i32
        %div3A = vector.broadcast %jit3A : i32 to vector<16xi32>
        %div3A_506 = arith.divsi %rem3A_505, %div3A : vector<16xi32>
        %sign3A = arith.constant 0 : i32
        %sign3A_507 = vector.broadcast %sign3A : i32 to vector<16xi32>
        %sign3A_508 = arith.cmpi sgt, %rem3A_505, %sign3A_507 : vector<16xi32>
        %sign3A_509 = arith.extui %sign3A_508 : vector<16xi1> to vector<16xi32>
        %sign3A_510 = arith.constant 0 : i32
        %sign3A_511 = vector.broadcast %sign3A_510 : i32 to vector<16xi32>
        %sign3A_512 = arith.cmpi slt, %rem3A_505, %sign3A_511 : vector<16xi32>
        %sign3A_513 = arith.extui %sign3A_512 : vector<16xi1> to vector<16xi32>
        %sign3A_514 = arith.subi %sign3A_509, %sign3A_513 : vector<16xi32>
        %sign3A_515 = arith.constant 0 : i32
        %sign3A_516 = arith.cmpi sgt, %jit3A, %sign3A_515 : i32
        %sign3A_517 = arith.extui %sign3A_516 : i1 to i32
        %sign3A_518 = arith.constant 0 : i32
        %sign3A_519 = arith.cmpi slt, %jit3A, %sign3A_518 : i32
        %sign3A_520 = arith.extui %sign3A_519 : i1 to i32
        %sign3A_521 = arith.subi %sign3A_517, %sign3A_520 : i32
        %ne3A = vector.broadcast %sign3A_521 : i32 to vector<16xi32>
        %ne3A_522 = arith.cmpi ne, %sign3A_514, %ne3A : vector<16xi32>
        %rem3A_523 = vector.broadcast %jit3A : i32 to vector<16xi32>
        %rem3A_524 = arith.remsi %rem3A_505, %rem3A_523 : vector<16xi32>
        %ne3A_525 = arith.constant 0 : i32
        %ne3A_526 = vector.broadcast %ne3A_525 : i32 to vector<16xi32>
        %ne3A_527 = arith.cmpi ne, %rem3A_524, %ne3A_526 : vector<16xi32>
        %and3A = arith.andi %ne3A_522, %ne3A_527 : vector<16xi1>
        %sub3A = arith.constant 1 : i32
        %sub3A_528 = vector.broadcast %sub3A : i32 to vector<16xi32>
        %sub3A_529 = arith.subi %div3A_506, %sub3A_528 : vector<16xi32>
        %select_n3A = arith.select %and3A, %sub3A_529, %div3A_506 : vector<16xi1>, vector<16xi32>
        %add3A_530 = arith.constant 0 : i32
        %add3A_531 = vector.broadcast %add3A_530 : i32 to vector<16xi32>
        %add3A_532 = arith.addi %add3A_531, %select_n3A : vector<16xi32>
        %rem3A_533 = arith.constant 8 : i32
        %rem3A_534 = vector.broadcast %rem3A_533 : i32 to vector<16xi32>
        %rem3A_535 = arith.remsi %rem3A_505, %rem3A_534 : vector<16xi32>
        %add3A_536 = arith.constant 384 : i32
        %add3A_537 = vector.broadcast %add3A_536 : i32 to vector<16xi32>
        %add3A_538 = arith.addi %add3A_537, %iota3A : vector<16xi32>
        %gather3A = tpu.vector_load_idx %arg9[%add3A_538, %rem3A_505] : memref<512x32xf32, #tpu.memory_space<vmem>>[vector<16xi32>, vector<16xi32>], vector<16xf32>,
        %add3A_539 = arith.constant 400 : i32
        %add3A_540 = vector.broadcast %add3A_539 : i32 to vector<16xi32>
        %add3A_541 = arith.addi %add3A_540, %iota3A : vector<16xi32>
        %gather3A_542 = tpu.vector_load_idx %arg9[%add3A_541, %rem3A_505] : memref<512x32xf32, #tpu.memory_space<vmem>>[vector<16xi32>, vector<16xi32>], vector<16xf32>,
        %add3A_543 = arith.constant 416 : i32
        %add3A_544 = vector.broadcast %add3A_543 : i32 to vector<16xi32>
        %add3A_545 = arith.addi %add3A_544, %iota3A : vector<16xi32>
        %gather3A_546 = tpu.vector_load_idx %arg9[%add3A_545, %rem3A_505] : memref<512x32xf32, #tpu.memory_space<vmem>>[vector<16xi32>, vector<16xi32>], vector<16xf32>,
        %add3A_547 = arith.constant 432 : i32
        %add3A_548 = vector.broadcast %add3A_547 : i32 to vector<16xi32>
        %add3A_549 = arith.addi %add3A_548, %iota3A : vector<16xi32>
        %gather3A_550 = tpu.vector_load_idx %arg9[%add3A_549, %rem3A_505] : memref<512x32xf32, #tpu.memory_space<vmem>>[vector<16xi32>, vector<16xi32>], vector<16xf32>,
        %add3A_551 = arith.constant 448 : i32
        %add3A_552 = vector.broadcast %add3A_551 : i32 to vector<16xi32>
        %add3A_553 = arith.addi %add3A_552, %iota3A : vector<16xi32>
        %gather3A_554 = tpu.vector_load_idx %arg9[%add3A_553, %rem3A_505] : memref<512x32xf32, #tpu.memory_space<vmem>>[vector<16xi32>, vector<16xi32>], vector<16xf32>,
        %add3A_555 = arith.constant 464 : i32
        %add3A_556 = vector.broadcast %add3A_555 : i32 to vector<16xi32>
        %add3A_557 = arith.addi %add3A_556, %iota3A : vector<16xi32>
        %gather3A_558 = tpu.vector_load_idx %arg9[%add3A_557, %rem3A_505] : memref<512x32xf32, #tpu.memory_space<vmem>>[vector<16xi32>, vector<16xi32>], vector<16xf32>,
        %add3A_559 = arith.constant 480 : i32
        %add3A_560 = vector.broadcast %add3A_559 : i32 to vector<16xi32>
        %add3A_561 = arith.addi %add3A_560, %iota3A : vector<16xi32>
        %gather3A_562 = tpu.vector_load_idx %arg9[%add3A_561, %rem3A_505] : memref<512x32xf32, #tpu.memory_space<vmem>>[vector<16xi32>, vector<16xi32>], vector<16xf32>,
        %add3A_563 = arith.constant 496 : i32
        %add3A_564 = vector.broadcast %add3A_563 : i32 to vector<16xi32>
        %add3A_565 = arith.addi %add3A_564, %iota3A : vector<16xi32>
        %gather3A_566 = tpu.vector_load_idx %arg9[%add3A_565, %rem3A_505] : memref<512x32xf32, #tpu.memory_space<vmem>>[vector<16xi32>, vector<16xi32>], vector<16xf32>,
        %add3A_567 = arith.constant 0 : i32
        %add3A_568 = vector.broadcast %add3A_567 : i32 to vector<16xi32>
        %add3A_569 = arith.addi %add3A_568, %iota3A : vector<16xi32>
        tpu.vector_store_idx %arg11[%add3A_455, %add3A_532, %rem3A_535, %add3A_569], %gather3A : memref<2x8x8x128xf32, #tpu.memory_space<vmem>>[vector<16xi32>, vector<16xi32>, vector<16xi32>, vector<16xi32>], vector<16xf32>,
        %add3A_570 = arith.constant 16 : i32
        %add3A_571 = vector.broadcast %add3A_570 : i32 to vector<16xi32>
        %add3A_572 = arith.addi %add3A_571, %iota3A : vector<16xi32>
        tpu.vector_store_idx %arg11[%add3A_455, %add3A_532, %rem3A_535, %add3A_572], %gather3A_542 : memref<2x8x8x128xf32, #tpu.memory_space<vmem>>[vector<16xi32>, vector<16xi32>, vector<16xi32>, vector<16xi32>], vector<16xf32>,
        %add3A_573 = arith.constant 32 : i32
        %add3A_574 = vector.broadcast %add3A_573 : i32 to vector<16xi32>
        %add3A_575 = arith.addi %add3A_574, %iota3A : vector<16xi32>
        tpu.vector_store_idx %arg11[%add3A_455, %add3A_532, %rem3A_535, %add3A_575], %gather3A_546 : memref<2x8x8x128xf32, #tpu.memory_space<vmem>>[vector<16xi32>, vector<16xi32>, vector<16xi32>, vector<16xi32>], vector<16xf32>,
        %add3A_576 = arith.constant 48 : i32
        %add3A_577 = vector.broadcast %add3A_576 : i32 to vector<16xi32>
        %add3A_578 = arith.addi %add3A_577, %iota3A : vector<16xi32>
        tpu.vector_store_idx %arg11[%add3A_455, %add3A_532, %rem3A_535, %add3A_578], %gather3A_550 : memref<2x8x8x128xf32, #tpu.memory_space<vmem>>[vector<16xi32>, vector<16xi32>, vector<16xi32>, vector<16xi32>], vector<16xf32>,
        %add3A_579 = arith.constant 64 : i32
        %add3A_580 = vector.broadcast %add3A_579 : i32 to vector<16xi32>
        %add3A_581 = arith.addi %add3A_580, %iota3A : vector<16xi32>
        tpu.vector_store_idx %arg11[%add3A_455, %add3A_532, %rem3A_535, %add3A_581], %gather3A_554 : memref<2x8x8x128xf32, #tpu.memory_space<vmem>>[vector<16xi32>, vector<16xi32>, vector<16xi32>, vector<16xi32>], vector<16xf32>,
        %add3A_582 = arith.constant 80 : i32
        %add3A_583 = vector.broadcast %add3A_582 : i32 to vector<16xi32>
        %add3A_584 = arith.addi %add3A_583, %iota3A : vector<16xi32>
        tpu.vector_store_idx %arg11[%add3A_455, %add3A_532, %rem3A_535, %add3A_584], %gather3A_558 : memref<2x8x8x128xf32, #tpu.memory_space<vmem>>[vector<16xi32>, vector<16xi32>, vector<16xi32>, vector<16xi32>], vector<16xf32>,
        %add3A_585 = arith.constant 96 : i32
        %add3A_586 = vector.broadcast %add3A_585 : i32 to vector<16xi32>
        %add3A_587 = arith.addi %add3A_586, %iota3A : vector<16xi32>
        tpu.vector_store_idx %arg11[%add3A_455, %add3A_532, %rem3A_535, %add3A_587], %gather3A_562 : memref<2x8x8x128xf32, #tpu.memory_space<vmem>>[vector<16xi32>, vector<16xi32>, vector<16xi32>, vector<16xi32>], vector<16xf32>,
        %add3A_588 = arith.constant 112 : i32
        %add3A_589 = vector.broadcast %add3A_588 : i32 to vector<16xi32>
        %add3A_590 = arith.addi %add3A_589, %iota3A : vector<16xi32>
        tpu.vector_store_idx %arg11[%add3A_455, %add3A_532, %rem3A_535, %add3A_590], %gather3A_566 : memref<2x8x8x128xf32, #tpu.memory_space<vmem>>[vector<16xi32>, vector<16xi32>, vector<16xi32>, vector<16xi32>], vector<16xf32>,
      }
      %scan3A_460 = arith.constant 32 : i32
      %scan3A_461 = arith.constant 0 : i32
      %scan3A_462 = arith.constant 32 : i32
      %scan3A_463 = arith.addi %scan3A_461, %scan3A_462 : i32
      %scan3A_464 = arith.constant 1 : i32
      scf.for %scan3A_497 = %scan3A_461 to %scan3A_463 step %scan3A_464  : i32 {
        %mul3A_498 = arith.constant 1 : i32
        %mul3A_499 = arith.muli %scan3A_497, %mul3A_498 : i32
        %add3A_500 = arith.constant 0 : i32
        %add3A_501 = arith.addi %add3A_500, %mul3A_499 : i32
        %add3A_502 = vector.broadcast %add3A_501 : i32 to vector<16xi32>
        %add3A_503 = arith.addi %add3A_502, %iota3A : vector<16xi32>
        %rem3A = arith.constant 32 : i32
        %rem3A_504 = vector.broadcast %rem3A : i32 to vector<16xi32>
        %rem3A_505 = arith.remsi %add3A_503, %rem3A_504 : vector<16xi32>
        %jit3A = arith.constant 8 : i32
        %div3A = vector.broadcast %jit3A : i32 to vector<16xi32>
        %div3A_506 = arith.divsi %rem3A_505, %div3A : vector<16xi32>
        %sign3A = arith.constant 0 : i32
        %sign3A_507 = vector.broadcast %sign3A : i32 to vector<16xi32>
        %sign3A_508 = arith.cmpi sgt, %rem3A_505, %sign3A_507 : vector<16xi32>
        %sign3A_509 = arith.extui %sign3A_508 : vector<16xi1> to vector<16xi32>
        %sign3A_510 = arith.constant 0 : i32
        %sign3A_511 = vector.broadcast %sign3A_510 : i32 to vector<16xi32>
        %sign3A_512 = arith.cmpi slt, %rem3A_505, %sign3A_511 : vector<16xi32>
        %sign3A_513 = arith.extui %sign3A_512 : vector<16xi1> to vector<16xi32>
        %sign3A_514 = arith.subi %sign3A_509, %sign3A_513 : vector<16xi32>
        %sign3A_515 = arith.constant 0 : i32
        %sign3A_516 = arith.cmpi sgt, %jit3A, %sign3A_515 : i32
        %sign3A_517 = arith.extui %sign3A_516 : i1 to i32
        %sign3A_518 = arith.constant 0 : i32
        %sign3A_519 = arith.cmpi slt, %jit3A, %sign3A_518 : i32
        %sign3A_520 = arith.extui %sign3A_519 : i1 to i32
        %sign3A_521 = arith.subi %sign3A_517, %sign3A_520 : i32
        %ne3A = vector.broadcast %sign3A_521 : i32 to vector<16xi32>
        %ne3A_522 = arith.cmpi ne, %sign3A_514, %ne3A : vector<16xi32>
        %rem3A_523 = vector.broadcast %jit3A : i32 to vector<16xi32>
        %rem3A_524 = arith.remsi %rem3A_505, %rem3A_523 : vector<16xi32>
        %ne3A_525 = arith.constant 0 : i32
        %ne3A_526 = vector.broadcast %ne3A_525 : i32 to vector<16xi32>
        %ne3A_527 = arith.cmpi ne, %rem3A_524, %ne3A_526 : vector<16xi32>
        %and3A = arith.andi %ne3A_522, %ne3A_527 : vector<16xi1>
        %sub3A = arith.constant 1 : i32
        %sub3A_528 = vector.broadcast %sub3A : i32 to vector<16xi32>
        %sub3A_529 = arith.subi %div3A_506, %sub3A_528 : vector<16xi32>
        %select_n3A = arith.select %and3A, %sub3A_529, %div3A_506 : vector<16xi1>, vector<16xi32>
        %add3A_530 = arith.constant 4 : i32
        %add3A_531 = vector.broadcast %add3A_530 : i32 to vector<16xi32>
        %add3A_532 = arith.addi %add3A_531, %select_n3A : vector<16xi32>
        %rem3A_533 = arith.constant 8 : i32
        %rem3A_534 = vector.broadcast %rem3A_533 : i32 to vector<16xi32>
        %rem3A_535 = arith.remsi %rem3A_505, %rem3A_534 : vector<16xi32>
        %add3A_536 = arith.constant 384 : i32
        %add3A_537 = vector.broadcast %add3A_536 : i32 to vector<16xi32>
        %add3A_538 = arith.addi %add3A_537, %iota3A : vector<16xi32>
        %gather3A = tpu.vector_load_idx %arg10[%add3A_538, %rem3A_505] : memref<512x32xf32, #tpu.memory_space<vmem>>[vector<16xi32>, vector<16xi32>], vector<16xf32>,
        %add3A_539 = arith.constant 400 : i32
        %add3A_540 = vector.broadcast %add3A_539 : i32 to vector<16xi32>
        %add3A_541 = arith.addi %add3A_540, %iota3A : vector<16xi32>
        %gather3A_542 = tpu.vector_load_idx %arg10[%add3A_541, %rem3A_505] : memref<512x32xf32, #tpu.memory_space<vmem>>[vector<16xi32>, vector<16xi32>], vector<16xf32>,
        %add3A_543 = arith.constant 416 : i32
        %add3A_544 = vector.broadcast %add3A_543 : i32 to vector<16xi32>
        %add3A_545 = arith.addi %add3A_544, %iota3A : vector<16xi32>
        %gather3A_546 = tpu.vector_load_idx %arg10[%add3A_545, %rem3A_505] : memref<512x32xf32, #tpu.memory_space<vmem>>[vector<16xi32>, vector<16xi32>], vector<16xf32>,
        %add3A_547 = arith.constant 432 : i32
        %add3A_548 = vector.broadcast %add3A_547 : i32 to vector<16xi32>
        %add3A_549 = arith.addi %add3A_548, %iota3A : vector<16xi32>
        %gather3A_550 = tpu.vector_load_idx %arg10[%add3A_549, %rem3A_505] : memref<512x32xf32, #tpu.memory_space<vmem>>[vector<16xi32>, vector<16xi32>], vector<16xf32>,
        %add3A_551 = arith.constant 448 : i32
        %add3A_552 = vector.broadcast %add3A_551 : i32 to vector<16xi32>
        %add3A_553 = arith.addi %add3A_552, %iota3A : vector<16xi32>
        %gather3A_554 = tpu.vector_load_idx %arg10[%add3A_553, %rem3A_505] : memref<512x32xf32, #tpu.memory_space<vmem>>[vector<16xi32>, vector<16xi32>], vector<16xf32>,
        %add3A_555 = arith.constant 464 : i32
        %add3A_556 = vector.broadcast %add3A_555 : i32 to vector<16xi32>
        %add3A_557 = arith.addi %add3A_556, %iota3A : vector<16xi32>
        %gather3A_558 = tpu.vector_load_idx %arg10[%add3A_557, %rem3A_505] : memref<512x32xf32, #tpu.memory_space<vmem>>[vector<16xi32>, vector<16xi32>], vector<16xf32>,
        %add3A_559 = arith.constant 480 : i32
        %add3A_560 = vector.broadcast %add3A_559 : i32 to vector<16xi32>
        %add3A_561 = arith.addi %add3A_560, %iota3A : vector<16xi32>
        %gather3A_562 = tpu.vector_load_idx %arg10[%add3A_561, %rem3A_505] : memref<512x32xf32, #tpu.memory_space<vmem>>[vector<16xi32>, vector<16xi32>], vector<16xf32>,
        %add3A_563 = arith.constant 496 : i32
        %add3A_564 = vector.broadcast %add3A_563 : i32 to vector<16xi32>
        %add3A_565 = arith.addi %add3A_564, %iota3A : vector<16xi32>
        %gather3A_566 = tpu.vector_load_idx %arg10[%add3A_565, %rem3A_505] : memref<512x32xf32, #tpu.memory_space<vmem>>[vector<16xi32>, vector<16xi32>], vector<16xf32>,
        %add3A_567 = arith.constant 0 : i32
        %add3A_568 = vector.broadcast %add3A_567 : i32 to vector<16xi32>
        %add3A_569 = arith.addi %add3A_568, %iota3A : vector<16xi32>
        tpu.vector_store_idx %arg11[%add3A_455, %add3A_532, %rem3A_535, %add3A_569], %gather3A : memref<2x8x8x128xf32, #tpu.memory_space<vmem>>[vector<16xi32>, vector<16xi32>, vector<16xi32>, vector<16xi32>], vector<16xf32>,
        %add3A_570 = arith.constant 16 : i32
        %add3A_571 = vector.broadcast %add3A_570 : i32 to vector<16xi32>
        %add3A_572 = arith.addi %add3A_571, %iota3A : vector<16xi32>
        tpu.vector_store_idx %arg11[%add3A_455, %add3A_532, %rem3A_535, %add3A_572], %gather3A_542 : memref<2x8x8x128xf32, #tpu.memory_space<vmem>>[vector<16xi32>, vector<16xi32>, vector<16xi32>, vector<16xi32>], vector<16xf32>,
        %add3A_573 = arith.constant 32 : i32
        %add3A_574 = vector.broadcast %add3A_573 : i32 to vector<16xi32>
        %add3A_575 = arith.addi %add3A_574, %iota3A : vector<16xi32>
        tpu.vector_store_idx %arg11[%add3A_455, %add3A_532, %rem3A_535, %add3A_575], %gather3A_546 : memref<2x8x8x128xf32, #tpu.memory_space<vmem>>[vector<16xi32>, vector<16xi32>, vector<16xi32>, vector<16xi32>], vector<16xf32>,
        %add3A_576 = arith.constant 48 : i32
        %add3A_577 = vector.broadcast %add3A_576 : i32 to vector<16xi32>
        %add3A_578 = arith.addi %add3A_577, %iota3A : vector<16xi32>
        tpu.vector_store_idx %arg11[%add3A_455, %add3A_532, %rem3A_535, %add3A_578], %gather3A_550 : memref<2x8x8x128xf32, #tpu.memory_space<vmem>>[vector<16xi32>, vector<16xi32>, vector<16xi32>, vector<16xi32>], vector<16xf32>,
        %add3A_579 = arith.constant 64 : i32
        %add3A_580 = vector.broadcast %add3A_579 : i32 to vector<16xi32>
        %add3A_581 = arith.addi %add3A_580, %iota3A : vector<16xi32>
        tpu.vector_store_idx %arg11[%add3A_455, %add3A_532, %rem3A_535, %add3A_581], %gather3A_554 : memref<2x8x8x128xf32, #tpu.memory_space<vmem>>[vector<16xi32>, vector<16xi32>, vector<16xi32>, vector<16xi32>], vector<16xf32>,
        %add3A_582 = arith.constant 80 : i32
        %add3A_583 = vector.broadcast %add3A_582 : i32 to vector<16xi32>
        %add3A_584 = arith.addi %add3A_583, %iota3A : vector<16xi32>
        tpu.vector_store_idx %arg11[%add3A_455, %add3A_532, %rem3A_535, %add3A_584], %gather3A_558 : memref<2x8x8x128xf32, #tpu.memory_space<vmem>>[vector<16xi32>, vector<16xi32>, vector<16xi32>, vector<16xi32>], vector<16xf32>,
        %add3A_585 = arith.constant 96 : i32
        %add3A_586 = vector.broadcast %add3A_585 : i32 to vector<16xi32>
        %add3A_587 = arith.addi %add3A_586, %iota3A : vector<16xi32>
        tpu.vector_store_idx %arg11[%add3A_455, %add3A_532, %rem3A_535, %add3A_587], %gather3A_562 : memref<2x8x8x128xf32, #tpu.memory_space<vmem>>[vector<16xi32>, vector<16xi32>, vector<16xi32>, vector<16xi32>], vector<16xf32>,
        %add3A_588 = arith.constant 112 : i32
        %add3A_589 = vector.broadcast %add3A_588 : i32 to vector<16xi32>
        %add3A_590 = arith.addi %add3A_589, %iota3A : vector<16xi32>
        tpu.vector_store_idx %arg11[%add3A_455, %add3A_532, %rem3A_535, %add3A_590], %gather3A_566 : memref<2x8x8x128xf32, #tpu.memory_space<vmem>>[vector<16xi32>, vector<16xi32>, vector<16xi32>, vector<16xi32>], vector<16xf32>,
      }
      %scan3A_465 = arith.constant 32 : i32
      %dma_start3A_466 = arith.constant 1 : i32
      %dma_start3A_467 = arith.constant 1 : i32
      %dma_start3A_468 = arith.constant 0 : i32
      %dma_start3A_469 = arith.constant 0 : i32
      %dma_start3A_470 = arith.constant 0 : i32
      %dma_start3A_471 = tpu.memref_slice %arg11[%dma_start3A_466, %dma_start3A_468, %dma_start3A_469, %dma_start3A_470] : memref<2x8x8x128xf32, #tpu.memory_space<vmem>> -> memref<1x8x8x128xf32, #tpu.memory_space<vmem>>
      %dma_start3A_472 = tpu.memref_squeeze %dma_start3A_471 : memref<1x8x8x128xf32, #tpu.memory_space<vmem>> -> memref<8x8x128xf32, #tpu.memory_space<vmem>>
      %dma_start3A_473 = arith.constant 0 : i32
      %dma_start3A_474 = arith.constant 0 : i32
      %dma_start3A_475 = arith.constant 0 : i32
      %dma_start3A_476 = tpu.memref_slice %arg6[%add3A_417, %dma_start3A_473, %add3A, %dma_start3A_474, %dma_start3A_475] : memref<200x8x32x8x128xf32, #tpu.memory_space<hbm>> -> memref<1x8x1x8x128xf32, #tpu.memory_space<hbm>>
      %dma_start3A_477 = tpu.memref_squeeze %dma_start3A_476 : memref<1x8x1x8x128xf32, #tpu.memory_space<hbm>> -> memref<8x8x128xf32, #tpu.memory_space<hbm>>
      %dma_start3A_478 = tpu.memref_slice %arg13[%dma_start3A_467] : memref<2x!tpu.dma_semaphore, #tpu.memory_space<semaphore_mem>> -> memref<1x!tpu.dma_semaphore, #tpu.memory_space<semaphore_mem>>
      %dma_start3A_479 = tpu.memref_squeeze %dma_start3A_478 : memref<1x!tpu.dma_semaphore, #tpu.memory_space<semaphore_mem>> -> memref<!tpu.dma_semaphore, #tpu.memory_space<semaphore_mem>>
      %dma_start3A_480 = arith.constant 0 : i32
      %dma_start3A_481 = arith.constant 0 : i32
      %dma_start3A_482 = arith.constant 0 : i32
      %dma_start3A_483 = tpu.memref_slice %arg6[%add3A_417, %dma_start3A_480, %add3A, %dma_start3A_481, %dma_start3A_482] : memref<200x8x32x8x128xf32, #tpu.memory_space<hbm>> -> memref<1x8x1x8x128xf32, #tpu.memory_space<hbm>>
      %dma_start3A_484 = tpu.memref_squeeze %dma_start3A_483 : memref<1x8x1x8x128xf32, #tpu.memory_space<hbm>> -> memref<8x8x128xf32, #tpu.memory_space<hbm>>
      %dma_start3A_485 = arith.constant 0 : i32
      %dma_start3A_486 = arith.constant 0 : i32
      %dma_start3A_487 = arith.constant 0 : i32
      %dma_start3A_488 = tpu.memref_slice %arg11[%dma_start3A_466, %dma_start3A_485, %dma_start3A_486, %dma_start3A_487] : memref<2x8x8x128xf32, #tpu.memory_space<vmem>> -> memref<1x8x8x128xf32, #tpu.memory_space<vmem>>
      %dma_start3A_489 = tpu.memref_squeeze %dma_start3A_488 : memref<1x8x8x128xf32, #tpu.memory_space<vmem>> -> memref<8x8x128xf32, #tpu.memory_space<vmem>>
      tpu.enqueue_dma source(%dma_start3A_489 : memref<8x8x128xf32, #tpu.memory_space<vmem>>) target(%dma_start3A_484 : memref<8x8x128xf32, #tpu.memory_space<hbm>>) target_semaphore(%dma_start3A_479 : memref<!tpu.dma_semaphore, #tpu.memory_space<semaphore_mem>>)
      %add3A_490 = arith.constant 4 : i32
      %add3A_491 = arith.addi %add3A_417, %add3A_490 : i32
      %lt3A_492 = arith.constant 200 : i32
      %lt3A_493 = arith.cmpi slt, %add3A_491, %lt3A_492 : i32
      %convert_element_type3A_494 = arith.extui %lt3A_493 : i1 to i32
      %cond3A_495 = arith.constant 0 : i32
      %cond3A_496 = arith.cmpi ne, %convert_element_type3A_494, %cond3A_495 : i32
      scf.if %cond3A_496 {
        %add3A_497 = arith.constant 4 : i32
        %add3A_498 = arith.addi %add3A_417, %add3A_497 : i32
        %jit3A = arith.constant 8 : i32
        %div3A = arith.divsi %add3A_498, %jit3A : i32
        %sign3A = arith.constant 0 : i32
        %sign3A_499 = arith.cmpi sgt, %add3A_498, %sign3A : i32
        %sign3A_500 = arith.extui %sign3A_499 : i1 to i32
        %sign3A_501 = arith.constant 0 : i32
        %sign3A_502 = arith.cmpi slt, %add3A_498, %sign3A_501 : i32
        %sign3A_503 = arith.extui %sign3A_502 : i1 to i32
        %sign3A_504 = arith.subi %sign3A_500, %sign3A_503 : i32
        %sign3A_505 = arith.constant 0 : i32
        %sign3A_506 = arith.cmpi sgt, %jit3A, %sign3A_505 : i32
        %sign3A_507 = arith.extui %sign3A_506 : i1 to i32
        %sign3A_508 = arith.constant 0 : i32
        %sign3A_509 = arith.cmpi slt, %jit3A, %sign3A_508 : i32
        %sign3A_510 = arith.extui %sign3A_509 : i1 to i32
        %sign3A_511 = arith.subi %sign3A_507, %sign3A_510 : i32
        %ne3A = arith.cmpi ne, %sign3A_504, %sign3A_511 : i32
        %rem3A = arith.remsi %add3A_498, %jit3A : i32
        %ne3A_512 = arith.constant 0 : i32
        %ne3A_513 = arith.cmpi ne, %rem3A, %ne3A_512 : i32
        %and3A = arith.andi %ne3A, %ne3A_513 : i1
        %sub3A = arith.constant 1 : i32
        %sub3A_514 = arith.subi %div3A, %sub3A : i32
        %select_n3A = arith.select %and3A, %sub3A_514, %div3A : i32
        %jit3A_515 = arith.constant 8 : i32
        %eq3A = arith.constant 0 : i32
        %eq3A_516 = arith.cmpi eq, %jit3A_515, %eq3A : i32
        %jit3A_517 = arith.constant 1 : i32
        %select_n3A_518 = arith.select %eq3A_516, %jit3A_517, %jit3A_515 : i32
        %rem3A_519 = arith.remsi %add3A_498, %select_n3A_518 : i32
        %ne3A_520 = arith.constant 0 : i32
        %ne3A_521 = arith.cmpi ne, %rem3A_519, %ne3A_520 : i32
        %lt3A_522 = arith.constant 0 : i32
        %lt3A_523 = arith.cmpi slt, %rem3A_519, %lt3A_522 : i32
        %lt3A_524 = arith.constant 0 : i32
        %lt3A_525 = arith.cmpi slt, %select_n3A_518, %lt3A_524 : i32
        %ne3A_526 = arith.xori %lt3A_523, %lt3A_525 : i1
        %and3A_527 = arith.andi %ne3A_526, %ne3A_521 : i1
        %add3A_528 = arith.addi %rem3A_519, %select_n3A_518 : i32
        %select_n3A_529 = arith.select %and3A_527, %add3A_528, %rem3A_519 : i32
        %dma_start3A_530 = arith.constant 3 : i32
        %dma_start3A_531 = arith.constant 384 : i32
        %dma_start3A_532 = arith.constant 0 : i32
        %dma_start3A_533 = tpu.memref_slice %arg9[%dma_start3A_531, %dma_start3A_532] : memref<512x32xf32, #tpu.memory_space<vmem>> -> memref<128x32xf32, #tpu.memory_space<vmem>>
        %dma_start3A_534 = arith.constant 0 : i32
        %dma_start3A_535 = tpu.memref_slice %arg7[%select_n3A, %select_n3A_529, %dma_start3A_534] : memref<25x8x128xi32, #tpu.memory_space<vmem>> -> memref<1x1x128xi32, #tpu.memory_space<vmem>>
        %dma_start3A_536 = tpu.memref_squeeze %dma_start3A_535 : memref<1x1x128xi32, #tpu.memory_space<vmem>> -> memref<128xi32, #tpu.memory_space<vmem>>
        %dma_start3A_537 = arith.constant 0 : i32
        %dma_start3A_538 = arith.constant 0 : i32
        %dma_start3A_539 = tpu.memref_slice %arg4[%dma_start3A_537, %dma_start3A_538] : memref<100000x32xf32, #tpu.memory_space<hbm>> -> memref<100000x32xf32, #tpu.memory_space<hbm>>
        %dma_start3A_540 = tpu.memref_slice %arg12[%dma_start3A_530] : memref<4x!tpu.dma_semaphore, #tpu.memory_space<semaphore_mem>> -> memref<1x!tpu.dma_semaphore, #tpu.memory_space<semaphore_mem>>
        %dma_start3A_541 = tpu.memref_squeeze %dma_start3A_540 : memref<1x!tpu.dma_semaphore, #tpu.memory_space<semaphore_mem>> -> memref<!tpu.dma_semaphore, #tpu.memory_space<semaphore_mem>>
        tpu.enqueue_indirect_dma source(%dma_start3A_539 : memref<100000x32xf32, #tpu.memory_space<hbm>>) target(%dma_start3A_533 : memref<128x32xf32, #tpu.memory_space<vmem>>) offsets(%dma_start3A_536 : memref<128xi32, #tpu.memory_space<vmem>>) semaphore(%dma_start3A_541 : memref<!tpu.dma_semaphore, #tpu.memory_space<semaphore_mem>>)
        %dma_start3A_542 = arith.constant 3 : i32
        %dma_start3A_543 = arith.constant 384 : i32
        %dma_start3A_544 = arith.constant 0 : i32
        %dma_start3A_545 = tpu.memref_slice %arg10[%dma_start3A_543, %dma_start3A_544] : memref<512x32xf32, #tpu.memory_space<vmem>> -> memref<128x32xf32, #tpu.memory_space<vmem>>
        %dma_start3A_546 = arith.constant 0 : i32
        %dma_start3A_547 = tpu.memref_slice %arg8[%select_n3A, %select_n3A_529, %dma_start3A_546] : memref<25x8x128xi32, #tpu.memory_space<vmem>> -> memref<1x1x128xi32, #tpu.memory_space<vmem>>
        %dma_start3A_548 = tpu.memref_squeeze %dma_start3A_547 : memref<1x1x128xi32, #tpu.memory_space<vmem>> -> memref<128xi32, #tpu.memory_space<vmem>>
        %dma_start3A_549 = arith.constant 0 : i32
        %dma_start3A_550 = arith.constant 0 : i32
        %dma_start3A_551 = tpu.memref_slice %arg5[%dma_start3A_549, %dma_start3A_550] : memref<100000x32xf32, #tpu.memory_space<hbm>> -> memref<100000x32xf32, #tpu.memory_space<hbm>>
        %dma_start3A_552 = tpu.memref_slice %arg12[%dma_start3A_542] : memref<4x!tpu.dma_semaphore, #tpu.memory_space<semaphore_mem>> -> memref<1x!tpu.dma_semaphore, #tpu.memory_space<semaphore_mem>>
        %dma_start3A_553 = tpu.memref_squeeze %dma_start3A_552 : memref<1x!tpu.dma_semaphore, #tpu.memory_space<semaphore_mem>> -> memref<!tpu.dma_semaphore, #tpu.memory_space<semaphore_mem>>
        tpu.enqueue_indirect_dma source(%dma_start3A_551 : memref<100000x32xf32, #tpu.memory_space<hbm>>) target(%dma_start3A_545 : memref<128x32xf32, #tpu.memory_space<vmem>>) offsets(%dma_start3A_548 : memref<128xi32, #tpu.memory_space<vmem>>) semaphore(%dma_start3A_553 : memref<!tpu.dma_semaphore, #tpu.memory_space<semaphore_mem>>)
      } else {
      }
    }
    %scan3A_115 = arith.constant 50 : i32
    %dma_wait3A = arith.constant 0 : i32
    %dma_wait3A_116 = arith.constant 0 : i32
    %dma_wait3A_117 = arith.constant 0 : i32
    %dma_wait3A_118 = arith.constant 0 : i32
    %dma_wait3A_119 = arith.constant 0 : i32
    %dma_wait3A_120 = arith.constant 0 : i32
    %dma_wait3A_121 = tpu.memref_slice %arg11[%dma_wait3A, %dma_wait3A_118, %dma_wait3A_119, %dma_wait3A_120] : memref<2x8x8x128xf32, #tpu.memory_space<vmem>> -> memref<1x8x8x128xf32, #tpu.memory_space<vmem>>
    %dma_wait3A_122 = tpu.memref_squeeze %dma_wait3A_121 : memref<1x8x8x128xf32, #tpu.memory_space<vmem>> -> memref<8x8x128xf32, #tpu.memory_space<vmem>>
    %dma_wait3A_123 = arith.constant 0 : i32
    %dma_wait3A_124 = arith.constant 0 : i32
    %dma_wait3A_125 = arith.constant 0 : i32
    %dma_wait3A_126 = tpu.memref_slice %arg6[%dma_wait3A_116, %dma_wait3A_123, %add3A, %dma_wait3A_124, %dma_wait3A_125] : memref<200x8x32x8x128xf32, #tpu.memory_space<hbm>> -> memref<1x8x1x8x128xf32, #tpu.memory_space<hbm>>
    %dma_wait3A_127 = tpu.memref_squeeze %dma_wait3A_126 : memref<1x8x1x8x128xf32, #tpu.memory_space<hbm>> -> memref<8x8x128xf32, #tpu.memory_space<hbm>>
    %dma_wait3A_128 = tpu.memref_slice %arg13[%dma_wait3A_117] : memref<2x!tpu.dma_semaphore, #tpu.memory_space<semaphore_mem>> -> memref<1x!tpu.dma_semaphore, #tpu.memory_space<semaphore_mem>>
    %dma_wait3A_129 = tpu.memref_squeeze %dma_wait3A_128 : memref<1x!tpu.dma_semaphore, #tpu.memory_space<semaphore_mem>> -> memref<!tpu.dma_semaphore, #tpu.memory_space<semaphore_mem>>
    %dma_wait3A_130 = arith.constant 0 : i32
    %dma_wait3A_131 = arith.constant 0 : i32
    %dma_wait3A_132 = arith.constant 0 : i32
    %dma_wait3A_133 = tpu.memref_slice %arg6[%dma_wait3A_116, %dma_wait3A_130, %add3A, %dma_wait3A_131, %dma_wait3A_132] : memref<200x8x32x8x128xf32, #tpu.memory_space<hbm>> -> memref<1x8x1x8x128xf32, #tpu.memory_space<hbm>>
    %dma_wait3A_134 = tpu.memref_squeeze %dma_wait3A_133 : memref<1x8x1x8x128xf32, #tpu.memory_space<hbm>> -> memref<8x8x128xf32, #tpu.memory_space<hbm>>
    %dma_wait3A_135 = arith.constant 0 : i32
    %dma_wait3A_136 = arith.constant 0 : i32
    %dma_wait3A_137 = arith.constant 0 : i32
    %dma_wait3A_138 = tpu.memref_slice %arg11[%dma_wait3A, %dma_wait3A_135, %dma_wait3A_136, %dma_wait3A_137] : memref<2x8x8x128xf32, #tpu.memory_space<vmem>> -> memref<1x8x8x128xf32, #tpu.memory_space<vmem>>
    %dma_wait3A_139 = tpu.memref_squeeze %dma_wait3A_138 : memref<1x8x8x128xf32, #tpu.memory_space<vmem>> -> memref<8x8x128xf32, #tpu.memory_space<vmem>>
    tpu.wait_dma2 semaphore(%dma_wait3A_129 : memref<!tpu.dma_semaphore, #tpu.memory_space<semaphore_mem>>) src(%dma_wait3A_139 : memref<8x8x128xf32, #tpu.memory_space<vmem>>) dst(%dma_wait3A_134 : memref<8x8x128xf32, #tpu.memory_space<hbm>>)
    %dma_wait3A_140 = arith.constant 1 : i32
    %dma_wait3A_141 = arith.constant 0 : i32
    %dma_wait3A_142 = arith.constant 1 : i32
    %dma_wait3A_143 = arith.constant 0 : i32
    %dma_wait3A_144 = arith.constant 0 : i32
    %dma_wait3A_145 = arith.constant 0 : i32
    %dma_wait3A_146 = tpu.memref_slice %arg11[%dma_wait3A_140, %dma_wait3A_143, %dma_wait3A_144, %dma_wait3A_145] : memref<2x8x8x128xf32, #tpu.memory_space<vmem>> -> memref<1x8x8x128xf32, #tpu.memory_space<vmem>>
    %dma_wait3A_147 = tpu.memref_squeeze %dma_wait3A_146 : memref<1x8x8x128xf32, #tpu.memory_space<vmem>> -> memref<8x8x128xf32, #tpu.memory_space<vmem>>
    %dma_wait3A_148 = arith.constant 0 : i32
    %dma_wait3A_149 = arith.constant 0 : i32
    %dma_wait3A_150 = arith.constant 0 : i32
    %dma_wait3A_151 = tpu.memref_slice %arg6[%dma_wait3A_141, %dma_wait3A_148, %add3A, %dma_wait3A_149, %dma_wait3A_150] : memref<200x8x32x8x128xf32, #tpu.memory_space<hbm>> -> memref<1x8x1x8x128xf32, #tpu.memory_space<hbm>>
    %dma_wait3A_152 = tpu.memref_squeeze %dma_wait3A_151 : memref<1x8x1x8x128xf32, #tpu.memory_space<hbm>> -> memref<8x8x128xf32, #tpu.memory_space<hbm>>
    %dma_wait3A_153 = tpu.memref_slice %arg13[%dma_wait3A_142] : memref<2x!tpu.dma_semaphore, #tpu.memory_space<semaphore_mem>> -> memref<1x!tpu.dma_semaphore, #tpu.memory_space<semaphore_mem>>
    %dma_wait3A_154 = tpu.memref_squeeze %dma_wait3A_153 : memref<1x!tpu.dma_semaphore, #tpu.memory_space<semaphore_mem>> -> memref<!tpu.dma_semaphore, #tpu.memory_space<semaphore_mem>>
    %dma_wait3A_155 = arith.constant 0 : i32
    %dma_wait3A_156 = arith.constant 0 : i32
    %dma_wait3A_157 = arith.constant 0 : i32
    %dma_wait3A_158 = tpu.memref_slice %arg6[%dma_wait3A_141, %dma_wait3A_155, %add3A, %dma_wait3A_156, %dma_wait3A_157] : memref<200x8x32x8x128xf32, #tpu.memory_space<hbm>> -> memref<1x8x1x8x128xf32, #tpu.memory_space<hbm>>
    %dma_wait3A_159 = tpu.memref_squeeze %dma_wait3A_158 : memref<1x8x1x8x128xf32, #tpu.memory_space<hbm>> -> memref<8x8x128xf32, #tpu.memory_space<hbm>>
    %dma_wait3A_160 = arith.constant 0 : i32
    %dma_wait3A_161 = arith.constant 0 : i32
    %dma_wait3A_162 = arith.constant 0 : i32
    %dma_wait3A_163 = tpu.memref_slice %arg11[%dma_wait3A_140, %dma_wait3A_160, %dma_wait3A_161, %dma_wait3A_162] : memref<2x8x8x128xf32, #tpu.memory_space<vmem>> -> memref<1x8x8x128xf32, #tpu.memory_space<vmem>>
    %dma_wait3A_164 = tpu.memref_squeeze %dma_wait3A_163 : memref<1x8x8x128xf32, #tpu.memory_space<vmem>> -> memref<8x8x128xf32, #tpu.memory_space<vmem>>
    tpu.wait_dma2 semaphore(%dma_wait3A_154 : memref<!tpu.dma_semaphore, #tpu.memory_space<semaphore_mem>>) src(%dma_wait3A_164 : memref<8x8x128xf32, #tpu.memory_space<vmem>>) dst(%dma_wait3A_159 : memref<8x8x128xf32, #tpu.memory_space<hbm>>)
    return
  }
}

</mosaic_0001>

<sc_bundles>
// kernel: kernel.3.cloned.1.call-start
scs
__scs_entry_jumppad:
0x0: {  	(pc) =	sbr.rel $0x88, $3  }
0x1: {  	(tag) =	ssettag $0x0;
	lr =	simm.s32 $0x1  }
0x2: {  	[smem:$0x3F9D] =	sst lr;
	_ =	strace $0xD0000000  }
0x3: {  	_ = 	snop  }
0x4: {  	_ = 	snop  }
0x5: {  	_ = 	snop  }
0x6: {  	_ = 	snop  }
0x7: {  	_ = 	snop  }
__scs_overlays_trampoline_lowered:
0x8: {  	[smem:$0x3FAC] =	sst s0  }
0x9: {  	[smem:$0x3FAD] =	sst s1  }
0xa: {  	[smem:$0x3FAE] =	sst s2  }
0xb: {  	[smem:$0x3FAF] =	sst s3  }
0xc: {  	[smem:$0x3FB0] =	sst s4  }
0xd: {  	[smem:$0x3FB1] =	sst s5  }
0xe: {  	[smem:$0x3FB2] =	sst s6  }
0xf: {  	[smem:$0x3FB3] =	sst s7  }
0x10: {  	[smem:$0x3FB4] =	sst s8  }
0x11: {  	[smem:$0x3FB5] =	sst s9;
	s0 =	simm.s32 @!p0 $0x0  }
0x12: {  	s1 =	sld [smem:$0x3F9B];
	s0 =	simm.s32 @p0 $0x1  }
0x13: {  	[smem:$0x3FB6] =	sst s0;
	s0 =	simm.s32 @!p1 $0x0  }
0x14: {  	s2 =	sld [smem:$0x3F9A];
	s0 =	simm.s32 @p1 $0x1  }
0x15: {  	[smem:$0x3FB7] =	sst s0;
	s0 =	simm.s32 @!p2 $0x0  }
0x16: {  	s3 =	sld [smem:$0x3FDB];
	s0 =	simm.s32 @p2 $0x1  }
0x17: {  	s4 =	simm.s32 $0x1BF5;
	[smem:$0x3FB9] =	sst s0  }
0x18: {  	s0 =	sld [smem:$0x3F9C];
	_ =	swait.ge [sflag:s4], $0x0  }
0x19: {  	s7 =	sld [smem:$0x3F9D]  }
0x1a: {  	s8 =	sadd.s32 $0xFFFFE003, lr  }
0x1b: {  	s9 =	sadd.s32 $0xFFFFFEF7, lr;
	s5 =	simm.s32 $0xFFFFFFFF;
	p2 =	slt.u32 s8, $0xFFFFF086  }
0x1c: {  	p1 =	slt.u32 s9, $0xF7A;
	s5 =	simm.s32 @!p2 $0x0  }
0x1d: {  	s5 =	simm.s32 @p1 $0x1;
	p0 =	seq.s32 s7, s2  }
0x1e: {  	s7 =	smul.u32 @!p0 $0xF7A, s2;
	p2 =	seq.s32 @!p0 s5, $0x0  }
0x1f: {  	s9 =	smul.u32 $0xF7A, s1;
	s8 =	simm.s32 @!p0 $0x1BF5;
	p2 =	por !p2, p0  }
0x20: {  	[sflag:s8] =	ssyncset.s32 @!p0 $0xFFFFF086;
	s6 =	sadd.s32 @!p0 s3, s7;
	s7 =	simm.s32 @!p0 $0x108  }
0x21: {  	s3 =	sadd.s32 s3, s9;
	s6 =	sadd.s32 @!p0 $0x88, s6;
	s7 =	simm.s32 @p2 $0x1082  }
0x22: {  	[simem:s7], [sflag:s8] =	dma.local @!p0 [hbm:s6], $0xF7A  }
0x23: {  	s9 =	sor.u32 $0xD0000000, s2;
	s6 =	simm.s32 $0x108;
	_ =	swait.ge @!p0 [sflag:s8], $0x0  }
0x24: {  	s3 =	sadd.s32 $0x88, s3;
	s6 =	simm.s32 @!p1 $0x1082;
	[sflag:s4] =	ssyncset.s32 $0xFFFFF086  }
0x25: {  	[simem:s6], [sflag:s4] =	dma.local [hbm:s3], $0xF7A  }
0x26: {  	[smem:$0x3F9D] =	sst s1;
	(tag) =	ssettag s2;
	_ =	strace s9  }
0x27: {  	s1 =	sld [smem:$0x3FAD]  }
0x28: {  	s2 =	sld [smem:$0x3FAE]  }
0x29: {  	s4 =	sld [smem:$0x3FB0]  }
0x2a: {  	p0 =	seq.s32 s5, $0x0;
	s5 =	sld [smem:$0x3FB1]  }
0x2b: {  	s6 =	sld [smem:$0x3FB2]  }
0x2c: {  	s7 =	sld [smem:$0x3FB3]  }
0x2d: {  	s3 =	simm.s32 $0x108;
	s8 =	sld [smem:$0x3FB4]  }
0x2e: {  	s3 =	simm.s32 @!p0 $0x1082;
	s9 =	sld [smem:$0x3FB5]  }
0x2f: {  	lr =	sadd.s32 s0, s3;
	s0 =	sld [smem:$0x3FAC]  }
0x30: {  	s3 =	sld [smem:$0x3FAF]  }
0x31: {  	[smem:$0x3FB8] =	sst s10  }
0x32: {  	s10 =	sld [smem:$0x3FB6];
	_ =	sdelay $0x3  }
0x33: {  	p0 =	seq.s32 s10, $0x1;
	s10 =	sld [smem:$0x3FB8];
	_ =	sdelay $0x3  }
0x34: {  	[smem:$0x3FB8] =	sst s10  }
0x35: {  	s10 =	sld [smem:$0x3FB7];
	_ =	sdelay $0x3  }
0x36: {  	p1 =	seq.s32 s10, $0x1;
	s10 =	sld [smem:$0x3FB8];
	_ =	sdelay $0x3  }
0x37: {  	[smem:$0x3FB8] =	sst s10  }
0x38: {  	s10 =	sld [smem:$0x3FB9]  }
0x39: {  	_ = 	snop;
	(pc) =	sbr.ind lr, $3  }
0x3a: {  	_ = 	snop  }
0x3b: {  	_ = 	snop  }
0x3c: {  	p2 =	seq.s32 s10, $0x1;
	s10 =	sld [smem:$0x3FB8]  }
0x3d: {  	_ =	shalt  }
0x3e: {  	_ =	shalt  }
0x3f: {  	_ =	shalt  }
0x40: {  	_ =	shalt  }
0x41: {  	_ =	shalt  }
0x42: {  	_ =	shalt  }
0x43: {  	_ =	shalt  }
0x44: {  	_ =	shalt  }
0x45: {  	_ =	shalt  }
0x46: {  	_ =	shalt  }
0x47: {  	_ =	shalt  }
0x48: {  	_ =	shalt  }
0x49: {  	_ =	shalt  }
0x4a: {  	_ =	shalt  }
0x4b: {  	_ =	shalt  }
0x4c: {  	_ =	shalt  }
0x4d: {  	_ =	shalt  }
0x4e: {  	_ =	shalt  }
0x4f: {  	_ =	shalt  }
0x50: {  	_ =	shalt  }
0x51: {  	_ =	shalt  }
0x52: {  	_ =	shalt  }
0x53: {  	_ =	shalt  }
0x54: {  	_ =	shalt  }
0x55: {  	_ =	shalt  }
0x56: {  	_ =	shalt  }
0x57: {  	_ =	shalt  }
0x58: {  	_ =	shalt  }
0x59: {  	_ =	shalt  }
0x5a: {  	_ =	shalt  }
0x5b: {  	_ =	shalt  }
0x5c: {  	_ =	shalt  }
0x5d: {  	_ =	shalt  }
0x5e: {  	_ =	shalt  }
0x5f: {  	_ =	shalt  }
0x60: {  	_ =	shalt  }
0x61: {  	_ =	shalt  }
0x62: {  	_ =	shalt  }
0x63: {  	_ =	shalt  }
0x64: {  	_ =	shalt  }
0x65: {  	_ =	shalt  }
0x66: {  	_ =	shalt  }
0x67: {  	_ =	shalt  }
0x68: {  	_ =	shalt  }
0x69: {  	_ =	shalt  }
0x6a: {  	_ =	shalt  }
0x6b: {  	_ =	shalt  }
0x6c: {  	_ =	shalt  }
0x6d: {  	_ =	shalt  }
0x6e: {  	_ =	shalt  }
0x6f: {  	_ =	shalt  }
0x70: {  	_ =	shalt  }
0x71: {  	_ =	shalt  }
0x72: {  	_ =	shalt  }
0x73: {  	_ =	shalt  }
0x74: {  	_ =	shalt  }
0x75: {  	_ =	shalt  }
0x76: {  	_ =	shalt  }
0x77: {  	_ =	shalt  }
0x78: {  	_ =	shalt  }
0x79: {  	_ =	shalt  }
0x7a: {  	_ =	shalt  }
0x7b: {  	_ =	shalt  }
0x7c: {  	_ =	shalt  }
0x7d: {  	_ =	shalt  }
0x7e: {  	_ =	shalt  }
0x7f: {  	_ =	shalt  }
0x80: {  	_ =	shalt  }
0x81: {  	_ =	shalt  }
0x82: {  	_ =	shalt  }
0x83: {  	_ =	shalt  }
0x84: {  	_ =	shalt  }
0x85: {  	_ =	shalt  }
0x86: {  	_ =	shalt  }
0x87: {  	_ =	shalt  }
.Lfunc_end0:
.L_simem_size_0:
called_computation_lowered:
.L_overlay_start_0:
0x88: {  	s2 =	sld [smem:$0x3FD9]  }
0x89: {  	s3 =	sld [smem:$0x3FFE];
	_ =	sdelay $0x1  }
0x8a: {  	s1 =	srdreg.scid  }
0x8b: {  	s0 =	sand.u32 $0x1, s1  }
0x8c: {  	s17 =	sshll.u32 s0, $0xA;
	s2 =	sadd.s32 s3, s2  }
0x8d: {  	s2 =	sadd.s32 s2, s17  }
0x8e: {  	[smem:$0x3FC4] =	sst s2  }
0x8f: {  	_ = 	snop  }
0x90: {  	s2 =	sld [smem:$0x3FC9]  }
0x91: {  	s18 =	sld [smem:$0x3FC8]  }
0x92: {  	s4 =	sld [smem:$0x3FD0];
	(tm) =	ssettm $0x1  }
0x93: {  	s5 =	sld [smem:$0x3FFB];
	_ =	sdelay $0x3  }
0x94: {  	_ =	strace s5  }
0x95: {  	s5 =	sld [smem:$0x3FFC];
	_ =	sdelay $0x3  }
0x96: {  	_ =	strace s5  }
0x97: {  	s5 =	sld [smem:$0x3FFD];
	_ =	sdelay $0x3  }
0x98: {  	_ =	strace s5  }
0x99: {  	_ =	strace $0x8FFFFFFF  }
0x9a: {  	s19 =	sld [smem:$0x3FDB];
	_ =	sdelay $0x1  }
0x9b: {  	s6 =	simm.s32 $_scs_section_size  }
0x9c: {  	s7 =	simm.s32 $_size__tile_overlayer_lowered;
	s8 =	simm.s32 $_tile_overlayer_lowered  }
0x9d: {  	s22 =	simm.s32 $0x1BFF;
	s21 =	sshll.u32 s8, $0x1;
	s5 =	sadd.s32 s6, s19  }
0x9e: {  	s9 =	simm.s32 $0x0;
	s20 =	sshll.u32 s7, $0x1;
	s7 =	sadd.s32 s21, s5  }
0x9f: {  	[timem:s9], [sflag:s22] =	dma.local [hbm:s7], s20  }
0xa0: {  	_ =	swait.ge [sflag:s22], s20  }
0xa1: {  	s6 =	ssub.s32 $0x0, s20;
	[sflag:s22] =	ssyncset.done $0x0  }
0xa2: {  	[sflag:s22] =	ssyncadd.s32 s6;
	_ =	sdelay $0x1  }
0xa3: {  	s23 =	simm.s32 $0x1B8B  }
0xa4: {  	_ =	swait.ge [sflag:s23], $0x1  }
0xa5: {  	[sflag:s23] =	ssyncset.done $0x0  }
0xa6: {  	s25 =	simm.s32 $0x1B8E;
	s24 =	sld [smem:$0x3FFE];
	[sflag:s23] =	ssyncadd.s32 $0xFFFFFFFF  }
0xa7: {  	s26 =	simm.s32 $execute0_lowered;
	[smem:$0x3FD2] =	sst s25  }
0xa8: {  	s7 =	sshll.u32 s26, $0x1;
	_ =	strace $0x80000046;
	[dreg:$0x1] =	wrdreg $0xFFFFFFFF  }
0xa9: {  	s28 =	simm.s32 $_size_execute0_lowered;
	s5 =	sadd.s32 s5, s7;
	[dreg:$0x0] =	wrdreg $0x0  }
0xaa: {  	s7 =	sshll.u32 s28, $0x1;
	[dreg:$0x2] =	wrdreg s5  }
0xab: {  	[dreg:$0x3] =	wrdreg s7  }
0xac: {  	[dreg:$0x4] =	wrdreg $0xC0  }
0xad: {  	_ =	task [dreg:s9], $0x5FFFF  }
0xae: {  	[dreg:$0x1] =	wrdreg $0xFFFFFFFF  }
0xaf: {  	[dreg:$0x0] =	wrdreg $0x60  }
0xb0: {  	[dreg:$0x2] =	wrdreg s2  }
0xb1: {  	[dreg:$0x3] =	wrdreg s18  }
0xb2: {  	[dreg:$0x4] =	wrdreg s24  }
0xb3: {  	[dreg:$0x5] =	wrdreg s4  }
0xb4: {  	[dreg:$0x6] =	wrdreg $0x9  }
0xb5: {  	_ =	task.clear_ibuf [dreg:s9], $0x7FFFF;
	_ =	strace $0x90000046  }
0xb6: {  	s29 =	simm.s32 $0x9;
	_ =	strace $0x80000048  }
0xb7: {  	_ =	swait.ge [sflag:s29], $0x1  }
0xb8: {  	[sflag:s29] =	ssyncadd.s32 $0xFFFFFFFF  }
0xb9: {  	_ =	strace $0x90000048  }
0xba: {  	_ =	sfence  }
0xbb: {  	s30 =	sld [smem:$0x0];
	_ =	sdelay $0x2  }
0xbc: {  	s31 =	sshll.u32 s1, $0xD;
	s1 =	sshrl.u32 s1, $0x2  }
0xbd: {  	s3 =	sand.u32 $0x4000, s31;
	s1 =	sadd.s32 s1, s30  }
0xbe: {  	s0 =	sor.u32 s3, s0;
	s1 =	sshll.u32 s1, $0x11  }
0xbf: {  	s0 =	sor.u32 s1, s0  }
0xc0: {  	s0 =	sadd.s32 $0x8F2B, s0  }
0xc1: {  	[sflag:s0] =	ssyncadd.remote.s32 $0x1  }
0xc2: {  	_ =	sfence.sel $0xFFFF  }
0xc3: {  	[dreg:$0x0] =	wrdreg $0xFFFFFFFF;
	(pc) =	sbr.abs _section_cstart, $3  }
0xc4: {  	[dreg:$0x1] =	wrdreg $0xFFFFFFFF  }
0xc5: {  	_ =	task.clear_ibuf [dreg:s9], $0x2FFFF;
	_ =	strace $0x9FFFFFFF  }
0xc6: {  	(tm) =	ssettm $0x7FFFFFFF  }
0xc7: {  	_ =	shalt  }
tec
execute0_lowered:
.L_overlay_start_1:
0x0: {  	(tag) =	ssettag $0x1  }
0x1: {  	v0 =	vlaneseq.u32  }
0x2: {  	v1 =	vor.u32 $0x10, v0  }
0x3: {  	[tilespmem:$0x1FD30] =	vst v1;
	v1 =	vor.u32 $0x30, v0  }
0x4: {  	[tilespmem:$0x1FD40] =	vst v1;
	v1 =	vor.u32 $0x40, v0  }
0x5: {  	[tilespmem:$0x1FD50] =	vst v1;
	v1 =	vor.u32 $0x50, v0  }
0x6: {  	s0 =	rddreg [dreg:$0x0];
	[tilespmem:$0x1FD60] =	vst v1;
	v1 =	vor.u32 $0x60, v0  }
0x7: {  	s2 =	rddreg [dreg:$0x1];
	[tilespmem:$0x1FD70] =	vst v1;
	v1 =	vor.u32 $0x70, v0  }
0x8: {  	s3 =	rddreg [dreg:$0x2];
	s4 =	simm.s32 $0x0;
	v27 =	vmul.u32 $0x20, v0;
	[tilespmem:$0x1FD80] =	vst v1;
	v1 =	vor.u32 $0x1020, v0  }
0x9: {  	[smem:$0x7FF] =	sst s4;
	[tilespmem:$0x1FD90] =	vst v1;
	v1 =	vor.u32 $0x1030, v0  }
0xa: {  	s1 =	rddreg [dreg:$0x3];
	v24 =	vor.u32 $0x200, v27;
	_ =	strace $0x80000047;
	[tilespmem:$0x1FDA0] =	vst v1  }
0xb: {  	v25 =	vor.u32 $0x400, v27;
	[tilespmem:$0x1FE90] =	vst v24  }
0xc: {  	v26 =	vor.u32 $0x600, v27;
	[tilespmem:$0x1FEA0] =	vst v25  }
0xd: {  	v41 =	vor.u32 $0x20, v0;
	[tilespmem:$0x1FEB0] =	vst v26  }
0xe: {  	v42 =	vor.u32 $0x1000, v0;
	[tilespmem:$0x1FEC0] =	vst v41  }
0xf: {  	v43 =	vor.u32 $0x1010, v0;
	[tilespmem:$0x1FED0] =	vst v42  }
0x10: {  	v2 =	vor.u32 $0x1060, v0;
	[tilespmem:$0x1FEE0] =	vst v43  }
0x11: {  	v31 =	vor.u32 $0x1200, v27;
	[tilespmem:$0x1FEF0] =	vst v2  }
0x12: {  	v45 =	vor.u32 $0x1400, v27;
	[tilespmem:$0x1FF00] =	vst v31  }
0x13: {  	v32 =	vor.u32 $0x2000, v0;
	[tilespmem:$0x1FF10] =	vst v45  }
0x14: {  	v35 =	vor.u32 $0x2010, v0;
	[tilespmem:$0x1FF20] =	vst v32  }
0x15: {  	v30 =	vor.u32 $0x2040, v0;
	[tilespmem:$0x1FF30] =	vst v35  }
0x16: {  	v39 =	vor.u32 $0x2070, v0;
	[tilespmem:$0x1FF40] =	vst v30  }
0x17: {  	v47 =	vor.u32 $0x3000, v0;
	[tilespmem:$0x1FF50] =	vst v39  }
0x18: {  	v37 =	vor.u32 $0x3010, v0;
	[tilespmem:$0x1FF60] =	vst v47  }
0x19: {  	v44 =	vor.u32 $0x3020, v0;
	[tilespmem:$0x1FF70] =	vst v37  }
0x1a: {  	v40 =	vor.u32 $0x3030, v0;
	[tilespmem:$0x1FF80] =	vst v44  }
0x1b: {  	v36 =	vor.u32 $0x3040, v0;
	[tilespmem:$0x1FF90] =	vst v40  }
0x1c: {  	v38 =	vor.u32 $0x3050, v0;
	[tilespmem:$0x1FFA0] =	vst v36  }
0x1d: {  	v46 =	vor.u32 $0x3060, v0;
	[tilespmem:$0x1FFB0] =	vst v38  }
0x1e: {  	v48 =	vor.u32 $0x2000, v27;
	[tilespmem:$0x1FFC0] =	vst v46  }
0x1f: {  	v29 =	vor.u32 $0xC00, v27;
	[tilespmem:$0x1FFD0] =	vst v48  }
0x20: {  	v33 =	vor.u32 $0xE00, v27;
	[tilespmem:$0x1FFE0] =	vst v29  }
0x21: {  	v1 =	vor.u32 $0x1040, v0;
	[tilespmem:$0x1FFF0] =	vst v33  }
0x22: {  	[tilespmem:$0x1FDB0] =	vst v1;
	v1 =	vor.u32 $0x1050, v0  }
0x23: {  	s25 =	srdreg.scid;
	s5 =	stileid.u32;
	[tilespmem:$0x1FDC0] =	vst v1;
	v1 =	vor.u32 $0x1070, v0  }
0x24: {  	s13 =	simm.s32 $0x400;
	s14 =	simm.s32 $0x8000;
	s15 =	simm.s32 $0x7;
	[tilespmem:$0x1FDD0] =	vst v1;
	v1 =	vor.u32 $0x1000, v27  }
0x25: {  	s17 =	simm.s32 $0x80;
	s18 =	simm.s32 $0xC800;
	s19 =	simm.s32 $0x10800;
	[tilespmem:$0x1FDE0] =	vst v1;
	v1 =	vor.u32 $0x1600, v27  }
0x26: {  	s29 =	simm.s32 $0xF800;
	s31 =	simm.s32 $0x13800;
	s20 =	simm.s32 $0x2;
	[tilespmem:$0x1FDF0] =	vst v1;
	v1 =	vor.u32 $0x1800, v27  }
0x27: {  	s21 =	simm.s32 $0x16800;
	s22 =	simm.s32 $0x3;
	s23 =	simm.s32 $0x5;
	[tilespmem:$0x1FE00] =	vst v1;
	v1 =	vor.u32 $0x1A00, v27  }
0x28: {  	s24 =	simm.s32 $0x4;
	s5 =	sshll.u32 s5, $0xB;
	s9 =	sadd.s32 $0x8000, s1;
	v28 =	vor.u32 $0x800, v27;
	v34 =	vor.u32 $0xA00, v27;
	[tilespmem:$0x1FE10] =	vst v1;
	v1 =	vor.u32 $0x1C00, v27  }
0x29: {  	s4 =	sand.u32 $0x1, s25;
	s10 =	sadd.s32 $0x10000, s1;
	s11 =	sadd.s32 $0x18000, s1;
	v49 =	vor.u32 $0x2200, v27;
	v50 =	vor.u32 $0x2400, v27;
	[tilespmem:$0x1FE20] =	vst v1;
	v1 =	vor.u32 $0x1E00, v27  }
0x2a: {  	s25 =	simm.s32 $0x6;
	s7 =	ssub.s32 $0x2, s4;
	s6 =	sshll.u32 s4, $0xA;
	v51 =	vor.u32 $0x2600, v27;
	v52 =	vor.u32 $0x2800, v27;
	[tilespmem:$0x1FE30] =	vst v1;
	v1 =	vor.u32 $0x2020, v0  }
.Ltmp0:
0x2b: {  	s4 =	sadd.s32 $0x1400, s3;
	s5 =	sor.u32 s6, s5;
	v53 =	vor.u32 $0x2A00, v27;
	v54 =	vor.u32 $0x2C00, v27;
	[tilespmem:$0x1FE40] =	vst v1;
	v1 =	vor.u32 $0x2030, v0;
	(pc) =	sbr.rel .LBB2_1-.Ltmp0, $4  }
0x2c: {  	s8 =	sshrl.u32 s7, $0x1;
	s6 =	sadd.s32 $0x63000, s3;
	v55 =	vor.u32 $0x2E00, v27;
	v56 =	vor.u32 $0x3000, v27;
	s28 =	sshrl.u32 s5, $0x3;
	[tilespmem:$0x1FE50] =	vst v1;
	v1 =	vor.u32 $0x2050, v0  }
0x2d: {  	v57 =	vor.u32 $0x3200, v27;
	s3 =	simm.s32 $0x14800;
	v58 =	vor.u32 $0x3400, v27;
	s26 =	ssub.s32 s7, s8;
	s0 =	sadd.s32 s0, s28;
	[tilespmem:$0x1FE60] =	vst v1;
	v1 =	vor.u32 $0x2060, v0  }
0x2e: {  	v59 =	vor.u32 $0x3600, v27;
	v60 =	vor.u32 $0x3800, v27;
	s30 =	sadd.s32 s2, s28;
	s12 =	smax.u32 s26, $0x1;
	[dreg:$0x5] =	wrdreg s0;
	[tilespmem:$0x1FE70] =	vst v1;
	v1 =	vor.u32 $0x3070, v0  }
0x2f: {  	v61 =	vor.u32 $0x3A00, v27;
	v62 =	vor.u32 $0x3C00, v27;
	v63 =	vor.u32 $0x3E00, v27;
	s26 =	simm.s32 $0x0;
	[dreg:$0x6] =	wrdreg s30;
	s0 =	simm.s32 $0x1;
	[tilespmem:$0x1FE80] =	vst v1  }
.LBB2_20:
0x30: {  	s26 =	sadd.s32 $0x1, s26  }
0x31: {  	_ =	swait.ge [sflag:s23], $0x2000;
	p0 =	sne.s32 s26, s12  }
.Ltmp1:
0x32: {  	[sflag:s23] =	ssyncset.done $0x0;
	(pc) =	sbr.rel @!p0 .LBB2_21-.Ltmp1, $4  }
0x33: {  	[sflag:s23] =	ssyncadd.s32 $0xFFFFE000  }
0x34: {  	_ =	swait.ge [sflag:s25], $0x2000  }
0x35: {  	[sflag:s25] =	ssyncset.done $0x0;
	v29 =	vld [tilespmem:$0x1FFE0]  }
0x36: {  	v33 =	vld [tilespmem:$0x1FFF0];
	[sflag:s25] =	ssyncadd.s32 $0xFFFFE000  }
.LBB2_1:
0x37: {  	s2 =	simm.s32 $0x0;
	s7 =	rddreg [dreg:$0x5]  }
0x38: {  	[tilespmem:s2], [sflag:$0x7] =	stream.strided.gather [hbm4b:s7+s13], $0x6400, s14, s13, $0x38;
	[tilespmem:$0x18800] =	vst v63  }
0x39: {  	_ =	swait.ge [sflag:s15], $0x6400  }
0x3a: {  	[sflag:s15] =	ssyncset.done $0x0  }
0x3b: {  	s8 =	simm.s32 $0x6400;
	s16 =	rddreg [dreg:$0x6];
	[sflag:s15] =	ssyncadd.s32 $0xFFFF9C00  }
0x3c: {  	[tilespmem:s8], [sflag:$0x7] =	stream.strided.gather [hbm4b:s16+s13], $0x6400, s14, s13, $0x38;
	[tilespmem:$0x18800] =	vst v63  }
0x3d: {  	_ =	swait.ge [sflag:s15], $0x6400  }
0x3e: {  	[sflag:s15] =	ssyncset.done $0x0  }
0x3f: {  	[sflag:s15] =	ssyncadd.s32 $0xFFFF9C00  }
0x40: {  	[tilespmem:s18], [sflag:$0x1] =	stream.indirect.gather [hbm4b:s4+s17], $0x20, s2, s17, $0xb8;
	[tilespmem:$0x18800] =	vst v63  }
0x41: {  	_ = 	snop  }
0x42: {  	[tilespmem:s19], [sflag:$0x1] =	stream.indirect.gather [hbm4b:s6+s17], $0x20, s8, s17, $0xb8;
	[tilespmem:$0x18800] =	vst v63  }
0x43: {  	s30 =	simm.s32 $0xD800  }
0x44: {  	[tilespmem:s30], [sflag:$0x2] =	stream.indirect.gather [hbm4b:s4+s17], $0x20, s17, s17, $0xb8;
	[tilespmem:$0x18800] =	vst v63  }
0x45: {  	s7 =	simm.s32 $0x6480;
	s8 =	simm.s32 $0x11800  }
0x46: {  	[tilespmem:s8], [sflag:$0x2] =	stream.indirect.gather [hbm4b:s6+s17], $0x20, s7, s17, $0xb8;
	[tilespmem:$0x18800] =	vst v63  }
0x47: {  	s16 =	simm.s32 $0x100;
	s30 =	simm.s32 $0xE800  }
0x48: {  	[tilespmem:s30], [sflag:$0x3] =	stream.indirect.gather [hbm4b:s4+s17], $0x20, s16, s17, $0xb8;
	[tilespmem:$0x18800] =	vst v63  }
0x49: {  	s7 =	simm.s32 $0x6500;
	s8 =	simm.s32 $0x12800  }
0x4a: {  	[tilespmem:s8], [sflag:$0x3] =	stream.indirect.gather [hbm4b:s6+s17], $0x20, s7, s17, $0xb8;
	[tilespmem:$0x18800] =	vst v63  }
0x4b: {  	s16 =	simm.s32 $0x180  }
0x4c: {  	[tilespmem:s29], [sflag:$0x4] =	stream.indirect.gather [hbm4b:s4+s17], $0x20, s16, s17, $0xb8;
	[tilespmem:$0x18800] =	vst v63  }
0x4d: {  	s28 =	simm.s32 $0x0;
	s30 =	simm.s32 $0x6580  }
0x4e: {  	[tilespmem:s31], [sflag:$0x4] =	stream.indirect.gather [hbm4b:s6+s17], $0x20, s30, s17, $0xb8;
	[tilespmem:$0x18800] =	vst v63  }
.LBB2_2:
0x4f: {  	_ =	swait.ge [sflag:s0], $0x1000  }
0x50: {  	[sflag:s0] =	ssyncset.done $0x0  }
0x51: {  	[sflag:s0] =	ssyncadd.s32 $0xFFFFF000  }
0x52: {  	_ =	swait.ge [sflag:s0], $0x1000  }
0x53: {  	s2 =	simm.s32 $0x0;
	p1 =	seq.s32 s28, $0x0;
	[sflag:s0] =	ssyncset.done $0x0  }
0x54: {  	v1 =	vadd.s32 s2, v0;
	s2 =	simm.s32 @!p1 $0x5;
	[sflag:s0] =	ssyncadd.s32 $0xFFFFF000  }
0x55: {  	_ =	swait.ge @!p1 [sflag:s2], $0x2000  }
0x56: {  	v44 =	vand.u32 $0x1F, v1;
	v37 =	vld [tilespmem:$0x1FD50]  }
0x57: {  	v2 =	vor.u32 v28, v44;
	v38 =	vld [tilespmem:$0x1FD60]  }
0x58: {  	v4 =	vor.u32 v27, v44;
	v32 =	vld [tilespmem:$0x1FD30]  }
0x59: {  	v6 =	vor.u32 v25, v44;
	v36 =	vld [tilespmem:$0x1FD40]  }
0x5a: {  	v10 =	vor.u32 v24, v44;
	[sflag:s2] =	ssyncset.done @!p1 $0x0;
	[tilespmem:$0x1FCC0] =	vst v2;
	v42 =	vld [tilespmem:$0x1FD70]  }
0x5b: {  	v35 =	vmov v41;
	v7 =	vor.u32 v26, v44;
	[tilespmem:$0x1FCD0] =	vst v4;
	v40 =	vld [tilespmem:$0x1FD80];
	[sflag:s2] =	ssyncadd.s32 @!p1 $0xFFFFE000  }
0x5c: {  	v30 =	vmovc v24;
	v39 =	vmov v33;
	v1 =	vshll.u32 v1, $0x7;
	v9 =	vor.u32 v34, v44;
	[tilespmem:$0x1FCE0] =	vst v6;
	v5 =	vld.idx.msk [tilespmem:v2+s18+$0x0], $0xffff  }
0x5d: {  	s16 =	simm.s32 $0x1;
	v31 =	vmovc v25;
	v43 =	vmov v26;
	v3 =	vand.u32 $0xF80, v1;
	v45 =	vor.u32 v29, v44;
	[tilespmem:$0x1FCF0] =	vst v10;
	v13 =	vld.idx.msk [tilespmem:v4+s18+$0x0], $0xffff  }
0x5e: {  	v8 =	vor.u32 v33, v44;
	v20 =	vor.u32 v0, v3;
	[tilespmem:$0x1FD10] =	vst v7;
	v12 =	vld.idx.msk [tilespmem:v6+s18+$0x0], $0xffff;
	v2 =	vadd.s32 s16, v0  }
0x5f: {  	v16 =	vor.u32 v41, v3;
	v41 =	vmovc v29;
	v18 =	vld.idx.msk [tilespmem:v10+s18+$0x0], $0xffff;
	v15 =	vand.u32 $0x1F, v2;
	[tilespmem:$0x1FD00] =	vst v2;
	v2 =	vshll.u32 v2, $0x7  }
0x60: {  	[tilespmem:$0x1FD20] =	vst v9;
	v17 =	vld.idx.msk [tilespmem:v7+s18+$0x0], $0xffff;
	v10 =	vor.u32 v27, v15;
	v7 =	vor.u32 v24, v15;
	v11 =	vand.u32 $0xF80, v2  }
0x61: {  	v19 =	vld.idx.msk [tilespmem:v9+s18+$0x0], $0xffff;
	v14 =	vor.u32 v25, v15;
	v9 =	vor.u32 v26, v15;
	v22 =	vor.u32 v32, v3  }
0x62: {  	s30 =	sshll.u32 s28, $0x9;
	s2 =	simm.s32 $0x2;
	v21 =	vld.idx.msk [tilespmem:v45+s18+$0x0], $0xffff;
	v4 =	vor.u32 v37, v3;
	v6 =	vor.u32 v38, v3;
	v23 =	vor.u32 v36, v3  }
.LBB2_3:
0x63: {  	v24 =	vor.u32 v28, v15  }
0x64: {  	p0 =	sne.s32 s2, $0x1F;
	v25 =	vor.u32 v34, v15;
	v26 =	vor.u32 v37, v11;
	v29 =	vmov v27;
	v27 =	vld.idx.msk [tilespmem:v8+s18+$0x0], $0xffff;
	s16 =	smov.u32 s2;
	s2 =	sadd.s32 $0x1, s2  }
0x65: {  	v33 =	vmov v28;
	v28 =	vor.u32 v41, v15;
	v8 =	vor.u32 v39, v15;
	[tilespmem:v20+s3+$0x0] =	vst.idx.msk $0xffff, v13  }
0x66: {  	v13 =	vor.u32 v42, v3;
	[tilespmem:v22+s3+$0x0] =	vst.idx.msk $0xffff, v18  }
0x67: {  	[tilespmem:v16+s3+$0x0] =	vst.idx.msk $0xffff, v12;
	v12 =	vor.u32 v40, v3;
	v3 =	vmov v11  }
0x68: {  	[tilespmem:v23+s3+$0x0] =	vst.idx.msk $0xffff, v17  }
0x69: {  	[tilespmem:v4+s3+$0x0] =	vst.idx.msk $0xffff, v5;
	v4 =	vmov v26  }
0x6a: {  	[tilespmem:v6+s3+$0x0] =	vst.idx.msk $0xffff, v19  }
0x6b: {  	[tilespmem:v13+s3+$0x0] =	vst.idx.msk $0xffff, v21  }
0x6c: {  	[tilespmem:v12+s3+$0x0] =	vst.idx.msk $0xffff, v27;
	v27 =	vmov v29  }
0x6d: {  	v5 =	vld.idx.msk [tilespmem:v24+s18+$0x0], $0xffff  }
0x6e: {  	v13 =	vld.idx.msk [tilespmem:v10+s18+$0x0], $0xffff  }
.Ltmp2:
0x6f: {  	v20 =	vor.u32 v0, v3;
	v6 =	vor.u32 v38, v3;
	v12 =	vld.idx.msk [tilespmem:v14+s18+$0x0], $0xffff;
	(pc) =	sbr.rel @p0 .LBB2_3-.Ltmp2, $4  }
0x70: {  	v16 =	vor.u32 v35, v3;
	v22 =	vor.u32 v32, v3;
	v10 =	vadd.s32 s16, v0;
	v18 =	vld.idx.msk [tilespmem:v7+s18+$0x0], $0xffff  }
0x71: {  	v23 =	vor.u32 v36, v3;
	v15 =	vand.u32 $0x1F, v10;
	v11 =	vshll.u32 v10, $0x7;
	v17 =	vld.idx.msk [tilespmem:v9+s18+$0x0], $0xffff  }
0x72: {  	v10 =	vor.u32 v29, v15;
	v7 =	vor.u32 v30, v15;
	v11 =	vand.u32 $0xF80, v11;
	v19 =	vld.idx.msk [tilespmem:v25+s18+$0x0], $0xffff  }
0x73: {  	v14 =	vor.u32 v31, v15;
	v9 =	vor.u32 v43, v15;
	v21 =	vld.idx.msk [tilespmem:v28+s18+$0x0], $0xffff;
	v28 =	vmov v33  }
0x74: {  	_ =	sdelay $0x3  }
0x75: {  	v8 =	vld.idx.msk [tilespmem:v8+s18+$0x0], $0xffff;
	[tilespmem:v20+s3+$0x0] =	vst.idx.msk $0xffff, v13  }
0x76: {  	v13 =	vor.u32 v42, v3;
	[tilespmem:v22+s3+$0x0] =	vst.idx.msk $0xffff, v18  }
0x77: {  	v3 =	vor.u32 v40, v3;
	[tilespmem:v16+s3+$0x0] =	vst.idx.msk $0xffff, v12  }
0x78: {  	v12 =	vor.u32 v28, v15;
	[tilespmem:v23+s3+$0x0] =	vst.idx.msk $0xffff, v17  }
0x79: {  	[tilespmem:v4+s3+$0x0] =	vst.idx.msk $0xffff, v5  }
0x7a: {  	[tilespmem:v6+s3+$0x0] =	vst.idx.msk $0xffff, v19  }
0x7b: {  	[tilespmem:v13+s3+$0x0] =	vst.idx.msk $0xffff, v21  }
0x7c: {  	[tilespmem:v3+s3+$0x0] =	vst.idx.msk $0xffff, v8  }
0x7d: {  	v5 =	vor.u32 v41, v15;
	v4 =	vld.idx.msk [tilespmem:v12+s18+$0x0], $0xffff  }
0x7e: {  	v3 =	vor.u32 v34, v15;
	v6 =	vld.idx.msk [tilespmem:v10+s18+$0x0], $0xffff  }
0x7f: {  	v8 =	vor.u32 v39, v15;
	v10 =	vld.idx.msk [tilespmem:v14+s18+$0x0], $0xffff;
	v12 =	vor.u32 v0, v11  }
0x80: {  	v13 =	vor.u32 v32, v11;
	v7 =	vld.idx.msk [tilespmem:v7+s18+$0x0], $0xffff  }
0x81: {  	v9 =	vld.idx.msk [tilespmem:v9+s18+$0x0], $0xffff;
	v14 =	vor.u32 v35, v11  }
0x82: {  	v15 =	vor.u32 v36, v11;
	v5 =	vld.idx.msk [tilespmem:v5+s18+$0x0], $0xffff  }
0x83: {  	v16 =	vor.u32 v37, v11;
	v3 =	vld.idx.msk [tilespmem:v3+s18+$0x0], $0xffff  }
0x84: {  	v17 =	vor.u32 v38, v11;
	v8 =	vld.idx.msk [tilespmem:v8+s18+$0x0], $0xffff;
	[tilespmem:v12+s3+$0x0] =	vst.idx.msk $0xffff, v6  }
0x85: {  	[tilespmem:v13+s3+$0x0] =	vst.idx.msk $0xffff, v7  }
0x86: {  	v6 =	vor.u32 v42, v11;
	[tilespmem:v14+s3+$0x0] =	vst.idx.msk $0xffff, v10  }
0x87: {  	[tilespmem:v15+s3+$0x0] =	vst.idx.msk $0xffff, v9  }
0x88: {  	[tilespmem:v16+s3+$0x0] =	vst.idx.msk $0xffff, v4  }
0x89: {  	[tilespmem:v17+s3+$0x0] =	vst.idx.msk $0xffff, v3;
	v3 =	vld [tilespmem:$0x1FCC0];
	_ =	sdelay $0x1  }
0x8a: {  	v7 =	vor.u32 v40, v11;
	[tilespmem:v6+s3+$0x0] =	vst.idx.msk $0xffff, v5;
	v5 =	vld [tilespmem:$0x1FCF0];
	_ =	sdelay $0x4  }
0x8b: {  	v22 =	vld [tilespmem:$0x1FEE0];
	[tilespmem:v7+s3+$0x0] =	vst.idx.msk $0xffff, v8  }
0x8c: {  	v4 =	vld.idx.msk [tilespmem:v3+s19+$0x0], $0xffff  }
0x8d: {  	v3 =	vld [tilespmem:$0x1FCD0]  }
0x8e: {  	v15 =	vld.idx.msk [tilespmem:v5+s19+$0x0], $0xffff  }
0x8f: {  	v5 =	vld [tilespmem:$0x1FD00]  }
0x90: {  	v38 =	vld [tilespmem:$0x1FDC0]  }
0x91: {  	v36 =	vld [tilespmem:$0x1FDA0]  }
0x92: {  	v35 =	vld [tilespmem:$0x1FD90]  }
0x93: {  	v6 =	vld [tilespmem:$0x1FD20]  }
0x94: {  	v13 =	vand.u32 $0x1F, v5;
	v5 =	vld [tilespmem:$0x1FD10]  }
0x95: {  	v12 =	vld.idx.msk [tilespmem:v3+s19+$0x0], $0xffff  }
0x96: {  	v3 =	vld [tilespmem:$0x1FCE0]  }
0x97: {  	v42 =	vld [tilespmem:$0x1FED0]  }
0x98: {  	v37 =	vld [tilespmem:$0x1FDB0]  }
0x99: {  	v7 =	vor.u32 v39, v44;
	v44 =	vld [tilespmem:$0x1FEF0]  }
0x9a: {  	v18 =	vld.idx.msk [tilespmem:v45+s19+$0x0], $0xffff  }
0x9b: {  	v23 =	vmov v34;
	v19 =	vor.u32 v22, v1;
	v21 =	vor.u32 v36, v1;
	v45 =	vld [tilespmem:$0x1FDD0]  }
0x9c: {  	v20 =	vor.u32 v35, v1;
	v9 =	vor.u32 v38, v1;
	v17 =	vor.u32 v42, v1;
	v16 =	vld.idx.msk [tilespmem:v6+s19+$0x0], $0xffff  }
0x9d: {  	v8 =	vor.u32 v27, v13;
	v10 =	vor.u32 v31, v13;
	v6 =	vor.u32 v43, v13;
	v14 =	vld.idx.msk [tilespmem:v5+s19+$0x0], $0xffff  }
0x9e: {  	s2 =	simm.s32 $0x2;
	v32 =	vmovc v43;
	v43 =	vmov v22;
	v5 =	vor.u32 v30, v13;
	v11 =	vld.idx.msk [tilespmem:v3+s19+$0x0], $0xffff;
	v3 =	vor.u32 v37, v1  }
.LBB2_5:
0x9f: {  	v22 =	vor.u32 v28, v13  }
0xa0: {  	p0 =	sne.s32 s2, $0x1F;
	v34 =	vmov v23;
	v23 =	vor.u32 v23, v13;
	v24 =	vor.u32 v37, v2;
	v25 =	vld.idx.msk [tilespmem:v7+s19+$0x0], $0xffff;
	s16 =	smov.u32 s2;
	s2 =	sadd.s32 $0x1, s2  }
0xa1: {  	v26 =	vor.u32 v41, v13;
	v7 =	vor.u32 v39, v13;
	[tilespmem:v17+s3+$0x0] =	vst.idx.msk $0xffff, v12  }
0xa2: {  	v12 =	vor.u32 v44, v1;
	[tilespmem:v19+s3+$0x0] =	vst.idx.msk $0xffff, v15  }
0xa3: {  	[tilespmem:v20+s3+$0x0] =	vst.idx.msk $0xffff, v11;
	v11 =	vor.u32 v45, v1;
	v1 =	vmov v2  }
0xa4: {  	[tilespmem:v21+s3+$0x0] =	vst.idx.msk $0xffff, v14  }
0xa5: {  	[tilespmem:v3+s3+$0x0] =	vst.idx.msk $0xffff, v4;
	v3 =	vmov v24  }
0xa6: {  	[tilespmem:v9+s3+$0x0] =	vst.idx.msk $0xffff, v16  }
0xa7: {  	[tilespmem:v12+s3+$0x0] =	vst.idx.msk $0xffff, v18  }
0xa8: {  	[tilespmem:v11+s3+$0x0] =	vst.idx.msk $0xffff, v25  }
0xa9: {  	v4 =	vld.idx.msk [tilespmem:v22+s19+$0x0], $0xffff  }
0xaa: {  	v12 =	vld.idx.msk [tilespmem:v8+s19+$0x0], $0xffff  }
.Ltmp3:
0xab: {  	v2 =	vadd.s32 s16, v0;
	v11 =	vld.idx.msk [tilespmem:v10+s19+$0x0], $0xffff;
	(pc) =	sbr.rel @p0 .LBB2_5-.Ltmp3, $4  }
0xac: {  	v17 =	vor.u32 v42, v1;
	v13 =	vand.u32 $0x1F, v2;
	v9 =	vor.u32 v38, v1;
	v15 =	vld.idx.msk [tilespmem:v5+s19+$0x0], $0xffff  }
0xad: {  	v2 =	vshll.u32 v2, $0x7;
	v19 =	vor.u32 v43, v1;
	v20 =	vor.u32 v35, v1;
	v14 =	vld.idx.msk [tilespmem:v6+s19+$0x0], $0xffff  }
0xae: {  	v8 =	vor.u32 v27, v13;
	v5 =	vor.u32 v30, v13;
	v16 =	vld.idx.msk [tilespmem:v23+s19+$0x0], $0xffff;
	v23 =	vmov v34  }
0xaf: {  	v21 =	vor.u32 v36, v1;
	v10 =	vor.u32 v31, v13;
	v6 =	vor.u32 v32, v13;
	v18 =	vld.idx.msk [tilespmem:v26+s19+$0x0], $0xffff  }
0xb0: {  	_ =	sdelay $0x3  }
0xb1: {  	v7 =	vld.idx.msk [tilespmem:v7+s19+$0x0], $0xffff;
	[tilespmem:v17+s3+$0x0] =	vst.idx.msk $0xffff, v12  }
0xb2: {  	v12 =	vor.u32 v44, v1;
	[tilespmem:v19+s3+$0x0] =	vst.idx.msk $0xffff, v15  }
0xb3: {  	v1 =	vor.u32 v45, v1;
	[tilespmem:v20+s3+$0x0] =	vst.idx.msk $0xffff, v11  }
0xb4: {  	v11 =	vor.u32 v28, v13;
	[tilespmem:v21+s3+$0x0] =	vst.idx.msk $0xffff, v14  }
0xb5: {  	[tilespmem:v3+s3+$0x0] =	vst.idx.msk $0xffff, v4  }
0xb6: {  	[tilespmem:v9+s3+$0x0] =	vst.idx.msk $0xffff, v16  }
0xb7: {  	[tilespmem:v12+s3+$0x0] =	vst.idx.msk $0xffff, v18  }
0xb8: {  	[tilespmem:v1+s3+$0x0] =	vst.idx.msk $0xffff, v7  }
0xb9: {  	v4 =	vor.u32 v41, v13;
	v3 =	vld.idx.msk [tilespmem:v11+s19+$0x0], $0xffff  }
0xba: {  	v1 =	vor.u32 v23, v13;
	v7 =	vld.idx.msk [tilespmem:v8+s19+$0x0], $0xffff  }
0xbb: {  	v8 =	vor.u32 v39, v13;
	v9 =	vld.idx.msk [tilespmem:v10+s19+$0x0], $0xffff;
	v10 =	vor.u32 v42, v2  }
0xbc: {  	v5 =	vld.idx.msk [tilespmem:v5+s19+$0x0], $0xffff;
	v11 =	vor.u32 v43, v2  }
0xbd: {  	v12 =	vor.u32 v35, v2;
	v6 =	vld.idx.msk [tilespmem:v6+s19+$0x0], $0xffff  }
0xbe: {  	v13 =	vor.u32 v36, v2;
	v4 =	vld.idx.msk [tilespmem:v4+s19+$0x0], $0xffff  }
0xbf: {  	v14 =	vor.u32 v37, v2;
	v1 =	vld.idx.msk [tilespmem:v1+s19+$0x0], $0xffff  }
0xc0: {  	v15 =	vor.u32 v38, v2;
	v8 =	vld.idx.msk [tilespmem:v8+s19+$0x0], $0xffff;
	[tilespmem:v10+s3+$0x0] =	vst.idx.msk $0xffff, v7  }
0xc1: {  	[tilespmem:v11+s3+$0x0] =	vst.idx.msk $0xffff, v5;
	v5 =	vor.u32 v44, v2  }
0xc2: {  	v2 =	vor.u32 v45, v2;
	[tilespmem:v12+s3+$0x0] =	vst.idx.msk $0xffff, v9  }
0xc3: {  	[tilespmem:v13+s3+$0x0] =	vst.idx.msk $0xffff, v6  }
0xc4: {  	s2 =	sshll.u32 s28, $0x14;
	[tilespmem:v14+s3+$0x0] =	vst.idx.msk $0xffff, v3  }
0xc5: {  	s2 =	sor.u32 s5, s2;
	[tilespmem:v15+s3+$0x0] =	vst.idx.msk $0xffff, v1  }
0xc6: {  	s2 =	sshrl.u32 s2, $0x3;
	[tilespmem:v5+s3+$0x0] =	vst.idx.msk $0xffff, v4  }
0xc7: {  	p0 =	seq.s32 s28, $0x31;
	s16 =	sadd.s32 s1, s2;
	[tilespmem:v2+s3+$0x0] =	vst.idx.msk $0xffff, v8  }
0xc8: {  	[hbm4b:s16+s13] =	stream.strided.scatter [tilespmem:s3], [sflag:$0x5], $0x2000, s14, s13, $0x38;
	[tilespmem:$0x18800] =	vst v63  }
0xc9: {  	s7 =	simm.s32 @!p0 $0x80;
	s8 =	simm.s32 @!p0 $0xC800;
	s16 =	sadd.s32 @!p0 $0x200, s30  }
0xca: {  	[tilespmem:s8], [sflag:$0x1] =	stream.indirect.gather @!p0 [hbm4b:s4+s7], $0x20, s16, s7, $0xb8;
	[tilespmem:$0x18800] =	vst v63  }
0xcb: {  	s8 =	sadd.s32 @!p0 $0x6600, s30;
	s16 =	simm.s32 @!p0 $0x10800  }
0xcc: {  	[tilespmem:s16], [sflag:$0x1] =	stream.indirect.gather @!p0 [hbm4b:s6+s7], $0x20, s8, s7, $0xb8;
	[tilespmem:$0x18800] =	vst v63  }
0xcd: {  	_ =	swait.ge [sflag:s20], $0x1000  }
0xce: {  	[sflag:s20] =	ssyncset.done $0x0  }
0xcf: {  	[sflag:s20] =	ssyncadd.s32 $0xFFFFF000  }
0xd0: {  	_ =	swait.ge [sflag:s20], $0x1000  }
0xd1: {  	[sflag:s20] =	ssyncset.done $0x0  }
0xd2: {  	s7 =	simm.s32 @!p1 $0x6;
	v27 =	vld [tilespmem:$0x1FE00];
	[sflag:s20] =	ssyncadd.s32 $0xFFFFF000  }
0xd3: {  	v30 =	vld [tilespmem:$0x1FDE0];
	_ =	swait.ge @!p1 [sflag:s7], $0x2000  }
0xd4: {  	v45 =	vld [tilespmem:$0x1FF10]  }
0xd5: {  	v31 =	vld [tilespmem:$0x1FF00]  }
0xd6: {  	v41 =	vld [tilespmem:$0x1FDF0]  }
0xd7: {  	v28 =	vld [tilespmem:$0x1FE10]  }
0xd8: {  	v32 =	vld [tilespmem:$0x1FE20]  }
0xd9: {  	v44 =	vld [tilespmem:$0x1FF40]  }
0xda: {  	s8 =	simm.s32 $0x0;
	v35 =	vld [tilespmem:$0x1FE30]  }
0xdb: {  	v1 =	vadd.s32 s8, v0;
	v46 =	vld [tilespmem:$0x1FE60]  }
0xdc: {  	v48 =	vand.u32 $0x1F, v1;
	v36 =	vld [tilespmem:$0x1FF20]  }
0xdd: {  	v38 =	vld [tilespmem:$0x1FE40];
	v2 =	vor.u32 v27, v48  }
0xde: {  	v37 =	vld [tilespmem:$0x1FF30];
	v4 =	vor.u32 v30, v48  }
0xdf: {  	v40 =	vld [tilespmem:$0x1FE50];
	v6 =	vor.u32 v45, v48  }
0xe0: {  	[sflag:s7] =	ssyncset.done @!p1 $0x0;
	v39 =	vld [tilespmem:$0x1FE70];
	[tilespmem:$0x1FC40] =	vst v2;
	v10 =	vor.u32 v31, v48  }
0xe1: {  	v47 =	vld [tilespmem:$0x1FF50];
	[sflag:s7] =	ssyncadd.s32 @!p1 $0xFFFFE000;
	[tilespmem:$0x1FC50] =	vst v4;
	v7 =	vor.u32 v41, v48  }
0xe2: {  	v1 =	vshll.u32 v1, $0x7;
	v9 =	vor.u32 v28, v48;
	[tilespmem:$0x1FC60] =	vst v6;
	v5 =	vld.idx.msk [tilespmem:v2+s18+$0x0], $0xffff  }
0xe3: {  	v3 =	vand.u32 $0xF80, v1;
	v21 =	vor.u32 v32, v48;
	v8 =	vor.u32 v35, v48;
	[tilespmem:$0x1FC70] =	vst v10;
	v14 =	vld.idx.msk [tilespmem:v4+s18+$0x0], $0xffff  }
0xe4: {  	s16 =	simm.s32 $0x1;
	v20 =	vor.u32 v36, v3;
	v16 =	vor.u32 v38, v3;
	[tilespmem:$0x1FC90] =	vst v7;
	v12 =	vld.idx.msk [tilespmem:v6+s18+$0x0], $0xffff  }
0xe5: {  	v22 =	vor.u32 v37, v3;
	v23 =	vor.u32 v40, v3;
	[tilespmem:$0x1FCA0] =	vst v9;
	v2 =	vadd.s32 s16, v0;
	v18 =	vld.idx.msk [tilespmem:v10+s18+$0x0], $0xffff  }
0xe6: {  	v4 =	vor.u32 v44, v3;
	v15 =	vand.u32 $0x1F, v2;
	[tilespmem:$0x1FC80] =	vst v2;
	v2 =	vshll.u32 v2, $0x7;
	v17 =	vld.idx.msk [tilespmem:v7+s18+$0x0], $0xffff  }
0xe7: {  	[tilespmem:$0x1FCB0] =	vst v21;
	v11 =	vand.u32 $0xF80, v2;
	v13 =	vor.u32 v45, v15;
	v6 =	vor.u32 v46, v3;
	v19 =	vld.idx.msk [tilespmem:v9+s18+$0x0], $0xffff  }
0xe8: {  	s16 =	simm.s32 $0x2;
	v10 =	vor.u32 v30, v15;
	v7 =	vor.u32 v31, v15;
	v9 =	vor.u32 v41, v15;
	v21 =	vld.idx.msk [tilespmem:v21+s18+$0x0], $0xffff  }
.LBB2_7:
0xe9: {  	v24 =	vor.u32 v27, v15;
	v27 =	vld.idx.msk [tilespmem:v8+s18+$0x0], $0xffff;
	[tilespmem:v20+s3+$0x0] =	vst.idx.msk $0xffff, v14  }
0xea: {  	v14 =	vor.u32 v39, v3;
	[tilespmem:v22+s3+$0x0] =	vst.idx.msk $0xffff, v18  }
0xeb: {  	[tilespmem:v16+s3+$0x0] =	vst.idx.msk $0xffff, v12;
	v12 =	vor.u32 v47, v3  }
0xec: {  	[tilespmem:v23+s3+$0x0] =	vst.idx.msk $0xffff, v17  }
0xed: {  	[tilespmem:v4+s3+$0x0] =	vst.idx.msk $0xffff, v5  }
0xee: {  	[tilespmem:v6+s3+$0x0] =	vst.idx.msk $0xffff, v19  }
0xef: {  	[tilespmem:v14+s3+$0x0] =	vst.idx.msk $0xffff, v21  }
0xf0: {  	[tilespmem:v12+s3+$0x0] =	vst.idx.msk $0xffff, v27;
	v27 =	vld [tilespmem:$0x1FE00]  }
0xf1: {  	v25 =	vor.u32 v28, v15;
	v5 =	vld.idx.msk [tilespmem:v24+s18+$0x0], $0xffff  }
0xf2: {  	v28 =	vor.u32 v32, v15;
	v14 =	vld.idx.msk [tilespmem:v10+s18+$0x0], $0xffff  }
0xf3: {  	p1 =	sne.s32 s16, $0x1F;
	v3 =	vmov v11;
	v12 =	vld.idx.msk [tilespmem:v13+s18+$0x0], $0xffff  }
.Ltmp4:
0xf4: {  	v26 =	vor.u32 v44, v11;
	s7 =	smov.u32 s16;
	v8 =	vor.u32 v35, v15;
	v20 =	vor.u32 v36, v3;
	v18 =	vld.idx.msk [tilespmem:v7+s18+$0x0], $0xffff;
	(pc) =	sbr.rel @p1 .LBB2_7-.Ltmp4, $4  }
0xf5: {  	v16 =	vor.u32 v38, v3;
	v22 =	vor.u32 v37, v3;
	v10 =	vadd.s32 s7, v0;
	v17 =	vld.idx.msk [tilespmem:v9+s18+$0x0], $0xffff  }
0xf6: {  	v23 =	vor.u32 v40, v3;
	v6 =	vor.u32 v46, v3;
	v19 =	vld.idx.msk [tilespmem:v25+s18+$0x0], $0xffff;
	v15 =	vand.u32 $0x1F, v10  }
0xf7: {  	v21 =	vld.idx.msk [tilespmem:v28+s18+$0x0], $0xffff;
	v11 =	vshll.u32 v10, $0x7;
	v10 =	vor.u32 v30, v15;
	v7 =	vor.u32 v31, v15  }
0xf8: {  	s16 =	sadd.s32 $0x1, s16;
	v4 =	vmovc v26;
	v28 =	vld [tilespmem:$0x1FE10];
	v11 =	vand.u32 $0xF80, v11;
	v13 =	vor.u32 v45, v15;
	v9 =	vor.u32 v41, v15  }
0xf9: {  	_ =	sdelay $0x3  }
0xfa: {  	v8 =	vld.idx.msk [tilespmem:v8+s18+$0x0], $0xffff;
	[tilespmem:v20+s3+$0x0] =	vst.idx.msk $0xffff, v14  }
0xfb: {  	v14 =	vor.u32 v39, v3;
	[tilespmem:v22+s3+$0x0] =	vst.idx.msk $0xffff, v18  }
0xfc: {  	v3 =	vor.u32 v47, v3;
	[tilespmem:v16+s3+$0x0] =	vst.idx.msk $0xffff, v12  }
0xfd: {  	v12 =	vor.u32 v27, v15;
	[tilespmem:v23+s3+$0x0] =	vst.idx.msk $0xffff, v17  }
0xfe: {  	[tilespmem:v4+s3+$0x0] =	vst.idx.msk $0xffff, v5  }
0xff: {  	[tilespmem:v6+s3+$0x0] =	vst.idx.msk $0xffff, v19  }
0x100: {  	[tilespmem:v14+s3+$0x0] =	vst.idx.msk $0xffff, v21  }
0x101: {  	[tilespmem:v3+s3+$0x0] =	vst.idx.msk $0xffff, v8  }
0x102: {  	v5 =	vor.u32 v32, v15;
	v4 =	vld.idx.msk [tilespmem:v12+s18+$0x0], $0xffff  }
0x103: {  	v3 =	vor.u32 v28, v15;
	v6 =	vld.idx.msk [tilespmem:v10+s18+$0x0], $0xffff  }
0x104: {  	v8 =	vor.u32 v35, v15;
	v10 =	vld.idx.msk [tilespmem:v13+s18+$0x0], $0xffff;
	v12 =	vor.u32 v36, v11  }
0x105: {  	v7 =	vld.idx.msk [tilespmem:v7+s18+$0x0], $0xffff;
	v13 =	vor.u32 v37, v11  }
0x106: {  	v14 =	vor.u32 v38, v11;
	v9 =	vld.idx.msk [tilespmem:v9+s18+$0x0], $0xffff  }
0x107: {  	v15 =	vor.u32 v40, v11;
	v5 =	vld.idx.msk [tilespmem:v5+s18+$0x0], $0xffff  }
0x108: {  	v16 =	vor.u32 v44, v11;
	v3 =	vld.idx.msk [tilespmem:v3+s18+$0x0], $0xffff  }
0x109: {  	v17 =	vor.u32 v46, v11;
	v8 =	vld.idx.msk [tilespmem:v8+s18+$0x0], $0xffff;
	[tilespmem:v12+s3+$0x0] =	vst.idx.msk $0xffff, v6  }
0x10a: {  	[tilespmem:v13+s3+$0x0] =	vst.idx.msk $0xffff, v7  }
0x10b: {  	[tilespmem:v14+s3+$0x0] =	vst.idx.msk $0xffff, v10  }
0x10c: {  	[tilespmem:v15+s3+$0x0] =	vst.idx.msk $0xffff, v9  }
0x10d: {  	[tilespmem:v16+s3+$0x0] =	vst.idx.msk $0xffff, v4  }
0x10e: {  	v6 =	vor.u32 v39, v11;
	[tilespmem:v17+s3+$0x0] =	vst.idx.msk $0xffff, v3;
	v3 =	vld [tilespmem:$0x1FC40];
	_ =	sdelay $0x1  }
0x10f: {  	v7 =	vor.u32 v47, v11;
	_ =	sdelay $0x2  }
0x110: {  	[tilespmem:v6+s3+$0x0] =	vst.idx.msk $0xffff, v5;
	v5 =	vld [tilespmem:$0x1FC70];
	_ =	sdelay $0x1  }
0x111: {  	v18 =	vld [tilespmem:$0x1FCB0];
	[tilespmem:v7+s3+$0x0] =	vst.idx.msk $0xffff, v8  }
0x112: {  	v4 =	vld.idx.msk [tilespmem:v3+s19+$0x0], $0xffff  }
0x113: {  	v3 =	vld [tilespmem:$0x1FC50]  }
0x114: {  	v46 =	vld [tilespmem:$0x1FFB0]  }
0x115: {  	v40 =	vld [tilespmem:$0x1FF80]  }
0x116: {  	v37 =	vld [tilespmem:$0x1FF70]  }
0x117: {  	v15 =	vld.idx.msk [tilespmem:v5+s19+$0x0], $0xffff  }
0x118: {  	v5 =	vld [tilespmem:$0x1FC80]  }
0x119: {  	v47 =	vld [tilespmem:$0x1FF60]  }
0x11a: {  	v6 =	vld [tilespmem:$0x1FCA0]  }
0x11b: {  	v12 =	vld.idx.msk [tilespmem:v3+s19+$0x0], $0xffff  }
0x11c: {  	v3 =	vld [tilespmem:$0x1FC60]  }
0x11d: {  	v13 =	vand.u32 $0x1F, v5;
	v5 =	vld [tilespmem:$0x1FC90]  }
0x11e: {  	v36 =	vld [tilespmem:$0x1FF90]  }
0x11f: {  	v38 =	vld [tilespmem:$0x1FFA0]  }
0x120: {  	v39 =	vld [tilespmem:$0x1FFC0]  }
0x121: {  	v7 =	vor.u32 v35, v48;
	v48 =	vld [tilespmem:$0x1FE80]  }
0x122: {  	v17 =	vor.u32 v47, v1;
	v18 =	vld.idx.msk [tilespmem:v18+s19+$0x0], $0xffff  }
0x123: {  	v20 =	vor.u32 v40, v1;
	v19 =	vor.u32 v37, v1;
	v21 =	vor.u32 v36, v1;
	v16 =	vld.idx.msk [tilespmem:v6+s19+$0x0], $0xffff  }
0x124: {  	v9 =	vor.u32 v46, v1;
	v8 =	vor.u32 v30, v13;
	v10 =	vor.u32 v45, v13;
	v11 =	vld.idx.msk [tilespmem:v3+s19+$0x0], $0xffff  }
0x125: {  	s16 =	simm.s32 $0x2;
	v6 =	vor.u32 v41, v13;
	v14 =	vld.idx.msk [tilespmem:v5+s19+$0x0], $0xffff;
	v5 =	vor.u32 v31, v13;
	v3 =	vor.u32 v38, v1  }
.LBB2_9:
0x126: {  	p1 =	sne.s32 s16, $0x1F;
	v22 =	vor.u32 v27, v13;
	v24 =	vor.u32 v38, v2;
	v25 =	vld.idx.msk [tilespmem:v7+s19+$0x0], $0xffff;
	s7 =	smov.u32 s16;
	s16 =	sadd.s32 $0x1, s16;
	v23 =	vor.u32 v28, v13  }
0x127: {  	v26 =	vor.u32 v32, v13;
	v7 =	vor.u32 v35, v13;
	[tilespmem:v17+s3+$0x0] =	vst.idx.msk $0xffff, v12  }
0x128: {  	v12 =	vor.u32 v39, v1;
	[tilespmem:v19+s3+$0x0] =	vst.idx.msk $0xffff, v15  }
0x129: {  	[tilespmem:v20+s3+$0x0] =	vst.idx.msk $0xffff, v11;
	v11 =	vor.u32 v48, v1;
	v1 =	vmov v2  }
0x12a: {  	[tilespmem:v21+s3+$0x0] =	vst.idx.msk $0xffff, v14  }
0x12b: {  	[tilespmem:v3+s3+$0x0] =	vst.idx.msk $0xffff, v4;
	v3 =	vmov v24  }
0x12c: {  	[tilespmem:v9+s3+$0x0] =	vst.idx.msk $0xffff, v16  }
0x12d: {  	[tilespmem:v12+s3+$0x0] =	vst.idx.msk $0xffff, v18  }
0x12e: {  	[tilespmem:v11+s3+$0x0] =	vst.idx.msk $0xffff, v25  }
0x12f: {  	v4 =	vld.idx.msk [tilespmem:v22+s19+$0x0], $0xffff  }
0x130: {  	v12 =	vld.idx.msk [tilespmem:v8+s19+$0x0], $0xffff  }
.Ltmp5:
0x131: {  	v11 =	vld.idx.msk [tilespmem:v10+s19+$0x0], $0xffff;
	(pc) =	sbr.rel @p1 .LBB2_9-.Ltmp5, $4  }
0x132: {  	v2 =	vadd.s32 s7, v0;
	v17 =	vor.u32 v47, v1;
	v9 =	vor.u32 v46, v1;
	v15 =	vld.idx.msk [tilespmem:v5+s19+$0x0], $0xffff  }
0x133: {  	v13 =	vand.u32 $0x1F, v2;
	v2 =	vshll.u32 v2, $0x7;
	v19 =	vor.u32 v37, v1;
	v14 =	vld.idx.msk [tilespmem:v6+s19+$0x0], $0xffff  }
0x134: {  	v20 =	vor.u32 v40, v1;
	v8 =	vor.u32 v30, v13;
	v5 =	vor.u32 v31, v13;
	v16 =	vld.idx.msk [tilespmem:v23+s19+$0x0], $0xffff  }
0x135: {  	v21 =	vor.u32 v36, v1;
	v10 =	vor.u32 v45, v13;
	v6 =	vor.u32 v41, v13;
	v18 =	vld.idx.msk [tilespmem:v26+s19+$0x0], $0xffff  }
0x136: {  	_ =	sdelay $0x3  }
0x137: {  	v7 =	vld.idx.msk [tilespmem:v7+s19+$0x0], $0xffff;
	[tilespmem:v17+s3+$0x0] =	vst.idx.msk $0xffff, v12  }
0x138: {  	v12 =	vor.u32 v39, v1;
	[tilespmem:v19+s3+$0x0] =	vst.idx.msk $0xffff, v15  }
0x139: {  	v1 =	vor.u32 v48, v1;
	[tilespmem:v20+s3+$0x0] =	vst.idx.msk $0xffff, v11  }
0x13a: {  	v11 =	vor.u32 v27, v13;
	[tilespmem:v21+s3+$0x0] =	vst.idx.msk $0xffff, v14  }
0x13b: {  	[tilespmem:v3+s3+$0x0] =	vst.idx.msk $0xffff, v4  }
0x13c: {  	[tilespmem:v9+s3+$0x0] =	vst.idx.msk $0xffff, v16  }
0x13d: {  	[tilespmem:v12+s3+$0x0] =	vst.idx.msk $0xffff, v18  }
0x13e: {  	[tilespmem:v1+s3+$0x0] =	vst.idx.msk $0xffff, v7  }
0x13f: {  	v4 =	vor.u32 v32, v13;
	v3 =	vld.idx.msk [tilespmem:v11+s19+$0x0], $0xffff  }
0x140: {  	v1 =	vor.u32 v28, v13;
	v7 =	vld.idx.msk [tilespmem:v8+s19+$0x0], $0xffff  }
0x141: {  	v8 =	vor.u32 v35, v13;
	v9 =	vld.idx.msk [tilespmem:v10+s19+$0x0], $0xffff;
	v10 =	vor.u32 v47, v2  }
0x142: {  	v5 =	vld.idx.msk [tilespmem:v5+s19+$0x0], $0xffff;
	v11 =	vor.u32 v37, v2  }
0x143: {  	v12 =	vor.u32 v40, v2;
	v6 =	vld.idx.msk [tilespmem:v6+s19+$0x0], $0xffff  }
0x144: {  	v13 =	vor.u32 v36, v2;
	v4 =	vld.idx.msk [tilespmem:v4+s19+$0x0], $0xffff  }
0x145: {  	v14 =	vor.u32 v38, v2;
	v1 =	vld.idx.msk [tilespmem:v1+s19+$0x0], $0xffff  }
0x146: {  	v15 =	vor.u32 v46, v2;
	v8 =	vld.idx.msk [tilespmem:v8+s19+$0x0], $0xffff;
	[tilespmem:v10+s3+$0x0] =	vst.idx.msk $0xffff, v7  }
0x147: {  	[tilespmem:v11+s3+$0x0] =	vst.idx.msk $0xffff, v5;
	v5 =	vor.u32 v39, v2  }
0x148: {  	v2 =	vor.u32 v48, v2;
	[tilespmem:v12+s3+$0x0] =	vst.idx.msk $0xffff, v9  }
0x149: {  	[tilespmem:v13+s3+$0x0] =	vst.idx.msk $0xffff, v6  }
0x14a: {  	[tilespmem:v14+s3+$0x0] =	vst.idx.msk $0xffff, v3  }
0x14b: {  	[tilespmem:v15+s3+$0x0] =	vst.idx.msk $0xffff, v1  }
0x14c: {  	[tilespmem:v5+s3+$0x0] =	vst.idx.msk $0xffff, v4  }
0x14d: {  	s7 =	sadd.s32 s2, s9;
	[tilespmem:v2+s3+$0x0] =	vst.idx.msk $0xffff, v8  }
0x14e: {  	[hbm4b:s7+s13] =	stream.strided.scatter [tilespmem:s21], [sflag:$0x6], $0x2000, s14, s13, $0x38;
	[tilespmem:$0x18800] =	vst v63  }
0x14f: {  	s8 =	simm.s32 @!p0 $0x80;
	s16 =	simm.s32 @!p0 $0xD800;
	s7 =	sadd.s32 @!p0 $0x280, s30  }
0x150: {  	[tilespmem:s16], [sflag:$0x2] =	stream.indirect.gather @!p0 [hbm4b:s4+s8], $0x20, s7, s8, $0xb8;
	[tilespmem:$0x18800] =	vst v63  }
0x151: {  	s7 =	sadd.s32 @!p0 $0x6680, s30;
	s16 =	simm.s32 @!p0 $0x11800  }
0x152: {  	[tilespmem:s16], [sflag:$0x2] =	stream.indirect.gather @!p0 [hbm4b:s6+s8], $0x20, s7, s8, $0xb8;
	[tilespmem:$0x18800] =	vst v63  }
0x153: {  	_ =	swait.ge [sflag:s22], $0x1000  }
0x154: {  	[sflag:s22] =	ssyncset.done $0x0  }
0x155: {  	[sflag:s22] =	ssyncadd.s32 $0xFFFFF000  }
0x156: {  	_ =	swait.ge [sflag:s22], $0x1000  }
0x157: {  	[sflag:s22] =	ssyncset.done $0x0  }
0x158: {  	[sflag:s22] =	ssyncadd.s32 $0xFFFFF000  }
0x159: {  	s8 =	simm.s32 $0x0;
	v48 =	vld [tilespmem:$0x1FFD0];
	_ =	swait.ge [sflag:s23], $0x2000  }
0x15a: {  	v1 =	vadd.s32 s8, v0;
	v37 =	vld [tilespmem:$0x1FD50]  }
0x15b: {  	v2 =	vand.u32 $0x1F, v1;
	v39 =	vld [tilespmem:$0x1FD60]  }
0x15c: {  	v3 =	vor.u32 v52, v2;
	v32 =	vld [tilespmem:$0x1FEC0]  }
0x15d: {  	v6 =	vor.u32 v50, v2;
	v31 =	vld [tilespmem:$0x1FD30]  }
0x15e: {  	v10 =	vor.u32 v49, v2;
	v35 =	vld [tilespmem:$0x1FD40]  }
0x15f: {  	v7 =	vor.u32 v51, v2;
	[sflag:s23] =	ssyncset.done $0x0;
	[tilespmem:$0x1FBB0] =	vst v3;
	v30 =	vld [tilespmem:$0x1FD80]  }
0x160: {  	v40 =	vmov v36;
	[tilespmem:$0x1FBD0] =	vst v2;
	v36 =	vld [tilespmem:$0x1FD70];
	[sflag:s23] =	ssyncadd.s32 $0xFFFFE000;
	v4 =	vor.u32 v48, v2  }
0x161: {  	v9 =	vor.u32 v53, v2;
	[tilespmem:$0x1FBE0] =	vst v6;
	v5 =	vld.idx.msk [tilespmem:v3+s18+$0x0], $0xffff  }
0x162: {  	s16 =	simm.s32 $0x1;
	v21 =	vor.u32 v54, v2;
	[tilespmem:$0x1FBF0] =	vst v10;
	v12 =	vld.idx.msk [tilespmem:v6+s18+$0x0], $0xffff  }
0x163: {  	v1 =	vshll.u32 v1, $0x7;
	v8 =	vor.u32 v55, v2;
	[tilespmem:$0x1FC10] =	vst v7;
	v2 =	vadd.s32 s16, v0;
	v18 =	vld.idx.msk [tilespmem:v10+s18+$0x0], $0xffff  }
0x164: {  	v38 =	vmov v46;
	[tilespmem:$0x1FC20] =	vst v9;
	v3 =	vand.u32 $0xF80, v1;
	v17 =	vld.idx.msk [tilespmem:v7+s18+$0x0], $0xffff;
	v15 =	vand.u32 $0x1F, v2  }
0x165: {  	v20 =	vor.u32 v0, v3;
	[tilespmem:$0x1FC00] =	vst v2;
	v2 =	vshll.u32 v2, $0x7;
	v10 =	vor.u32 v48, v15;
	v14 =	vld.idx.msk [tilespmem:v4+s18+$0x0], $0xffff  }
0x166: {  	[tilespmem:$0x1FC30] =	vst v21;
	v19 =	vld.idx.msk [tilespmem:v9+s18+$0x0], $0xffff;
	v7 =	vor.u32 v49, v15;
	v11 =	vand.u32 $0xF80, v2;
	v22 =	vor.u32 v31, v3  }
0x167: {  	v21 =	vld.idx.msk [tilespmem:v21+s18+$0x0], $0xffff;
	v13 =	vor.u32 v50, v15;
	v9 =	vor.u32 v51, v15;
	v16 =	vor.u32 v32, v3  }
0x168: {  	v41 =	vld [tilespmem:$0x1FD90];
	s16 =	simm.s32 $0x2;
	[tilespmem:$0x1FBC0] =	vst v4;
	v6 =	vor.u32 v39, v3;
	v23 =	vor.u32 v35, v3;
	v4 =	vor.u32 v37, v3  }
.LBB2_11:
0x169: {  	p1 =	sne.s32 s16, $0x1F;
	v24 =	vor.u32 v52, v15;
	v25 =	vor.u32 v53, v15;
	v26 =	vor.u32 v37, v11;
	v27 =	vld.idx.msk [tilespmem:v8+s18+$0x0], $0xffff;
	s7 =	smov.u32 s16;
	s16 =	sadd.s32 $0x1, s16  }
0x16a: {  	v28 =	vor.u32 v54, v15;
	v8 =	vor.u32 v55, v15;
	[tilespmem:v20+s3+$0x0] =	vst.idx.msk $0xffff, v14  }
0x16b: {  	v14 =	vor.u32 v36, v3;
	[tilespmem:v22+s3+$0x0] =	vst.idx.msk $0xffff, v18  }
0x16c: {  	[tilespmem:v16+s3+$0x0] =	vst.idx.msk $0xffff, v12;
	v12 =	vor.u32 v30, v3;
	v3 =	vmov v11  }
0x16d: {  	[tilespmem:v23+s3+$0x0] =	vst.idx.msk $0xffff, v17  }
0x16e: {  	[tilespmem:v4+s3+$0x0] =	vst.idx.msk $0xffff, v5;
	v4 =	vmov v26  }
0x16f: {  	[tilespmem:v6+s3+$0x0] =	vst.idx.msk $0xffff, v19  }
0x170: {  	[tilespmem:v14+s3+$0x0] =	vst.idx.msk $0xffff, v21  }
0x171: {  	[tilespmem:v12+s3+$0x0] =	vst.idx.msk $0xffff, v27  }
0x172: {  	v5 =	vld.idx.msk [tilespmem:v24+s18+$0x0], $0xffff  }
0x173: {  	v14 =	vld.idx.msk [tilespmem:v10+s18+$0x0], $0xffff  }
.Ltmp6:
0x174: {  	v6 =	vor.u32 v39, v3;
	v12 =	vld.idx.msk [tilespmem:v13+s18+$0x0], $0xffff;
	(pc) =	sbr.rel @p1 .LBB2_11-.Ltmp6, $4  }
0x175: {  	v20 =	vor.u32 v0, v3;
	v16 =	vor.u32 v32, v3;
	v10 =	vadd.s32 s7, v0;
	v18 =	vld.idx.msk [tilespmem:v7+s18+$0x0], $0xffff  }
0x176: {  	v22 =	vor.u32 v31, v3;
	v15 =	vand.u32 $0x1F, v10;
	v11 =	vshll.u32 v10, $0x7;
	v17 =	vld.idx.msk [tilespmem:v9+s18+$0x0], $0xffff  }
0x177: {  	v10 =	vor.u32 v48, v15;
	v7 =	vor.u32 v49, v15;
	v11 =	vand.u32 $0xF80, v11;
	v19 =	vld.idx.msk [tilespmem:v25+s18+$0x0], $0xffff  }
0x178: {  	v23 =	vor.u32 v35, v3;
	v13 =	vor.u32 v50, v15;
	v9 =	vor.u32 v51, v15;
	v21 =	vld.idx.msk [tilespmem:v28+s18+$0x0], $0xffff  }
0x179: {  	_ =	sdelay $0x3  }
0x17a: {  	v8 =	vld.idx.msk [tilespmem:v8+s18+$0x0], $0xffff;
	[tilespmem:v20+s3+$0x0] =	vst.idx.msk $0xffff, v14  }
0x17b: {  	v14 =	vor.u32 v36, v3;
	[tilespmem:v22+s3+$0x0] =	vst.idx.msk $0xffff, v18  }
0x17c: {  	v3 =	vor.u32 v30, v3;
	[tilespmem:v16+s3+$0x0] =	vst.idx.msk $0xffff, v12  }
0x17d: {  	v12 =	vor.u32 v52, v15;
	[tilespmem:v23+s3+$0x0] =	vst.idx.msk $0xffff, v17  }
0x17e: {  	[tilespmem:v4+s3+$0x0] =	vst.idx.msk $0xffff, v5  }
0x17f: {  	[tilespmem:v6+s3+$0x0] =	vst.idx.msk $0xffff, v19  }
0x180: {  	[tilespmem:v14+s3+$0x0] =	vst.idx.msk $0xffff, v21  }
0x181: {  	[tilespmem:v3+s3+$0x0] =	vst.idx.msk $0xffff, v8  }
0x182: {  	v5 =	vor.u32 v54, v15;
	v4 =	vld.idx.msk [tilespmem:v12+s18+$0x0], $0xffff  }
0x183: {  	v3 =	vor.u32 v53, v15;
	v6 =	vld.idx.msk [tilespmem:v10+s18+$0x0], $0xffff  }
0x184: {  	v8 =	vor.u32 v55, v15;
	v10 =	vld.idx.msk [tilespmem:v13+s18+$0x0], $0xffff;
	v12 =	vor.u32 v0, v11  }
0x185: {  	v7 =	vld.idx.msk [tilespmem:v7+s18+$0x0], $0xffff;
	v13 =	vor.u32 v31, v11  }
0x186: {  	v14 =	vor.u32 v32, v11;
	v9 =	vld.idx.msk [tilespmem:v9+s18+$0x0], $0xffff  }
0x187: {  	v15 =	vor.u32 v35, v11;
	v5 =	vld.idx.msk [tilespmem:v5+s18+$0x0], $0xffff  }
0x188: {  	v16 =	vor.u32 v37, v11;
	v3 =	vld.idx.msk [tilespmem:v3+s18+$0x0], $0xffff  }
0x189: {  	v17 =	vor.u32 v39, v11;
	v8 =	vld.idx.msk [tilespmem:v8+s18+$0x0], $0xffff;
	[tilespmem:v12+s3+$0x0] =	vst.idx.msk $0xffff, v6  }
0x18a: {  	v6 =	vor.u32 v36, v11;
	[tilespmem:v13+s3+$0x0] =	vst.idx.msk $0xffff, v7  }
0x18b: {  	[tilespmem:v14+s3+$0x0] =	vst.idx.msk $0xffff, v10  }
0x18c: {  	[tilespmem:v15+s3+$0x0] =	vst.idx.msk $0xffff, v9  }
0x18d: {  	[tilespmem:v16+s3+$0x0] =	vst.idx.msk $0xffff, v4  }
0x18e: {  	[tilespmem:v17+s3+$0x0] =	vst.idx.msk $0xffff, v3;
	v3 =	vld [tilespmem:$0x1FBB0]  }
0x18f: {  	v7 =	vor.u32 v30, v11;
	[tilespmem:v6+s3+$0x0] =	vst.idx.msk $0xffff, v5;
	v5 =	vld [tilespmem:$0x1FBD0];
	_ =	sdelay $0x4  }
0x190: {  	[tilespmem:v7+s3+$0x0] =	vst.idx.msk $0xffff, v8;
	v7 =	vor.u32 v55, v5;
	v5 =	vld [tilespmem:$0x1FBF0];
	_ =	sdelay $0x1  }
0x191: {  	v28 =	vld [tilespmem:$0x1FDB0]  }
0x192: {  	v4 =	vld.idx.msk [tilespmem:v3+s19+$0x0], $0xffff  }
0x193: {  	v3 =	vld [tilespmem:$0x1FBC0]  }
0x194: {  	v27 =	vld [tilespmem:$0x1FDA0]  }
0x195: {  	v18 =	vld [tilespmem:$0x1FC30]  }
0x196: {  	v39 =	vld [tilespmem:$0x1FF50]  }
0x197: {  	v15 =	vld.idx.msk [tilespmem:v5+s19+$0x0], $0xffff  }
0x198: {  	v5 =	vld [tilespmem:$0x1FC00]  }
0x199: {  	v32 =	vld [tilespmem:$0x1FF20]  }
0x19a: {  	v6 =	vld [tilespmem:$0x1FC20]  }
0x19b: {  	v12 =	vld.idx.msk [tilespmem:v3+s19+$0x0], $0xffff  }
0x19c: {  	v3 =	vld [tilespmem:$0x1FBE0]  }
0x19d: {  	v13 =	vand.u32 $0x1F, v5;
	v5 =	vld [tilespmem:$0x1FC10]  }
0x19e: {  	v35 =	vld [tilespmem:$0x1FF30]  }
0x19f: {  	v30 =	vld [tilespmem:$0x1FDC0]  }
0x1a0: {  	v31 =	vld [tilespmem:$0x1FEF0]  }
0x1a1: {  	v36 =	vld [tilespmem:$0x1FDD0]  }
0x1a2: {  	v17 =	vor.u32 v42, v1;
	v18 =	vld.idx.msk [tilespmem:v18+s19+$0x0], $0xffff  }
0x1a3: {  	v20 =	vor.u32 v41, v1;
	v19 =	vor.u32 v43, v1;
	v21 =	vor.u32 v27, v1;
	v16 =	vld.idx.msk [tilespmem:v6+s19+$0x0], $0xffff  }
0x1a4: {  	v9 =	vor.u32 v30, v1;
	v8 =	vor.u32 v48, v13;
	v10 =	vor.u32 v50, v13;
	v11 =	vld.idx.msk [tilespmem:v3+s19+$0x0], $0xffff  }
0x1a5: {  	s16 =	simm.s32 $0x2;
	v6 =	vor.u32 v51, v13;
	v3 =	vor.u32 v28, v1;
	v14 =	vld.idx.msk [tilespmem:v5+s19+$0x0], $0xffff;
	v5 =	vor.u32 v49, v13  }
.LBB2_13:
0x1a6: {  	p1 =	sne.s32 s16, $0x1F;
	v22 =	vor.u32 v52, v13;
	v23 =	vor.u32 v53, v13;
	v24 =	vor.u32 v28, v2;
	v25 =	vld.idx.msk [tilespmem:v7+s19+$0x0], $0xffff;
	s7 =	smov.u32 s16;
	s16 =	sadd.s32 $0x1, s16  }
0x1a7: {  	v26 =	vor.u32 v54, v13;
	v7 =	vor.u32 v55, v13;
	[tilespmem:v17+s3+$0x0] =	vst.idx.msk $0xffff, v12  }
0x1a8: {  	v12 =	vor.u32 v31, v1;
	[tilespmem:v19+s3+$0x0] =	vst.idx.msk $0xffff, v15  }
0x1a9: {  	[tilespmem:v20+s3+$0x0] =	vst.idx.msk $0xffff, v11;
	v11 =	vor.u32 v36, v1;
	v1 =	vmov v2  }
0x1aa: {  	[tilespmem:v21+s3+$0x0] =	vst.idx.msk $0xffff, v14  }
0x1ab: {  	[tilespmem:v3+s3+$0x0] =	vst.idx.msk $0xffff, v4;
	v3 =	vmov v24  }
0x1ac: {  	[tilespmem:v9+s3+$0x0] =	vst.idx.msk $0xffff, v16  }
0x1ad: {  	[tilespmem:v12+s3+$0x0] =	vst.idx.msk $0xffff, v18  }
0x1ae: {  	[tilespmem:v11+s3+$0x0] =	vst.idx.msk $0xffff, v25  }
0x1af: {  	v4 =	vld.idx.msk [tilespmem:v22+s19+$0x0], $0xffff  }
0x1b0: {  	v12 =	vld.idx.msk [tilespmem:v8+s19+$0x0], $0xffff  }
.Ltmp7:
0x1b1: {  	v11 =	vld.idx.msk [tilespmem:v10+s19+$0x0], $0xffff;
	(pc) =	sbr.rel @p1 .LBB2_13-.Ltmp7, $4  }
0x1b2: {  	v2 =	vadd.s32 s7, v0;
	v17 =	vor.u32 v42, v1;
	v9 =	vor.u32 v30, v1;
	v15 =	vld.idx.msk [tilespmem:v5+s19+$0x0], $0xffff  }
0x1b3: {  	v13 =	vand.u32 $0x1F, v2;
	v2 =	vshll.u32 v2, $0x7;
	v19 =	vor.u32 v43, v1;
	v14 =	vld.idx.msk [tilespmem:v6+s19+$0x0], $0xffff  }
0x1b4: {  	v20 =	vor.u32 v41, v1;
	v8 =	vor.u32 v48, v13;
	v5 =	vor.u32 v49, v13;
	v16 =	vld.idx.msk [tilespmem:v23+s19+$0x0], $0xffff  }
0x1b5: {  	v21 =	vor.u32 v27, v1;
	v10 =	vor.u32 v50, v13;
	v6 =	vor.u32 v51, v13;
	v18 =	vld.idx.msk [tilespmem:v26+s19+$0x0], $0xffff  }
0x1b6: {  	_ =	sdelay $0x3  }
0x1b7: {  	v7 =	vld.idx.msk [tilespmem:v7+s19+$0x0], $0xffff;
	[tilespmem:v17+s3+$0x0] =	vst.idx.msk $0xffff, v12  }
0x1b8: {  	v12 =	vor.u32 v31, v1;
	[tilespmem:v19+s3+$0x0] =	vst.idx.msk $0xffff, v15  }
0x1b9: {  	v1 =	vor.u32 v36, v1;
	[tilespmem:v20+s3+$0x0] =	vst.idx.msk $0xffff, v11  }
0x1ba: {  	v11 =	vor.u32 v52, v13;
	[tilespmem:v21+s3+$0x0] =	vst.idx.msk $0xffff, v14  }
0x1bb: {  	[tilespmem:v3+s3+$0x0] =	vst.idx.msk $0xffff, v4  }
0x1bc: {  	[tilespmem:v9+s3+$0x0] =	vst.idx.msk $0xffff, v16  }
0x1bd: {  	[tilespmem:v12+s3+$0x0] =	vst.idx.msk $0xffff, v18  }
0x1be: {  	[tilespmem:v1+s3+$0x0] =	vst.idx.msk $0xffff, v7  }
0x1bf: {  	v4 =	vor.u32 v54, v13;
	v3 =	vld.idx.msk [tilespmem:v11+s19+$0x0], $0xffff  }
0x1c0: {  	v1 =	vor.u32 v53, v13;
	v7 =	vld.idx.msk [tilespmem:v8+s19+$0x0], $0xffff  }
0x1c1: {  	v8 =	vor.u32 v55, v13;
	v9 =	vld.idx.msk [tilespmem:v10+s19+$0x0], $0xffff;
	v10 =	vor.u32 v42, v2  }
0x1c2: {  	v5 =	vld.idx.msk [tilespmem:v5+s19+$0x0], $0xffff;
	v11 =	vor.u32 v43, v2  }
0x1c3: {  	v12 =	vor.u32 v41, v2;
	v6 =	vld.idx.msk [tilespmem:v6+s19+$0x0], $0xffff  }
0x1c4: {  	v13 =	vor.u32 v27, v2;
	v4 =	vld.idx.msk [tilespmem:v4+s19+$0x0], $0xffff  }
0x1c5: {  	v14 =	vor.u32 v28, v2;
	v1 =	vld.idx.msk [tilespmem:v1+s19+$0x0], $0xffff  }
0x1c6: {  	v15 =	vor.u32 v30, v2;
	v8 =	vld.idx.msk [tilespmem:v8+s19+$0x0], $0xffff;
	[tilespmem:v10+s3+$0x0] =	vst.idx.msk $0xffff, v7  }
0x1c7: {  	[tilespmem:v11+s3+$0x0] =	vst.idx.msk $0xffff, v5;
	v5 =	vor.u32 v31, v2  }
0x1c8: {  	v2 =	vor.u32 v36, v2;
	[tilespmem:v12+s3+$0x0] =	vst.idx.msk $0xffff, v9  }
0x1c9: {  	[tilespmem:v13+s3+$0x0] =	vst.idx.msk $0xffff, v6  }
0x1ca: {  	[tilespmem:v14+s3+$0x0] =	vst.idx.msk $0xffff, v3  }
0x1cb: {  	[tilespmem:v15+s3+$0x0] =	vst.idx.msk $0xffff, v1  }
0x1cc: {  	[tilespmem:v5+s3+$0x0] =	vst.idx.msk $0xffff, v4  }
0x1cd: {  	s7 =	sadd.s32 s2, s10;
	[tilespmem:v2+s3+$0x0] =	vst.idx.msk $0xffff, v8  }
0x1ce: {  	[hbm4b:s7+s13] =	stream.strided.scatter [tilespmem:s3], [sflag:$0x5], $0x2000, s14, s13, $0x38;
	[tilespmem:$0x18800] =	vst v63  }
0x1cf: {  	s8 =	simm.s32 @!p0 $0x80;
	s16 =	simm.s32 @!p0 $0xE800;
	s7 =	sadd.s32 @!p0 $0x300, s30  }
0x1d0: {  	[tilespmem:s16], [sflag:$0x3] =	stream.indirect.gather @!p0 [hbm4b:s4+s8], $0x20, s7, s8, $0xb8;
	[tilespmem:$0x18800] =	vst v63  }
0x1d1: {  	s7 =	sadd.s32 @!p0 $0x6700, s30;
	s16 =	simm.s32 @!p0 $0x12800  }
0x1d2: {  	[tilespmem:s16], [sflag:$0x3] =	stream.indirect.gather @!p0 [hbm4b:s6+s8], $0x20, s7, s8, $0xb8;
	[tilespmem:$0x18800] =	vst v63  }
0x1d3: {  	_ =	swait.ge [sflag:s24], $0x1000  }
0x1d4: {  	[sflag:s24] =	ssyncset.done $0x0  }
0x1d5: {  	[sflag:s24] =	ssyncadd.s32 $0xFFFFF000  }
0x1d6: {  	_ =	swait.ge [sflag:s24], $0x1000  }
0x1d7: {  	s8 =	simm.s32 $0x0;
	[sflag:s24] =	ssyncset.done $0x0  }
0x1d8: {  	v1 =	vadd.s32 s8, v0;
	[sflag:s24] =	ssyncadd.s32 $0xFFFFF000  }
0x1d9: {  	v2 =	vand.u32 $0x1F, v1;
	_ =	swait.ge [sflag:s25], $0x2000  }
0x1da: {  	v3 =	vor.u32 v60, v2;
	v31 =	vld [tilespmem:$0x1FE60]  }
0x1db: {  	v4 =	vor.u32 v56, v2;
	v30 =	vld [tilespmem:$0x1FE40]  }
0x1dc: {  	[tilespmem:$0x1FB20] =	vst v3;
	v36 =	vld [tilespmem:$0x1FFA0]  }
0x1dd: {  	v6 =	vor.u32 v58, v2;
	[sflag:s25] =	ssyncset.done $0x0;
	[tilespmem:$0x1FB30] =	vst v4;
	v46 =	vld [tilespmem:$0x1FFC0]  }
0x1de: {  	v10 =	vor.u32 v57, v2;
	[tilespmem:$0x1FB40] =	vst v2;
	v41 =	vld [tilespmem:$0x1FE70];
	[sflag:s25] =	ssyncadd.s32 $0xFFFFE000  }
0x1df: {  	v1 =	vshll.u32 v1, $0x7;
	v7 =	vor.u32 v59, v2;
	[tilespmem:$0x1FB50] =	vst v6;
	v5 =	vld.idx.msk [tilespmem:v3+s18+$0x0], $0xffff  }
0x1e0: {  	v9 =	vor.u32 v61, v2;
	[tilespmem:$0x1FB60] =	vst v10;
	v3 =	vand.u32 $0xF80, v1;
	v14 =	vld.idx.msk [tilespmem:v4+s18+$0x0], $0xffff  }
0x1e1: {  	v37 =	vmov v44;
	s16 =	simm.s32 $0x1;
	v21 =	vor.u32 v62, v2;
	[tilespmem:$0x1FB80] =	vst v7;
	v4 =	vor.u32 v44, v3;
	v44 =	vld [tilespmem:$0x1FE50]  }
0x1e2: {  	v8 =	vor.u32 v63, v2;
	v2 =	vadd.s32 s16, v0;
	[tilespmem:$0x1FB90] =	vst v9;
	v12 =	vld.idx.msk [tilespmem:v6+s18+$0x0], $0xffff  }
0x1e3: {  	v15 =	vand.u32 $0x1F, v2;
	[tilespmem:$0x1FB70] =	vst v2;
	v2 =	vshll.u32 v2, $0x7;
	v18 =	vld.idx.msk [tilespmem:v10+s18+$0x0], $0xffff;
	v20 =	vor.u32 v32, v3  }
0x1e4: {  	v17 =	vld.idx.msk [tilespmem:v7+s18+$0x0], $0xffff;
	v10 =	vor.u32 v56, v15;
	v7 =	vor.u32 v57, v15;
	v22 =	vor.u32 v35, v3  }
0x1e5: {  	[tilespmem:$0x1FBA0] =	vst v21;
	v11 =	vand.u32 $0xF80, v2;
	v19 =	vld.idx.msk [tilespmem:v9+s18+$0x0], $0xffff;
	v13 =	vor.u32 v58, v15;
	v16 =	vor.u32 v30, v3  }
0x1e6: {  	s16 =	simm.s32 $0x2;
	v9 =	vor.u32 v59, v15;
	v21 =	vld.idx.msk [tilespmem:v21+s18+$0x0], $0xffff;
	v6 =	vor.u32 v31, v3;
	v23 =	vor.u32 v44, v3  }
.LBB2_15:
0x1e7: {  	p1 =	sne.s32 s16, $0x1F;
	v24 =	vor.u32 v60, v15;
	v25 =	vor.u32 v61, v15;
	v26 =	vor.u32 v37, v11;
	v27 =	vld.idx.msk [tilespmem:v8+s18+$0x0], $0xffff;
	s7 =	smov.u32 s16;
	s16 =	sadd.s32 $0x1, s16  }
0x1e8: {  	v28 =	vor.u32 v62, v15;
	v8 =	vor.u32 v63, v15;
	[tilespmem:v20+s3+$0x0] =	vst.idx.msk $0xffff, v14  }
0x1e9: {  	v14 =	vor.u32 v41, v3;
	[tilespmem:v22+s3+$0x0] =	vst.idx.msk $0xffff, v18  }
0x1ea: {  	[tilespmem:v16+s3+$0x0] =	vst.idx.msk $0xffff, v12;
	v12 =	vor.u32 v39, v3;
	v3 =	vmov v11  }
0x1eb: {  	[tilespmem:v23+s3+$0x0] =	vst.idx.msk $0xffff, v17  }
0x1ec: {  	[tilespmem:v4+s3+$0x0] =	vst.idx.msk $0xffff, v5;
	v4 =	vmov v26  }
0x1ed: {  	[tilespmem:v6+s3+$0x0] =	vst.idx.msk $0xffff, v19  }
0x1ee: {  	[tilespmem:v14+s3+$0x0] =	vst.idx.msk $0xffff, v21  }
0x1ef: {  	[tilespmem:v12+s3+$0x0] =	vst.idx.msk $0xffff, v27  }
0x1f0: {  	v5 =	vld.idx.msk [tilespmem:v24+s18+$0x0], $0xffff  }
0x1f1: {  	v14 =	vld.idx.msk [tilespmem:v10+s18+$0x0], $0xffff  }
.Ltmp8:
0x1f2: {  	v6 =	vor.u32 v31, v3;
	v12 =	vld.idx.msk [tilespmem:v13+s18+$0x0], $0xffff;
	(pc) =	sbr.rel @p1 .LBB2_15-.Ltmp8, $4  }
0x1f3: {  	v20 =	vor.u32 v32, v3;
	v16 =	vor.u32 v30, v3;
	v10 =	vadd.s32 s7, v0;
	v18 =	vld.idx.msk [tilespmem:v7+s18+$0x0], $0xffff  }
0x1f4: {  	v22 =	vor.u32 v35, v3;
	v15 =	vand.u32 $0x1F, v10;
	v11 =	vshll.u32 v10, $0x7;
	v17 =	vld.idx.msk [tilespmem:v9+s18+$0x0], $0xffff  }
0x1f5: {  	v10 =	vor.u32 v56, v15;
	v7 =	vor.u32 v57, v15;
	v11 =	vand.u32 $0xF80, v11;
	v19 =	vld.idx.msk [tilespmem:v25+s18+$0x0], $0xffff  }
0x1f6: {  	v23 =	vor.u32 v44, v3;
	v13 =	vor.u32 v58, v15;
	v9 =	vor.u32 v59, v15;
	v21 =	vld.idx.msk [tilespmem:v28+s18+$0x0], $0xffff  }
0x1f7: {  	_ =	sdelay $0x3  }
0x1f8: {  	v8 =	vld.idx.msk [tilespmem:v8+s18+$0x0], $0xffff;
	[tilespmem:v20+s3+$0x0] =	vst.idx.msk $0xffff, v14  }
0x1f9: {  	v14 =	vor.u32 v41, v3;
	[tilespmem:v22+s3+$0x0] =	vst.idx.msk $0xffff, v18  }
0x1fa: {  	v3 =	vor.u32 v39, v3;
	[tilespmem:v16+s3+$0x0] =	vst.idx.msk $0xffff, v12  }
0x1fb: {  	v12 =	vor.u32 v60, v15;
	[tilespmem:v23+s3+$0x0] =	vst.idx.msk $0xffff, v17  }
0x1fc: {  	[tilespmem:v4+s3+$0x0] =	vst.idx.msk $0xffff, v5  }
0x1fd: {  	[tilespmem:v6+s3+$0x0] =	vst.idx.msk $0xffff, v19  }
0x1fe: {  	[tilespmem:v14+s3+$0x0] =	vst.idx.msk $0xffff, v21  }
0x1ff: {  	[tilespmem:v3+s3+$0x0] =	vst.idx.msk $0xffff, v8  }
0x200: {  	v5 =	vor.u32 v62, v15;
	v4 =	vld.idx.msk [tilespmem:v12+s18+$0x0], $0xffff  }
0x201: {  	v3 =	vor.u32 v61, v15;
	v6 =	vld.idx.msk [tilespmem:v10+s18+$0x0], $0xffff  }
0x202: {  	v8 =	vor.u32 v63, v15;
	v10 =	vld.idx.msk [tilespmem:v13+s18+$0x0], $0xffff;
	v12 =	vor.u32 v32, v11  }
0x203: {  	v7 =	vld.idx.msk [tilespmem:v7+s18+$0x0], $0xffff;
	v13 =	vor.u32 v35, v11  }
0x204: {  	v14 =	vor.u32 v30, v11;
	v9 =	vld.idx.msk [tilespmem:v9+s18+$0x0], $0xffff  }
0x205: {  	v15 =	vor.u32 v44, v11;
	v5 =	vld.idx.msk [tilespmem:v5+s18+$0x0], $0xffff  }
0x206: {  	v16 =	vor.u32 v37, v11;
	v3 =	vld.idx.msk [tilespmem:v3+s18+$0x0], $0xffff  }
0x207: {  	v17 =	vor.u32 v31, v11;
	v8 =	vld.idx.msk [tilespmem:v8+s18+$0x0], $0xffff;
	[tilespmem:v12+s3+$0x0] =	vst.idx.msk $0xffff, v6  }
0x208: {  	v6 =	vor.u32 v41, v11;
	[tilespmem:v13+s3+$0x0] =	vst.idx.msk $0xffff, v7  }
0x209: {  	[tilespmem:v14+s3+$0x0] =	vst.idx.msk $0xffff, v10  }
0x20a: {  	[tilespmem:v15+s3+$0x0] =	vst.idx.msk $0xffff, v9  }
0x20b: {  	[tilespmem:v16+s3+$0x0] =	vst.idx.msk $0xffff, v4  }
0x20c: {  	[tilespmem:v17+s3+$0x0] =	vst.idx.msk $0xffff, v3;
	v3 =	vld [tilespmem:$0x1FB20]  }
0x20d: {  	v7 =	vor.u32 v39, v11;
	[tilespmem:v6+s3+$0x0] =	vst.idx.msk $0xffff, v5;
	v5 =	vld [tilespmem:$0x1FB40];
	_ =	sdelay $0x4  }
0x20e: {  	[tilespmem:v7+s3+$0x0] =	vst.idx.msk $0xffff, v8;
	v7 =	vor.u32 v63, v5;
	v5 =	vld [tilespmem:$0x1FB60];
	_ =	sdelay $0x2  }
0x20f: {  	v4 =	vld.idx.msk [tilespmem:v3+s19+$0x0], $0xffff  }
0x210: {  	v3 =	vld [tilespmem:$0x1FB30];
	_ =	sdelay $0x2  }
0x211: {  	v18 =	vld [tilespmem:$0x1FBA0]  }
0x212: {  	v15 =	vld.idx.msk [tilespmem:v5+s19+$0x0], $0xffff  }
0x213: {  	v5 =	vld [tilespmem:$0x1FB70]  }
0x214: {  	v37 =	vld [tilespmem:$0x1FF70]  }
0x215: {  	v6 =	vld [tilespmem:$0x1FB90]  }
0x216: {  	v12 =	vld.idx.msk [tilespmem:v3+s19+$0x0], $0xffff  }
0x217: {  	v3 =	vld [tilespmem:$0x1FB50]  }
0x218: {  	v13 =	vand.u32 $0x1F, v5;
	v5 =	vld [tilespmem:$0x1FB80]  }
0x219: {  	v44 =	vld [tilespmem:$0x1FF80];
	_ =	sdelay $0x2  }
0x21a: {  	v27 =	vld [tilespmem:$0x1FE80]  }
0x21b: {  	v17 =	vor.u32 v47, v1;
	v18 =	vld.idx.msk [tilespmem:v18+s19+$0x0], $0xffff  }
0x21c: {  	v21 =	vor.u32 v40, v1;
	v19 =	vor.u32 v37, v1;
	v20 =	vor.u32 v44, v1;
	v16 =	vld.idx.msk [tilespmem:v6+s19+$0x0], $0xffff  }
0x21d: {  	v9 =	vor.u32 v38, v1;
	v8 =	vor.u32 v56, v13;
	v10 =	vor.u32 v58, v13;
	v11 =	vld.idx.msk [tilespmem:v3+s19+$0x0], $0xffff  }
0x21e: {  	s16 =	simm.s32 $0x2;
	v6 =	vor.u32 v59, v13;
	v3 =	vor.u32 v36, v1;
	v14 =	vld.idx.msk [tilespmem:v5+s19+$0x0], $0xffff;
	v5 =	vor.u32 v57, v13  }
.LBB2_17:
0x21f: {  	p1 =	sne.s32 s16, $0x1F;
	v22 =	vor.u32 v60, v13;
	v23 =	vor.u32 v61, v13;
	v24 =	vor.u32 v36, v2;
	v25 =	vld.idx.msk [tilespmem:v7+s19+$0x0], $0xffff;
	s7 =	smov.u32 s16;
	s16 =	sadd.s32 $0x1, s16  }
0x220: {  	v26 =	vor.u32 v62, v13;
	v7 =	vor.u32 v63, v13;
	[tilespmem:v17+s3+$0x0] =	vst.idx.msk $0xffff, v12  }
0x221: {  	v12 =	vor.u32 v46, v1;
	[tilespmem:v19+s3+$0x0] =	vst.idx.msk $0xffff, v15  }
0x222: {  	[tilespmem:v20+s3+$0x0] =	vst.idx.msk $0xffff, v11;
	v11 =	vor.u32 v27, v1;
	v1 =	vmov v2  }
0x223: {  	[tilespmem:v21+s3+$0x0] =	vst.idx.msk $0xffff, v14  }
0x224: {  	[tilespmem:v3+s3+$0x0] =	vst.idx.msk $0xffff, v4;
	v3 =	vmov v24  }
0x225: {  	[tilespmem:v9+s3+$0x0] =	vst.idx.msk $0xffff, v16  }
0x226: {  	[tilespmem:v12+s3+$0x0] =	vst.idx.msk $0xffff, v18  }
0x227: {  	[tilespmem:v11+s3+$0x0] =	vst.idx.msk $0xffff, v25  }
0x228: {  	v4 =	vld.idx.msk [tilespmem:v22+s19+$0x0], $0xffff  }
0x229: {  	v12 =	vld.idx.msk [tilespmem:v8+s19+$0x0], $0xffff  }
.Ltmp9:
0x22a: {  	v11 =	vld.idx.msk [tilespmem:v10+s19+$0x0], $0xffff;
	(pc) =	sbr.rel @p1 .LBB2_17-.Ltmp9, $4  }
0x22b: {  	v2 =	vadd.s32 s7, v0;
	v17 =	vor.u32 v47, v1;
	v9 =	vor.u32 v38, v1;
	v15 =	vld.idx.msk [tilespmem:v5+s19+$0x0], $0xffff  }
0x22c: {  	v13 =	vand.u32 $0x1F, v2;
	v2 =	vshll.u32 v2, $0x7;
	v19 =	vor.u32 v37, v1;
	v14 =	vld.idx.msk [tilespmem:v6+s19+$0x0], $0xffff  }
0x22d: {  	v20 =	vor.u32 v44, v1;
	v8 =	vor.u32 v56, v13;
	v5 =	vor.u32 v57, v13;
	v16 =	vld.idx.msk [tilespmem:v23+s19+$0x0], $0xffff  }
0x22e: {  	v21 =	vor.u32 v40, v1;
	v10 =	vor.u32 v58, v13;
	v6 =	vor.u32 v59, v13;
	v18 =	vld.idx.msk [tilespmem:v26+s19+$0x0], $0xffff  }
0x22f: {  	_ =	sdelay $0x3  }
0x230: {  	v7 =	vld.idx.msk [tilespmem:v7+s19+$0x0], $0xffff;
	[tilespmem:v17+s3+$0x0] =	vst.idx.msk $0xffff, v12  }
0x231: {  	v23 =	vor.u32 v46, v1;
	[tilespmem:v19+s3+$0x0] =	vst.idx.msk $0xffff, v15  }
0x232: {  	v1 =	vor.u32 v27, v1;
	[tilespmem:v20+s3+$0x0] =	vst.idx.msk $0xffff, v11  }
0x233: {  	v32 =	vor.u32 v60, v13;
	[tilespmem:v21+s3+$0x0] =	vst.idx.msk $0xffff, v14  }
0x234: {  	[tilespmem:v3+s3+$0x0] =	vst.idx.msk $0xffff, v4  }
0x235: {  	[tilespmem:v9+s3+$0x0] =	vst.idx.msk $0xffff, v16  }
0x236: {  	[tilespmem:v23+s3+$0x0] =	vst.idx.msk $0xffff, v18  }
0x237: {  	[tilespmem:v1+s3+$0x0] =	vst.idx.msk $0xffff, v7  }
0x238: {  	v35 =	vor.u32 v62, v13;
	v3 =	vld.idx.msk [tilespmem:v32+s19+$0x0], $0xffff  }
0x239: {  	v39 =	vor.u32 v63, v13;
	v7 =	vld.idx.msk [tilespmem:v8+s19+$0x0], $0xffff  }
0x23a: {  	v41 =	vor.u32 v47, v2;
	v1 =	vor.u32 v61, v13;
	v9 =	vld.idx.msk [tilespmem:v10+s19+$0x0], $0xffff  }
0x23b: {  	v42 =	vor.u32 v37, v2;
	v5 =	vld.idx.msk [tilespmem:v5+s19+$0x0], $0xffff  }
0x23c: {  	v43 =	vor.u32 v44, v2;
	v6 =	vld.idx.msk [tilespmem:v6+s19+$0x0], $0xffff  }
0x23d: {  	v44 =	vor.u32 v40, v2;
	v4 =	vld.idx.msk [tilespmem:v35+s19+$0x0], $0xffff  }
0x23e: {  	v45 =	vor.u32 v36, v2;
	v8 =	vld.idx.msk [tilespmem:v39+s19+$0x0], $0xffff  }
0x23f: {  	v47 =	vor.u32 v38, v2;
	v1 =	vld.idx.msk [tilespmem:v1+s19+$0x0], $0xffff;
	[tilespmem:v41+s3+$0x0] =	vst.idx.msk $0xffff, v7  }
0x240: {  	v48 =	vor.u32 v46, v2;
	[tilespmem:v42+s3+$0x0] =	vst.idx.msk $0xffff, v5  }
0x241: {  	v2 =	vor.u32 v27, v2;
	[tilespmem:v43+s3+$0x0] =	vst.idx.msk $0xffff, v9  }
0x242: {  	[tilespmem:v44+s3+$0x0] =	vst.idx.msk $0xffff, v6  }
.Ltmp10:
0x243: {  	[tilespmem:v45+s3+$0x0] =	vst.idx.msk $0xffff, v3;
	(pc) =	sbr.rel @p0 .LBB2_20-.Ltmp10, $4  }
0x244: {  	v24 =	vld [tilespmem:$0x1FE90];
	[tilespmem:v47+s3+$0x0] =	vst.idx.msk $0xffff, v1  }
0x245: {  	v25 =	vld [tilespmem:$0x1FEA0];
	[tilespmem:v48+s3+$0x0] =	vst.idx.msk $0xffff, v4  }
0x246: {  	s2 =	sadd.s32 s2, s11;
	v26 =	vld [tilespmem:$0x1FEB0];
	[tilespmem:v2+s3+$0x0] =	vst.idx.msk $0xffff, v8  }
0x247: {  	v27 =	vmov v29;
	v28 =	vmov v33;
	v41 =	vld [tilespmem:$0x1FEC0];
	[hbm4b:s2+s13] =	stream.strided.scatter [tilespmem:s21], [sflag:$0x6], $0x2000, s14, s13, $0x38  }
.Ltmp11:
0x248: {  	(pc) =	sbr.rel .LBB2_2-.Ltmp11, $4  }
0x249: {  	s2 =	sadd.s32 $0x380, s30  }
0x24a: {  	[tilespmem:s29], [sflag:$0x4] =	stream.indirect.gather [hbm4b:s4+s17], $0x20, s2, s17, $0xb8;
	[tilespmem:$0x18800] =	vst v63  }
0x24b: {  	s30 =	sadd.s32 $0x6780, s30;
	s28 =	sadd.s32 $0x1, s28;
	v29 =	vld [tilespmem:$0x1FFE0]  }
0x24c: {  	v33 =	vld [tilespmem:$0x1FFF0];
	[tilespmem:s31], [sflag:$0x4] =	stream.indirect.gather [hbm4b:s6+s17], $0x20, s30, s17, $0xb8  }
.LBB2_21:
0x24d: {  	_ =	sfence.sel $0x180000  }
0x24e: {  	[bflag:$0x0] =	sbarrier.arrive $0xFFFF  }
0x24f: {  	_ =	strace $0x90000047  }
0x250: {  	s0 =	stileid.u32;
	[bflag:$0x2] =	sbarrier.arrive $0xFFFF  }
0x251: {  	p0 =	sne.s32 s0, $0x0;
	s0 =	rddreg [dreg:$0x4]  }
0x252: {  	s0 =	sadd.s32 @!p0 $0x100000, s0  }
0x253: {  	[sflag:s0] =	ssyncadd.tile.s32 @!p0 $0x1;
	_ =	shalt  }
.Lfunc_end2:
_tile_overlayer_lowered:
.L_overlay_start_2:
0x254: {  	(tag) =	ssettag $0x2  }
0x255: {  	s0 =	rddreg [dreg:$0x0];
	s2 =	stileid.u32  }
0x256: {  	s1 =	rddreg [dreg:$0x1];
	p0 =	sne.s32 s2, $0x0  }
0x257: {  	s3 =	rddreg [dreg:$0x2];
	[bflag:$0x3] =	sbarrier.arrive $0xFFFF;
	s2 =	simm.s32 @!p0 $0x1C07  }
0x258: {  	[timem:s3], [sflag:s2] =	dma.local @!p0 [hbm:s0], s1  }
0x259: {  	s0 =	simm.s32 @!p0 $0x7  }
0x25a: {  	_ =	swait.ge @!p0 [sflag:s0], s1  }
0x25b: {  	s1 =	ssub.s32 @!p0 $0x0, s1;
	[sflag:s0] =	ssyncset.done @!p0 $0x0  }
0x25c: {  	[sflag:s0] =	ssyncadd.s32 @!p0 s1  }
0x25d: {  	[bflag:$0x3] =	sbarrier.arrive $0xFFFF  }
0x25e: {  	_ =	shalt  }

</sc_bundles>
